<compile_context>
chip_gen: v7x
topology: tpu7x:2x2x1
jax: 0.10.2.dev20260603
libtpu: 0.0.44.dev20260713+nightly
codegen_flags: <defaults>
</compile_context>

<pallas_src>
import functools

import jax
import jax.numpy as jnp
from jax import lax
from jax.experimental import pallas as pl
from jax.experimental.pallas import tpu as pltpu
from jax.experimental.pallas import tpu_sc as plsc

_N = 10000
_E = 320000
_NC = 2
_NS = 16
_NW = _NC * _NS
_L = 16
_N2 = 2 * _N

_DCH = 19968
_DBUF = _E - (_NS - 1) * _DCH
_MCH = _DCH // 2
_MBUF = _DBUF // 2

_NH = 10240
_STR = _NH // _NS


def _sc_mesh():
    return plsc.VectorSubcoreMesh(
        core_axis_name="c", subcore_axis_name="s",
        num_cores=_NC, num_subcores=_NS)


def _zero_vmem(ref, n):
    zv = jnp.zeros((_L,), jnp.float32)

    @plsc.parallel_loop(0, n // _L, unroll=16)
    def _(i):
        ref[pl.ds(i * _L, _L)] = zv


def _newton_rsqrt(x):
    i = plsc.bitcast(x, jnp.int32)
    y = plsc.bitcast(jnp.int32(0x5F3759DF) - (i >> 1), jnp.float32)
    for _ in range(3):
        y = y * (1.5 - 0.5 * x * y * y)
    return y



def _sc_body(el_hbm, w_hbm, h2_hbm, b1_hbm, out_hbm,
             rc_v, w_v, dd_v, tmp2_v, g0_v, g1_v, acc_v, hs_v, b1_v,
             ds_v, g0s_v, g1s_v,
             spm_deg, spm_dis, spm_g0, spm_g1, sem):
    cid = lax.axis_index("c")
    sid = lax.axis_index("s")
    wid = sid * _NC + cid

    dbase = sid * _DCH
    mlen = jnp.where(sid == _NS - 1, _MBUF, _MCH)
    nb = sid * _STR

    hbase_a = pl.multiple_of(dbase + (1 - cid) * mlen, 128)
    hbase_b = pl.multiple_of(dbase + cid * mlen, 128)

    cps = [
        pltpu.async_copy(el_hbm.at[:, pl.ds(hbase_a, _MBUF)], rc_v, sem),
        pltpu.async_copy(w_hbm.at[pl.ds(hbase_a, _MBUF)], w_v, sem),
        pltpu.async_copy(h2_hbm.at[:, pl.ds(nb, _STR)], hs_v, sem),
        pltpu.async_copy(b1_hbm.at[0], b1_v, sem),
    ]
    _zero_vmem(dd_v, _NH)
    _zero_vmem(acc_v, _N2)
    for cp in cps:
        cp.wait()

    iota = lax.iota(jnp.int32, _L)
    zeros16 = jnp.zeros((_L,), jnp.int32)
    ones16 = jnp.ones((_L,), jnp.int32)

    def _deg_loop():
        @plsc.parallel_loop(0, _MBUF // _L, unroll=16)
        def _(i):
            o = i * _L
            mask = (o + iota) < mlen
            c = rc_v[1, pl.ds(o, _L)]
            ww = w_v[pl.ds(o, _L)]
            plsc.addupdate_scatter(dd_v, [c], ww, mask=mask)

    _deg_loop()
    cp1 = pltpu.async_copy(el_hbm.at[:, pl.ds(hbase_b, _MBUF)], rc_v, sem)
    cp2 = pltpu.async_copy(w_hbm.at[pl.ds(hbase_b, _MBUF)], w_v, sem)
    cp1.wait()
    cp2.wait()
    _deg_loop()

    pltpu.sync_copy(dd_v, spm_deg.at[sid])
    plsc.subcore_barrier()
    pltpu.sync_copy(spm_deg.at[:, pl.ds(nb, _STR)], tmp2_v)

    @plsc.parallel_loop(0, _STR // _L, unroll=4)
    def _(j):
        o = j * _L
        deg = tmp2_v[0, pl.ds(o, _L)]
        for k in range(1, _NS):
            deg = deg + tmp2_v[k, pl.ds(o, _L)]
        dis = _newton_rsqrt(deg + 1.0)
        ds_v[pl.ds(o, _L)] = dis
        g0s_v[pl.ds(o, _L)] = dis * hs_v[0, pl.ds(o, _L)]
        g1s_v[pl.ds(o, _L)] = dis * hs_v[1, pl.ds(o, _L)]

    pltpu.sync_copy(ds_v, spm_dis.at[pl.ds(nb, _STR)])
    pltpu.sync_copy(g0s_v, spm_g0.at[pl.ds(nb, _STR)])
    pltpu.sync_copy(g1s_v, spm_g1.at[pl.ds(nb, _STR)])
    plsc.subcore_barrier()
    pltpu.sync_copy(spm_dis, dd_v)
    pltpu.sync_copy(spm_g0, g0_v)
    pltpu.sync_copy(spm_g1, g1_v)

    @pl.when(cid == 0)
    def _():
        b0 = plsc.load_gather(b1_v, [zeros16])
        b1b = plsc.load_gather(b1_v, [ones16])

        @plsc.parallel_loop(0, _STR // _L, unroll=4)
        def _(j):
            jj = j * _L
            n16 = nb + jj + iota
            mask = n16 < _N
            n2 = n16 * 2
            s0 = dd_v[pl.ds(nb + jj, _L)] * g0_v[pl.ds(nb + jj, _L)] + b0
            s1 = dd_v[pl.ds(nb + jj, _L)] * g1_v[pl.ds(nb + jj, _L)] + b1b
            plsc.store_scatter(acc_v, [n2], s0, mask=mask)
            plsc.store_scatter(acc_v, [n2 + 1], s1, mask=mask)

    @plsc.parallel_loop(0, _MBUF // _L, unroll=16)
    def _(i):
        o = i * _L
        mask = (o + iota) < mlen
        r = rc_v[0, pl.ds(o, _L)]
        c = rc_v[1, pl.ds(o, _L)]
        ww = w_v[pl.ds(o, _L)]
        wd = ww * plsc.load_gather(dd_v, [c])
        m0 = wd * plsc.load_gather(g0_v, [r])
        m1 = wd * plsc.load_gather(g1_v, [r])
        c2 = c * 2
        plsc.addupdate_scatter(acc_v, [c2], m0, mask=mask)
        plsc.addupdate_scatter(acc_v, [c2 + 1], m1, mask=mask)

    pltpu.sync_copy(acc_v, out_hbm.at[wid])


_sc_call = functools.partial(
    pl.kernel,
    out_type=jax.ShapeDtypeStruct((_NW, _N2), jnp.float32),
    mesh=_sc_mesh(),
    compiler_params=pltpu.CompilerParams(needs_layout_passes=False),
    scratch_types=[
        pltpu.VMEM((2, _MBUF), jnp.int32),
        pltpu.VMEM((_MBUF,), jnp.float32),
        pltpu.VMEM((_NH,), jnp.float32),
        pltpu.VMEM((_NS, _STR), jnp.float32),
        pltpu.VMEM((_NH,), jnp.float32),
        pltpu.VMEM((_NH,), jnp.float32),
        pltpu.VMEM((_N2,), jnp.float32),
        pltpu.VMEM((2, _STR), jnp.float32),
        pltpu.VMEM((_L,), jnp.float32),
        pltpu.VMEM((_STR,), jnp.float32),
        pltpu.VMEM((_STR,), jnp.float32),
        pltpu.VMEM((_STR,), jnp.float32),
        pltpu.VMEM_SHARED((_NS, _NH), jnp.float32),
        pltpu.VMEM_SHARED((_NH,), jnp.float32),
        pltpu.VMEM_SHARED((_NH,), jnp.float32),
        pltpu.VMEM_SHARED((_NH,), jnp.float32),
        pltpu.SemaphoreType.DMA,
    ],
)(_sc_body)



def _mm_body(x_ref, w1_ref, h_ref):
    h = lax.dot_general(
        w1_ref[...], x_ref[...], (((0,), (1,)), ((), ())),
        preferred_element_type=jnp.float32)
    h_ref[...] = jnp.pad(h, ((0, 0), (0, _NH - _N)))


def _mm_call(x, w1):
    return pl.pallas_call(
        _mm_body,
        out_shape=jax.ShapeDtypeStruct((2, _NH), jnp.float32),
    )(x, w1)



def _final_body(ap_ref, wfc_ref, bfc_ref, y_ref):
    out = jnp.maximum(jnp.sum(ap_ref[...], axis=0, keepdims=True), 0.0)
    s = jnp.sum(out * wfc_ref[...], keepdims=True).reshape(1, 1)
    y_ref[...] = jax.nn.sigmoid(s + bfc_ref[...])


def _final_call(ap, wfc, bfc):
    return pl.pallas_call(
        _final_body,
        out_shape=jax.ShapeDtypeStruct((1, 1), jnp.float32),
    )(ap, wfc, bfc)



def kernel(x, edge_list, edge_attr, W1, b1, W_fc, b_fc):
    h2 = _mm_call(x, W1)
    b1p = jnp.pad(b1, (0, _L - 2)).reshape(1, _L)
    ap = _sc_call(edge_list, edge_attr, h2, b1p)
    y = _final_call(ap, W_fc, b_fc.reshape(1, 1))
    return y[0, 0]

# --- scband reference (transcript-rebuilt; emitter-appended) ---
"""Pipeline reference for scband-discriminator-86990267613263 (READ-ONLY COPY).

The authoritative reference and input builder live on the scoring server;
editing this copy changes nothing except your own understanding.
"""

import jax, jax.numpy as jnp
import numpy as np

N = 10000
F_IN = 128
F_OUT = 2
E = 320000


def setup_inputs(seed: int = 0) -> dict:
    key = jax.random.key(seed)
    ks = jax.random.split(key, 7)
    x = jax.random.normal(ks[0], (N, F_IN), dtype=jnp.float32)
    edge_list = jax.random.randint(ks[1], (2, E), 0, N, dtype=jnp.int32)
    edge_attr = jax.random.uniform(ks[2], (E,), dtype=jnp.float32)
    # GCNConv params: lin weight [F_IN, F_OUT] (applied as x @ W1), bias [F_OUT]
    W1 = jax.random.normal(ks[3], (F_IN, F_OUT), dtype=jnp.float32) * (1.0 / np.sqrt(F_IN))
    b1 = jnp.zeros((F_OUT,), dtype=jnp.float32)
    # fc: Linear(n_nodes*2, 1)
    W_fc = jax.random.normal(ks[4], (1, N * F_OUT), dtype=jnp.float32) * (1.0 / np.sqrt(N * F_OUT))
    b_fc = jnp.zeros((1,), dtype=jnp.float32)
    return {"x": x, "edge_list": edge_list, "edge_attr": edge_attr,
            "W1": W1, "b1": b1, "W_fc": W_fc, "b_fc": b_fc}


def reference(x, edge_list, edge_attr, W1, b1, W_fc, b_fc):
    # --- GCNConv(F_IN, F_OUT) with edge_weight = edge_attr ---
    row = edge_list[0]
    col = edge_list[1]
    # add self loops with fill_value = 1.0
    loop = jnp.arange(N, dtype=row.dtype)
    row_sl = jnp.concatenate([row, loop])
    col_sl = jnp.concatenate([col, loop])
    w = jnp.concatenate([edge_attr, jnp.ones((N,), dtype=edge_attr.dtype)])
    # symmetric gcn normalization
    deg = jnp.zeros((N,), dtype=w.dtype).at[col_sl].add(w)
    deg_inv_sqrt = jnp.where(deg > 0, jax.lax.rsqrt(jnp.maximum(deg, 1e-12)), 0.0)
    norm = deg_inv_sqrt[row_sl] * w * deg_inv_sqrt[col_sl]
    # linear transform then propagate (source_to_target: gather at row, scatter-add at col)
    h = x @ W1
    msg = norm[:, None] * h[row_sl]
    out = jnp.zeros((N, F_OUT), dtype=h.dtype).at[col_sl].add(msg)
    out = out + b1
    # --- Discriminator head (training=False: noise and dropout are no-ops) ---
    out = jax.nn.relu(out)
    flat = out.reshape(-1)
    y = flat @ W_fc.T + b_fc
    y = jax.nn.sigmoid(y)
    return jnp.squeeze(y)

if __name__ == "__main__":
    import jax
    _d = setup_inputs()
    print(jax.jit(kernel)(*tuple(_d.values())))

</pallas_src>

<mosaic_0001>
#map = affine_map<(d0, d1) -> (0, 0)>
#map1 = affine_map<(d0, d1) -> (0)>
module attributes {stable_mosaic.version = 14 : i64} {
  func.func @_sc_body(%arg0: i32, %arg1: i32, %arg2: memref<2x320000xi32, #tpu.memory_space<hbm>>, %arg3: memref<320000xf32, #tpu.memory_space<hbm>>, %arg4: memref<2x10240xf32, #tpu.memory_space<hbm>>, %arg5: memref<1x16xf32, #tpu.memory_space<hbm>>, %arg6: memref<32x20000xf32, #tpu.memory_space<hbm>>, %arg7: memref<2x10240xi32, #tpu.memory_space<vmem>>, %arg8: memref<10240xf32, #tpu.memory_space<vmem>>, %arg9: memref<10240xf32, #tpu.memory_space<vmem>>, %arg10: memref<16x640xf32, #tpu.memory_space<vmem>>, %arg11: memref<10240xf32, #tpu.memory_space<vmem>>, %arg12: memref<10240xf32, #tpu.memory_space<vmem>>, %arg13: memref<20000xf32, #tpu.memory_space<vmem>>, %arg14: memref<2x640xf32, #tpu.memory_space<vmem>>, %arg15: memref<16xf32, #tpu.memory_space<vmem>>, %arg16: memref<640xf32, #tpu.memory_space<vmem>>, %arg17: memref<640xf32, #tpu.memory_space<vmem>>, %arg18: memref<640xf32, #tpu.memory_space<vmem>>, %arg19: memref<16x10240xf32, #tpu.memory_space<vmem_shared>>, %arg20: memref<10240xf32, #tpu.memory_space<vmem_shared>>, %arg21: memref<10240xf32, #tpu.memory_space<vmem_shared>>, %arg22: memref<10240xf32, #tpu.memory_space<vmem_shared>>, %arg23: memref<!tpu.dma_semaphore, #tpu.memory_space<semaphore_mem>>) attributes {dimension_semantics = [#tpu.dimension_semantics<core_parallel>, #tpu.dimension_semantics<subcore_parallel>], iteration_bounds = array<i64: 2, 16>, scalar_prefetch = 0 : i64, scratch_operands = 17 : i64, tpu.core_type = #tpu.core_type<sc_vector_subcore>, window_params = [{transform_indices = #map}, {transform_indices = #map1}, {transform_indices = #map}, {transform_indices = #map}, {transform_indices = #map}]} {
    %mul3A = arith.constant 2 : i32
    %mul3A_0 = arith.muli %arg1, %mul3A : i32
    %add3A = arith.addi %mul3A_0, %arg0 : i32
    %mul3A_1 = arith.constant 19968 : i32
    %mul3A_2 = arith.muli %arg1, %mul3A_1 : i32
    %eq3A = arith.constant 15 : i32
    %eq3A_3 = arith.cmpi eq, %arg1, %eq3A : i32
    %jit3A = arith.constant 10240 : i32
    %jit3A_4 = arith.constant 9984 : i32
    %select_n3A = arith.select %eq3A_3, %jit3A, %jit3A_4 : i32
    %mul3A_5 = arith.constant 640 : i32
    %mul3A_6 = arith.muli %arg1, %mul3A_5 : i32
    %sub3A = arith.constant 1 : i32
    %sub3A_7 = arith.subi %sub3A, %arg0 : i32
    %mul3A_8 = arith.muli %sub3A_7, %select_n3A : i32
    %add3A_9 = arith.addi %mul3A_2, %mul3A_8 : i32
    %multiple_of3A = tpu.assume_multiple %add3A_9, 128 : i32
    %mul3A_10 = arith.muli %arg0, %select_n3A : i32
    %add3A_11 = arith.addi %mul3A_2, %mul3A_10 : i32
    %multiple_of3A_12 = tpu.assume_multiple %add3A_11, 128 : i32
    %dma_start3A = arith.constant 0 : i32
    %dma_start3A_13 = tpu.memref_slice %arg2[%dma_start3A, %multiple_of3A] : memref<2x320000xi32, #tpu.memory_space<hbm>> -> memref<2x10240xi32, #tpu.memory_space<hbm>>
    %dma_start3A_14 = arith.constant 0 : i32
    %dma_start3A_15 = tpu.memref_slice %arg2[%dma_start3A_14, %multiple_of3A] : memref<2x320000xi32, #tpu.memory_space<hbm>> -> memref<2x10240xi32, #tpu.memory_space<hbm>>
    tpu.enqueue_dma source(%dma_start3A_15 : memref<2x10240xi32, #tpu.memory_space<hbm>>) target(%arg7 : memref<2x10240xi32, #tpu.memory_space<vmem>>) target_semaphore(%arg23 : memref<!tpu.dma_semaphore, #tpu.memory_space<semaphore_mem>>)
    %dma_start3A_16 = tpu.memref_slice %arg3[%multiple_of3A] : memref<320000xf32, #tpu.memory_space<hbm>> -> memref<10240xf32, #tpu.memory_space<hbm>>
    %dma_start3A_17 = tpu.memref_slice %arg3[%multiple_of3A] : memref<320000xf32, #tpu.memory_space<hbm>> -> memref<10240xf32, #tpu.memory_space<hbm>>
    tpu.enqueue_dma source(%dma_start3A_17 : memref<10240xf32, #tpu.memory_space<hbm>>) target(%arg8 : memref<10240xf32, #tpu.memory_space<vmem>>) target_semaphore(%arg23 : memref<!tpu.dma_semaphore, #tpu.memory_space<semaphore_mem>>)
    %dma_start3A_18 = arith.constant 0 : i32
    %dma_start3A_19 = tpu.memref_slice %arg4[%dma_start3A_18, %mul3A_6] : memref<2x10240xf32, #tpu.memory_space<hbm>> -> memref<2x640xf32, #tpu.memory_space<hbm>>
    %dma_start3A_20 = arith.constant 0 : i32
    %dma_start3A_21 = tpu.memref_slice %arg4[%dma_start3A_20, %mul3A_6] : memref<2x10240xf32, #tpu.memory_space<hbm>> -> memref<2x640xf32, #tpu.memory_space<hbm>>
    tpu.enqueue_dma source(%dma_start3A_21 : memref<2x640xf32, #tpu.memory_space<hbm>>) target(%arg14 : memref<2x640xf32, #tpu.memory_space<vmem>>) target_semaphore(%arg23 : memref<!tpu.dma_semaphore, #tpu.memory_space<semaphore_mem>>)
    %dma_start3A_22 = arith.constant 0 : i32
    %dma_start3A_23 = arith.constant 0 : i32
    %dma_start3A_24 = tpu.memref_slice %arg5[%dma_start3A_22, %dma_start3A_23] : memref<1x16xf32, #tpu.memory_space<hbm>> -> memref<1x16xf32, #tpu.memory_space<hbm>>
    %dma_start3A_25 = tpu.memref_squeeze %dma_start3A_24 : memref<1x16xf32, #tpu.memory_space<hbm>> -> memref<16xf32, #tpu.memory_space<hbm>>
    %dma_start3A_26 = arith.constant 0 : i32
    %dma_start3A_27 = tpu.memref_slice %arg5[%dma_start3A_22, %dma_start3A_26] : memref<1x16xf32, #tpu.memory_space<hbm>> -> memref<1x16xf32, #tpu.memory_space<hbm>>
    %dma_start3A_28 = tpu.memref_squeeze %dma_start3A_27 : memref<1x16xf32, #tpu.memory_space<hbm>> -> memref<16xf32, #tpu.memory_space<hbm>>
    tpu.enqueue_dma source(%dma_start3A_28 : memref<16xf32, #tpu.memory_space<hbm>>) target(%arg15 : memref<16xf32, #tpu.memory_space<vmem>>) target_semaphore(%arg23 : memref<!tpu.dma_semaphore, #tpu.memory_space<semaphore_mem>>)
    %broadcast_in_dim3A = arith.constant 0.000000e+00 : f32
    %broadcast_in_dim3A_29 = vector.broadcast %broadcast_in_dim3A : f32 to vector<16xf32>
    %parallel_loop3A = arith.constant 0 : i32
    %parallel_loop3A_30 = arith.constant 640 : i32
    %parallel_loop3A_31 = arith.constant 1 : i32
    scf.for %parallel_loop3A_85 = %parallel_loop3A to %parallel_loop3A_30 step %parallel_loop3A_31  : i32 {
      %parallel_loop3A_86 = arith.constant 16 : i32
      %parallel_loop3A_87 = arith.muli %parallel_loop3A_85, %parallel_loop3A_86 : i32
      %parallel_loop3A_88 = arith.index_cast %parallel_loop3A_87 : i32 to index
      %parallel_loop3A_89 = tpu.vector_load %arg9[%parallel_loop3A_88] {strides = array<i32>} : memref<10240xf32, #tpu.memory_space<vmem>>, vector<16xf32>,
      tpu.vector_store %arg9[%parallel_loop3A_88], %broadcast_in_dim3A_29 {strides = array<i32>} : memref<10240xf32, #tpu.memory_space<vmem>>, vector<16xf32>,
    } {sc.loop_unroll_factor = 16 : i64, sc.parallel_access}
    %broadcast_in_dim3A_32 = arith.constant 0.000000e+00 : f32
    %broadcast_in_dim3A_33 = vector.broadcast %broadcast_in_dim3A_32 : f32 to vector<16xf32>
    %parallel_loop3A_34 = arith.constant 0 : i32
    %parallel_loop3A_35 = arith.constant 1250 : i32
    %parallel_loop3A_36 = arith.constant 1 : i32
    scf.for %parallel_loop3A_85 = %parallel_loop3A_34 to %parallel_loop3A_35 step %parallel_loop3A_36  : i32 {
      %parallel_loop3A_86 = arith.constant 16 : i32
      %parallel_loop3A_87 = arith.muli %parallel_loop3A_85, %parallel_loop3A_86 : i32
      %parallel_loop3A_88 = arith.index_cast %parallel_loop3A_87 : i32 to index
      %parallel_loop3A_89 = tpu.vector_load %arg13[%parallel_loop3A_88] {strides = array<i32>} : memref<20000xf32, #tpu.memory_space<vmem>>, vector<16xf32>,
      tpu.vector_store %arg13[%parallel_loop3A_88], %broadcast_in_dim3A_33 {strides = array<i32>} : memref<20000xf32, #tpu.memory_space<vmem>>, vector<16xf32>,
    } {sc.loop_unroll_factor = 16 : i64, sc.parallel_access}
    %dma_wait3A = arith.constant 0 : i32
    %dma_wait3A_37 = tpu.memref_slice %arg2[%dma_wait3A, %multiple_of3A] : memref<2x320000xi32, #tpu.memory_space<hbm>> -> memref<2x10240xi32, #tpu.memory_space<hbm>>
    %dma_wait3A_38 = arith.constant 0 : i32
    %dma_wait3A_39 = tpu.memref_slice %arg2[%dma_wait3A_38, %multiple_of3A] : memref<2x320000xi32, #tpu.memory_space<hbm>> -> memref<2x10240xi32, #tpu.memory_space<hbm>>
    tpu.wait_dma2 semaphore(%arg23 : memref<!tpu.dma_semaphore, #tpu.memory_space<semaphore_mem>>) src(%dma_wait3A_39 : memref<2x10240xi32, #tpu.memory_space<hbm>>) dst(%arg7 : memref<2x10240xi32, #tpu.memory_space<vmem>>)
    %dma_wait3A_40 = tpu.memref_slice %arg3[%multiple_of3A] : memref<320000xf32, #tpu.memory_space<hbm>> -> memref<10240xf32, #tpu.memory_space<hbm>>
    %dma_wait3A_41 = tpu.memref_slice %arg3[%multiple_of3A] : memref<320000xf32, #tpu.memory_space<hbm>> -> memref<10240xf32, #tpu.memory_space<hbm>>
    tpu.wait_dma2 semaphore(%arg23 : memref<!tpu.dma_semaphore, #tpu.memory_space<semaphore_mem>>) src(%dma_wait3A_41 : memref<10240xf32, #tpu.memory_space<hbm>>) dst(%arg8 : memref<10240xf32, #tpu.memory_space<vmem>>)
    %dma_wait3A_42 = arith.constant 0 : i32
    %dma_wait3A_43 = tpu.memref_slice %arg4[%dma_wait3A_42, %mul3A_6] : memref<2x10240xf32, #tpu.memory_space<hbm>> -> memref<2x640xf32, #tpu.memory_space<hbm>>
    %dma_wait3A_44 = arith.constant 0 : i32
    %dma_wait3A_45 = tpu.memref_slice %arg4[%dma_wait3A_44, %mul3A_6] : memref<2x10240xf32, #tpu.memory_space<hbm>> -> memref<2x640xf32, #tpu.memory_space<hbm>>
    tpu.wait_dma2 semaphore(%arg23 : memref<!tpu.dma_semaphore, #tpu.memory_space<semaphore_mem>>) src(%dma_wait3A_45 : memref<2x640xf32, #tpu.memory_space<hbm>>) dst(%arg14 : memref<2x640xf32, #tpu.memory_space<vmem>>)
    %dma_wait3A_46 = arith.constant 0 : i32
    %dma_wait3A_47 = arith.constant 0 : i32
    %dma_wait3A_48 = tpu.memref_slice %arg5[%dma_wait3A_46, %dma_wait3A_47] : memref<1x16xf32, #tpu.memory_space<hbm>> -> memref<1x16xf32, #tpu.memory_space<hbm>>
    %dma_wait3A_49 = tpu.memref_squeeze %dma_wait3A_48 : memref<1x16xf32, #tpu.memory_space<hbm>> -> memref<16xf32, #tpu.memory_space<hbm>>
    %dma_wait3A_50 = arith.constant 0 : i32
    %dma_wait3A_51 = tpu.memref_slice %arg5[%dma_wait3A_46, %dma_wait3A_50] : memref<1x16xf32, #tpu.memory_space<hbm>> -> memref<1x16xf32, #tpu.memory_space<hbm>>
    %dma_wait3A_52 = tpu.memref_squeeze %dma_wait3A_51 : memref<1x16xf32, #tpu.memory_space<hbm>> -> memref<16xf32, #tpu.memory_space<hbm>>
    tpu.wait_dma2 semaphore(%arg23 : memref<!tpu.dma_semaphore, #tpu.memory_space<semaphore_mem>>) src(%dma_wait3A_52 : memref<16xf32, #tpu.memory_space<hbm>>) dst(%arg15 : memref<16xf32, #tpu.memory_space<vmem>>)
    %iota3A = tpu.iota {dimensions = array<i32: 0>} : vector<16xi32>
    %broadcast_in_dim3A_53 = arith.constant 0 : i32
    %broadcast_in_dim3A_54 = vector.broadcast %broadcast_in_dim3A_53 : i32 to vector<16xi32>
    %broadcast_in_dim3A_55 = arith.constant 1 : i32
    %broadcast_in_dim3A_56 = vector.broadcast %broadcast_in_dim3A_55 : i32 to vector<16xi32>
    %parallel_loop3A_57 = arith.constant 0 : i32
    %parallel_loop3A_58 = arith.constant 640 : i32
    %parallel_loop3A_59 = arith.constant 1 : i32
    scf.for %parallel_loop3A_85 = %parallel_loop3A_57 to %parallel_loop3A_58 step %parallel_loop3A_59  : i32 {
      %parallel_loop3A_86 = arith.constant 16 : i32
      %parallel_loop3A_87 = arith.muli %parallel_loop3A_85, %parallel_loop3A_86 : i32
      %parallel_loop3A_88 = vector.broadcast %parallel_loop3A_87 : i32 to vector<16xi32>
      %parallel_loop3A_89 = arith.addi %parallel_loop3A_88, %iota3A : vector<16xi32>
      %parallel_loop3A_90 = vector.broadcast %select_n3A : i32 to vector<16xi32>
      %parallel_loop3A_91 = arith.cmpi slt, %parallel_loop3A_89, %parallel_loop3A_90 : vector<16xi32>
      %parallel_loop3A_92 = arith.constant 1 : i32
      %parallel_loop3A_93 = arith.index_cast %parallel_loop3A_92 : i32 to index
      %parallel_loop3A_94 = arith.index_cast %parallel_loop3A_87 : i32 to index
      %parallel_loop3A_95 = tpu.vector_load %arg7[%parallel_loop3A_93, %parallel_loop3A_94] {strides = array<i32>} : memref<2x10240xi32, #tpu.memory_space<vmem>>, vector<16xi32>,
      %parallel_loop3A_96 = arith.index_cast %parallel_loop3A_87 : i32 to index
      %parallel_loop3A_97 = tpu.vector_load %arg8[%parallel_loop3A_96] {strides = array<i32>} : memref<10240xf32, #tpu.memory_space<vmem>>, vector<16xf32>,
      tpu.vector_store_idx %arg9[%parallel_loop3A_95], %parallel_loop3A_97 masked %parallel_loop3A_91 {add = true} : memref<10240xf32, #tpu.memory_space<vmem>>[vector<16xi32>], vector<16xf32>, vector<16xi1>
    } {sc.loop_unroll_factor = 16 : i64, sc.parallel_access}
    %dma_start3A_60 = arith.constant 0 : i32
    %dma_start3A_61 = tpu.memref_slice %arg2[%dma_start3A_60, %multiple_of3A_12] : memref<2x320000xi32, #tpu.memory_space<hbm>> -> memref<2x10240xi32, #tpu.memory_space<hbm>>
    %dma_start3A_62 = arith.constant 0 : i32
    %dma_start3A_63 = tpu.memref_slice %arg2[%dma_start3A_62, %multiple_of3A_12] : memref<2x320000xi32, #tpu.memory_space<hbm>> -> memref<2x10240xi32, #tpu.memory_space<hbm>>
    tpu.enqueue_dma source(%dma_start3A_63 : memref<2x10240xi32, #tpu.memory_space<hbm>>) target(%arg7 : memref<2x10240xi32, #tpu.memory_space<vmem>>) target_semaphore(%arg23 : memref<!tpu.dma_semaphore, #tpu.memory_space<semaphore_mem>>)
    %dma_start3A_64 = tpu.memref_slice %arg3[%multiple_of3A_12] : memref<320000xf32, #tpu.memory_space<hbm>> -> memref<10240xf32, #tpu.memory_space<hbm>>
    %dma_start3A_65 = tpu.memref_slice %arg3[%multiple_of3A_12] : memref<320000xf32, #tpu.memory_space<hbm>> -> memref<10240xf32, #tpu.memory_space<hbm>>
    tpu.enqueue_dma source(%dma_start3A_65 : memref<10240xf32, #tpu.memory_space<hbm>>) target(%arg8 : memref<10240xf32, #tpu.memory_space<vmem>>) target_semaphore(%arg23 : memref<!tpu.dma_semaphore, #tpu.memory_space<semaphore_mem>>)
    %dma_wait3A_66 = arith.constant 0 : i32
    %dma_wait3A_67 = tpu.memref_slice %arg2[%dma_wait3A_66, %multiple_of3A_12] : memref<2x320000xi32, #tpu.memory_space<hbm>> -> memref<2x10240xi32, #tpu.memory_space<hbm>>
    %dma_wait3A_68 = arith.constant 0 : i32
    %dma_wait3A_69 = tpu.memref_slice %arg2[%dma_wait3A_68, %multiple_of3A_12] : memref<2x320000xi32, #tpu.memory_space<hbm>> -> memref<2x10240xi32, #tpu.memory_space<hbm>>
    tpu.wait_dma2 semaphore(%arg23 : memref<!tpu.dma_semaphore, #tpu.memory_space<semaphore_mem>>) src(%dma_wait3A_69 : memref<2x10240xi32, #tpu.memory_space<hbm>>) dst(%arg7 : memref<2x10240xi32, #tpu.memory_space<vmem>>)
    %dma_wait3A_70 = tpu.memref_slice %arg3[%multiple_of3A_12] : memref<320000xf32, #tpu.memory_space<hbm>> -> memref<10240xf32, #tpu.memory_space<hbm>>
    %dma_wait3A_71 = tpu.memref_slice %arg3[%multiple_of3A_12] : memref<320000xf32, #tpu.memory_space<hbm>> -> memref<10240xf32, #tpu.memory_space<hbm>>
    tpu.wait_dma2 semaphore(%arg23 : memref<!tpu.dma_semaphore, #tpu.memory_space<semaphore_mem>>) src(%dma_wait3A_71 : memref<10240xf32, #tpu.memory_space<hbm>>) dst(%arg8 : memref<10240xf32, #tpu.memory_space<vmem>>)
    %parallel_loop3A_72 = arith.constant 0 : i32
    %parallel_loop3A_73 = arith.constant 640 : i32
    %parallel_loop3A_74 = arith.constant 1 : i32
    scf.for %parallel_loop3A_85 = %parallel_loop3A_72 to %parallel_loop3A_73 step %parallel_loop3A_74  : i32 {
      %parallel_loop3A_86 = arith.constant 16 : i32
      %parallel_loop3A_87 = arith.muli %parallel_loop3A_85, %parallel_loop3A_86 : i32
      %parallel_loop3A_88 = vector.broadcast %parallel_loop3A_87 : i32 to vector<16xi32>
      %parallel_loop3A_89 = arith.addi %parallel_loop3A_88, %iota3A : vector<16xi32>
      %parallel_loop3A_90 = vector.broadcast %select_n3A : i32 to vector<16xi32>
      %parallel_loop3A_91 = arith.cmpi slt, %parallel_loop3A_89, %parallel_loop3A_90 : vector<16xi32>
      %parallel_loop3A_92 = arith.constant 1 : i32
      %parallel_loop3A_93 = arith.index_cast %parallel_loop3A_92 : i32 to index
      %parallel_loop3A_94 = arith.index_cast %parallel_loop3A_87 : i32 to index
      %parallel_loop3A_95 = tpu.vector_load %arg7[%parallel_loop3A_93, %parallel_loop3A_94] {strides = array<i32>} : memref<2x10240xi32, #tpu.memory_space<vmem>>, vector<16xi32>,
      %parallel_loop3A_96 = arith.index_cast %parallel_loop3A_87 : i32 to index
      %parallel_loop3A_97 = tpu.vector_load %arg8[%parallel_loop3A_96] {strides = array<i32>} : memref<10240xf32, #tpu.memory_space<vmem>>, vector<16xf32>,
      tpu.vector_store_idx %arg9[%parallel_loop3A_95], %parallel_loop3A_97 masked %parallel_loop3A_91 {add = true} : memref<10240xf32, #tpu.memory_space<vmem>>[vector<16xi32>], vector<16xf32>, vector<16xi1>
    } {sc.loop_unroll_factor = 16 : i64, sc.parallel_access}
    "tpu.region"() ({
      %run_scoped3A = tpu.sem_alloc : memref<!tpu.dma_semaphore, #tpu.memory_space<semaphore_mem>>
      %dma_start3A_85 = arith.constant 0 : i32
      %dma_start3A_86 = tpu.memref_slice %arg19[%arg1, %dma_start3A_85] : memref<16x10240xf32, #tpu.memory_space<vmem_shared>> -> memref<1x10240xf32, #tpu.memory_space<vmem_shared>>
      %dma_start3A_87 = tpu.memref_squeeze %dma_start3A_86 : memref<1x10240xf32, #tpu.memory_space<vmem_shared>> -> memref<10240xf32, #tpu.memory_space<vmem_shared>>
      %dma_start3A_88 = arith.constant 0 : i32
      %dma_start3A_89 = tpu.memref_slice %arg19[%arg1, %dma_start3A_88] : memref<16x10240xf32, #tpu.memory_space<vmem_shared>> -> memref<1x10240xf32, #tpu.memory_space<vmem_shared>>
      %dma_start3A_90 = tpu.memref_squeeze %dma_start3A_89 : memref<1x10240xf32, #tpu.memory_space<vmem_shared>> -> memref<10240xf32, #tpu.memory_space<vmem_shared>>
      tpu.enqueue_dma source(%arg9 : memref<10240xf32, #tpu.memory_space<vmem>>) target(%dma_start3A_90 : memref<10240xf32, #tpu.memory_space<vmem_shared>>) target_semaphore(%run_scoped3A : memref<!tpu.dma_semaphore, #tpu.memory_space<semaphore_mem>>)
      %dma_wait3A_91 = arith.constant 0 : i32
      %dma_wait3A_92 = tpu.memref_slice %arg19[%arg1, %dma_wait3A_91] : memref<16x10240xf32, #tpu.memory_space<vmem_shared>> -> memref<1x10240xf32, #tpu.memory_space<vmem_shared>>
      %dma_wait3A_93 = tpu.memref_squeeze %dma_wait3A_92 : memref<1x10240xf32, #tpu.memory_space<vmem_shared>> -> memref<10240xf32, #tpu.memory_space<vmem_shared>>
      %dma_wait3A_94 = arith.constant 0 : i32
      %dma_wait3A_95 = tpu.memref_slice %arg19[%arg1, %dma_wait3A_94] : memref<16x10240xf32, #tpu.memory_space<vmem_shared>> -> memref<1x10240xf32, #tpu.memory_space<vmem_shared>>
      %dma_wait3A_96 = tpu.memref_squeeze %dma_wait3A_95 : memref<1x10240xf32, #tpu.memory_space<vmem_shared>> -> memref<10240xf32, #tpu.memory_space<vmem_shared>>
      tpu.wait_dma2 semaphore(%run_scoped3A : memref<!tpu.dma_semaphore, #tpu.memory_space<semaphore_mem>>) src(%arg9 : memref<10240xf32, #tpu.memory_space<vmem>>) dst(%dma_wait3A_96 : memref<10240xf32, #tpu.memory_space<vmem_shared>>)
      tpu.yield
    }) : () -> ()
    %barrier3A = arith.constant 0 : index
    tpu.barrier barrier_id(%barrier3A)
    "tpu.region"() ({
      %run_scoped3A = tpu.sem_alloc : memref<!tpu.dma_semaphore, #tpu.memory_space<semaphore_mem>>
      %dma_start3A_85 = arith.constant 0 : i32
      %dma_start3A_86 = tpu.memref_slice %arg19[%dma_start3A_85, %mul3A_6] : memref<16x10240xf32, #tpu.memory_space<vmem_shared>> -> memref<16x640xf32, #tpu.memory_space<vmem_shared>>
      %dma_start3A_87 = arith.constant 0 : i32
      %dma_start3A_88 = tpu.memref_slice %arg19[%dma_start3A_87, %mul3A_6] : memref<16x10240xf32, #tpu.memory_space<vmem_shared>> -> memref<16x640xf32, #tpu.memory_space<vmem_shared>>
      tpu.enqueue_dma source(%dma_start3A_88 : memref<16x640xf32, #tpu.memory_space<vmem_shared>>) target(%arg10 : memref<16x640xf32, #tpu.memory_space<vmem>>) target_semaphore(%run_scoped3A : memref<!tpu.dma_semaphore, #tpu.memory_space<semaphore_mem>>)
      %dma_wait3A_89 = arith.constant 0 : i32
      %dma_wait3A_90 = tpu.memref_slice %arg19[%dma_wait3A_89, %mul3A_6] : memref<16x10240xf32, #tpu.memory_space<vmem_shared>> -> memref<16x640xf32, #tpu.memory_space<vmem_shared>>
      %dma_wait3A_91 = arith.constant 0 : i32
      %dma_wait3A_92 = tpu.memref_slice %arg19[%dma_wait3A_91, %mul3A_6] : memref<16x10240xf32, #tpu.memory_space<vmem_shared>> -> memref<16x640xf32, #tpu.memory_space<vmem_shared>>
      tpu.wait_dma2 semaphore(%run_scoped3A : memref<!tpu.dma_semaphore, #tpu.memory_space<semaphore_mem>>) src(%dma_wait3A_92 : memref<16x640xf32, #tpu.memory_space<vmem_shared>>) dst(%arg10 : memref<16x640xf32, #tpu.memory_space<vmem>>)
      tpu.yield
    }) : () -> ()
    %parallel_loop3A_75 = arith.constant 0 : i32
    %parallel_loop3A_76 = arith.constant 40 : i32
    %parallel_loop3A_77 = arith.constant 1 : i32
    scf.for %parallel_loop3A_85 = %parallel_loop3A_75 to %parallel_loop3A_76 step %parallel_loop3A_77  : i32 {
      %parallel_loop3A_86 = arith.constant 16 : i32
      %parallel_loop3A_87 = arith.muli %parallel_loop3A_85, %parallel_loop3A_86 : i32
      %parallel_loop3A_88 = arith.constant 0 : i32
      %parallel_loop3A_89 = arith.index_cast %parallel_loop3A_88 : i32 to index
      %parallel_loop3A_90 = arith.index_cast %parallel_loop3A_87 : i32 to index
      %parallel_loop3A_91 = tpu.vector_load %arg10[%parallel_loop3A_89, %parallel_loop3A_90] {strides = array<i32>} : memref<16x640xf32, #tpu.memory_space<vmem>>, vector<16xf32>,
      %parallel_loop3A_92 = arith.constant 1 : i32
      %parallel_loop3A_93 = arith.index_cast %parallel_loop3A_92 : i32 to index
      %parallel_loop3A_94 = arith.index_cast %parallel_loop3A_87 : i32 to index
      %parallel_loop3A_95 = tpu.vector_load %arg10[%parallel_loop3A_93, %parallel_loop3A_94] {strides = array<i32>} : memref<16x640xf32, #tpu.memory_space<vmem>>, vector<16xf32>,
      %parallel_loop3A_96 = arith.addf %parallel_loop3A_91, %parallel_loop3A_95 : vector<16xf32>
      %parallel_loop3A_97 = arith.constant 2 : i32
      %parallel_loop3A_98 = arith.index_cast %parallel_loop3A_97 : i32 to index
      %parallel_loop3A_99 = arith.index_cast %parallel_loop3A_87 : i32 to index
      %parallel_loop3A_100 = tpu.vector_load %arg10[%parallel_loop3A_98, %parallel_loop3A_99] {strides = array<i32>} : memref<16x640xf32, #tpu.memory_space<vmem>>, vector<16xf32>,
      %parallel_loop3A_101 = arith.addf %parallel_loop3A_96, %parallel_loop3A_100 : vector<16xf32>
      %parallel_loop3A_102 = arith.constant 3 : i32
      %parallel_loop3A_103 = arith.index_cast %parallel_loop3A_102 : i32 to index
      %parallel_loop3A_104 = arith.index_cast %parallel_loop3A_87 : i32 to index
      %parallel_loop3A_105 = tpu.vector_load %arg10[%parallel_loop3A_103, %parallel_loop3A_104] {strides = array<i32>} : memref<16x640xf32, #tpu.memory_space<vmem>>, vector<16xf32>,
      %parallel_loop3A_106 = arith.addf %parallel_loop3A_101, %parallel_loop3A_105 : vector<16xf32>
      %parallel_loop3A_107 = arith.constant 4 : i32
      %parallel_loop3A_108 = arith.index_cast %parallel_loop3A_107 : i32 to index
      %parallel_loop3A_109 = arith.index_cast %parallel_loop3A_87 : i32 to index
      %parallel_loop3A_110 = tpu.vector_load %arg10[%parallel_loop3A_108, %parallel_loop3A_109] {strides = array<i32>} : memref<16x640xf32, #tpu.memory_space<vmem>>, vector<16xf32>,
      %parallel_loop3A_111 = arith.addf %parallel_loop3A_106, %parallel_loop3A_110 : vector<16xf32>
      %parallel_loop3A_112 = arith.constant 5 : i32
      %parallel_loop3A_113 = arith.index_cast %parallel_loop3A_112 : i32 to index
      %parallel_loop3A_114 = arith.index_cast %parallel_loop3A_87 : i32 to index
      %parallel_loop3A_115 = tpu.vector_load %arg10[%parallel_loop3A_113, %parallel_loop3A_114] {strides = array<i32>} : memref<16x640xf32, #tpu.memory_space<vmem>>, vector<16xf32>,
      %parallel_loop3A_116 = arith.addf %parallel_loop3A_111, %parallel_loop3A_115 : vector<16xf32>
      %parallel_loop3A_117 = arith.constant 6 : i32
      %parallel_loop3A_118 = arith.index_cast %parallel_loop3A_117 : i32 to index
      %parallel_loop3A_119 = arith.index_cast %parallel_loop3A_87 : i32 to index
      %parallel_loop3A_120 = tpu.vector_load %arg10[%parallel_loop3A_118, %parallel_loop3A_119] {strides = array<i32>} : memref<16x640xf32, #tpu.memory_space<vmem>>, vector<16xf32>,
      %parallel_loop3A_121 = arith.addf %parallel_loop3A_116, %parallel_loop3A_120 : vector<16xf32>
      %parallel_loop3A_122 = arith.constant 7 : i32
      %parallel_loop3A_123 = arith.index_cast %parallel_loop3A_122 : i32 to index
      %parallel_loop3A_124 = arith.index_cast %parallel_loop3A_87 : i32 to index
      %parallel_loop3A_125 = tpu.vector_load %arg10[%parallel_loop3A_123, %parallel_loop3A_124] {strides = array<i32>} : memref<16x640xf32, #tpu.memory_space<vmem>>, vector<16xf32>,
      %parallel_loop3A_126 = arith.addf %parallel_loop3A_121, %parallel_loop3A_125 : vector<16xf32>
      %parallel_loop3A_127 = arith.constant 8 : i32
      %parallel_loop3A_128 = arith.index_cast %parallel_loop3A_127 : i32 to index
      %parallel_loop3A_129 = arith.index_cast %parallel_loop3A_87 : i32 to index
      %parallel_loop3A_130 = tpu.vector_load %arg10[%parallel_loop3A_128, %parallel_loop3A_129] {strides = array<i32>} : memref<16x640xf32, #tpu.memory_space<vmem>>, vector<16xf32>,
      %parallel_loop3A_131 = arith.addf %parallel_loop3A_126, %parallel_loop3A_130 : vector<16xf32>
      %parallel_loop3A_132 = arith.constant 9 : i32
      %parallel_loop3A_133 = arith.index_cast %parallel_loop3A_132 : i32 to index
      %parallel_loop3A_134 = arith.index_cast %parallel_loop3A_87 : i32 to index
      %parallel_loop3A_135 = tpu.vector_load %arg10[%parallel_loop3A_133, %parallel_loop3A_134] {strides = array<i32>} : memref<16x640xf32, #tpu.memory_space<vmem>>, vector<16xf32>,
      %parallel_loop3A_136 = arith.addf %parallel_loop3A_131, %parallel_loop3A_135 : vector<16xf32>
      %parallel_loop3A_137 = arith.constant 10 : i32
      %parallel_loop3A_138 = arith.index_cast %parallel_loop3A_137 : i32 to index
      %parallel_loop3A_139 = arith.index_cast %parallel_loop3A_87 : i32 to index
      %parallel_loop3A_140 = tpu.vector_load %arg10[%parallel_loop3A_138, %parallel_loop3A_139] {strides = array<i32>} : memref<16x640xf32, #tpu.memory_space<vmem>>, vector<16xf32>,
      %parallel_loop3A_141 = arith.addf %parallel_loop3A_136, %parallel_loop3A_140 : vector<16xf32>
      %parallel_loop3A_142 = arith.constant 11 : i32
      %parallel_loop3A_143 = arith.index_cast %parallel_loop3A_142 : i32 to index
      %parallel_loop3A_144 = arith.index_cast %parallel_loop3A_87 : i32 to index
      %parallel_loop3A_145 = tpu.vector_load %arg10[%parallel_loop3A_143, %parallel_loop3A_144] {strides = array<i32>} : memref<16x640xf32, #tpu.memory_space<vmem>>, vector<16xf32>,
      %parallel_loop3A_146 = arith.addf %parallel_loop3A_141, %parallel_loop3A_145 : vector<16xf32>
      %parallel_loop3A_147 = arith.constant 12 : i32
      %parallel_loop3A_148 = arith.index_cast %parallel_loop3A_147 : i32 to index
      %parallel_loop3A_149 = arith.index_cast %parallel_loop3A_87 : i32 to index
      %parallel_loop3A_150 = tpu.vector_load %arg10[%parallel_loop3A_148, %parallel_loop3A_149] {strides = array<i32>} : memref<16x640xf32, #tpu.memory_space<vmem>>, vector<16xf32>,
      %parallel_loop3A_151 = arith.addf %parallel_loop3A_146, %parallel_loop3A_150 : vector<16xf32>
      %parallel_loop3A_152 = arith.constant 13 : i32
      %parallel_loop3A_153 = arith.index_cast %parallel_loop3A_152 : i32 to index
      %parallel_loop3A_154 = arith.index_cast %parallel_loop3A_87 : i32 to index
      %parallel_loop3A_155 = tpu.vector_load %arg10[%parallel_loop3A_153, %parallel_loop3A_154] {strides = array<i32>} : memref<16x640xf32, #tpu.memory_space<vmem>>, vector<16xf32>,
      %parallel_loop3A_156 = arith.addf %parallel_loop3A_151, %parallel_loop3A_155 : vector<16xf32>
      %parallel_loop3A_157 = arith.constant 14 : i32
      %parallel_loop3A_158 = arith.index_cast %parallel_loop3A_157 : i32 to index
      %parallel_loop3A_159 = arith.index_cast %parallel_loop3A_87 : i32 to index
      %parallel_loop3A_160 = tpu.vector_load %arg10[%parallel_loop3A_158, %parallel_loop3A_159] {strides = array<i32>} : memref<16x640xf32, #tpu.memory_space<vmem>>, vector<16xf32>,
      %parallel_loop3A_161 = arith.addf %parallel_loop3A_156, %parallel_loop3A_160 : vector<16xf32>
      %parallel_loop3A_162 = arith.constant 15 : i32
      %parallel_loop3A_163 = arith.index_cast %parallel_loop3A_162 : i32 to index
      %parallel_loop3A_164 = arith.index_cast %parallel_loop3A_87 : i32 to index
      %parallel_loop3A_165 = tpu.vector_load %arg10[%parallel_loop3A_163, %parallel_loop3A_164] {strides = array<i32>} : memref<16x640xf32, #tpu.memory_space<vmem>>, vector<16xf32>,
      %parallel_loop3A_166 = arith.addf %parallel_loop3A_161, %parallel_loop3A_165 : vector<16xf32>
      %parallel_loop3A_167 = arith.constant 1.000000e+00 : f32
      %parallel_loop3A_168 = vector.broadcast %parallel_loop3A_167 : f32 to vector<16xf32>
      %parallel_loop3A_169 = arith.addf %parallel_loop3A_166, %parallel_loop3A_168 : vector<16xf32>
      %parallel_loop3A_170 = vector.bitcast %parallel_loop3A_169 : vector<16xf32> to vector<16xi32>
      %parallel_loop3A_171 = arith.constant 1 : i32
      %parallel_loop3A_172 = vector.broadcast %parallel_loop3A_171 : i32 to vector<16xi32>
      %parallel_loop3A_173 = arith.shrsi %parallel_loop3A_170, %parallel_loop3A_172 : vector<16xi32>
      %parallel_loop3A_174 = arith.constant 1597463007 : i32
      %parallel_loop3A_175 = vector.broadcast %parallel_loop3A_174 : i32 to vector<16xi32>
      %parallel_loop3A_176 = arith.subi %parallel_loop3A_175, %parallel_loop3A_173 : vector<16xi32>
      %parallel_loop3A_177 = vector.bitcast %parallel_loop3A_176 : vector<16xi32> to vector<16xf32>
      %parallel_loop3A_178 = arith.constant 5.000000e-01 : f32
      %parallel_loop3A_179 = vector.broadcast %parallel_loop3A_178 : f32 to vector<16xf32>
      %parallel_loop3A_180 = arith.mulf %parallel_loop3A_179, %parallel_loop3A_169 : vector<16xf32>
      %parallel_loop3A_181 = arith.mulf %parallel_loop3A_180, %parallel_loop3A_177 : vector<16xf32>
      %parallel_loop3A_182 = arith.mulf %parallel_loop3A_181, %parallel_loop3A_177 : vector<16xf32>
      %parallel_loop3A_183 = arith.constant 1.500000e+00 : f32
      %parallel_loop3A_184 = vector.broadcast %parallel_loop3A_183 : f32 to vector<16xf32>
      %parallel_loop3A_185 = arith.subf %parallel_loop3A_184, %parallel_loop3A_182 : vector<16xf32>
      %parallel_loop3A_186 = arith.mulf %parallel_loop3A_177, %parallel_loop3A_185 : vector<16xf32>
      %parallel_loop3A_187 = arith.constant 5.000000e-01 : f32
      %parallel_loop3A_188 = vector.broadcast %parallel_loop3A_187 : f32 to vector<16xf32>
      %parallel_loop3A_189 = arith.mulf %parallel_loop3A_188, %parallel_loop3A_169 : vector<16xf32>
      %parallel_loop3A_190 = arith.mulf %parallel_loop3A_189, %parallel_loop3A_186 : vector<16xf32>
      %parallel_loop3A_191 = arith.mulf %parallel_loop3A_190, %parallel_loop3A_186 : vector<16xf32>
      %parallel_loop3A_192 = arith.constant 1.500000e+00 : f32
      %parallel_loop3A_193 = vector.broadcast %parallel_loop3A_192 : f32 to vector<16xf32>
      %parallel_loop3A_194 = arith.subf %parallel_loop3A_193, %parallel_loop3A_191 : vector<16xf32>
      %parallel_loop3A_195 = arith.mulf %parallel_loop3A_186, %parallel_loop3A_194 : vector<16xf32>
      %parallel_loop3A_196 = arith.constant 5.000000e-01 : f32
      %parallel_loop3A_197 = vector.broadcast %parallel_loop3A_196 : f32 to vector<16xf32>
      %parallel_loop3A_198 = arith.mulf %parallel_loop3A_197, %parallel_loop3A_169 : vector<16xf32>
      %parallel_loop3A_199 = arith.mulf %parallel_loop3A_198, %parallel_loop3A_195 : vector<16xf32>
      %parallel_loop3A_200 = arith.mulf %parallel_loop3A_199, %parallel_loop3A_195 : vector<16xf32>
      %parallel_loop3A_201 = arith.constant 1.500000e+00 : f32
      %parallel_loop3A_202 = vector.broadcast %parallel_loop3A_201 : f32 to vector<16xf32>
      %parallel_loop3A_203 = arith.subf %parallel_loop3A_202, %parallel_loop3A_200 : vector<16xf32>
      %parallel_loop3A_204 = arith.mulf %parallel_loop3A_195, %parallel_loop3A_203 : vector<16xf32>
      %parallel_loop3A_205 = arith.index_cast %parallel_loop3A_87 : i32 to index
      %parallel_loop3A_206 = tpu.vector_load %arg16[%parallel_loop3A_205] {strides = array<i32>} : memref<640xf32, #tpu.memory_space<vmem>>, vector<16xf32>,
      tpu.vector_store %arg16[%parallel_loop3A_205], %parallel_loop3A_204 {strides = array<i32>} : memref<640xf32, #tpu.memory_space<vmem>>, vector<16xf32>,
      %parallel_loop3A_207 = arith.constant 0 : i32
      %parallel_loop3A_208 = arith.index_cast %parallel_loop3A_207 : i32 to index
      %parallel_loop3A_209 = arith.index_cast %parallel_loop3A_87 : i32 to index
      %parallel_loop3A_210 = tpu.vector_load %arg14[%parallel_loop3A_208, %parallel_loop3A_209] {strides = array<i32>} : memref<2x640xf32, #tpu.memory_space<vmem>>, vector<16xf32>,
      %parallel_loop3A_211 = arith.mulf %parallel_loop3A_204, %parallel_loop3A_210 : vector<16xf32>
      %parallel_loop3A_212 = arith.index_cast %parallel_loop3A_87 : i32 to index
      %parallel_loop3A_213 = tpu.vector_load %arg17[%parallel_loop3A_212] {strides = array<i32>} : memref<640xf32, #tpu.memory_space<vmem>>, vector<16xf32>,
      tpu.vector_store %arg17[%parallel_loop3A_212], %parallel_loop3A_211 {strides = array<i32>} : memref<640xf32, #tpu.memory_space<vmem>>, vector<16xf32>,
      %parallel_loop3A_214 = arith.constant 1 : i32
      %parallel_loop3A_215 = arith.index_cast %parallel_loop3A_214 : i32 to index
      %parallel_loop3A_216 = arith.index_cast %parallel_loop3A_87 : i32 to index
      %parallel_loop3A_217 = tpu.vector_load %arg14[%parallel_loop3A_215, %parallel_loop3A_216] {strides = array<i32>} : memref<2x640xf32, #tpu.memory_space<vmem>>, vector<16xf32>,
      %parallel_loop3A_218 = arith.mulf %parallel_loop3A_204, %parallel_loop3A_217 : vector<16xf32>
      %parallel_loop3A_219 = arith.index_cast %parallel_loop3A_87 : i32 to index
      %parallel_loop3A_220 = tpu.vector_load %arg18[%parallel_loop3A_219] {strides = array<i32>} : memref<640xf32, #tpu.memory_space<vmem>>, vector<16xf32>,
      tpu.vector_store %arg18[%parallel_loop3A_219], %parallel_loop3A_218 {strides = array<i32>} : memref<640xf32, #tpu.memory_space<vmem>>, vector<16xf32>,
    } {sc.loop_unroll_factor = 4 : i64, sc.parallel_access}
    "tpu.region"() ({
      %run_scoped3A = tpu.sem_alloc : memref<!tpu.dma_semaphore, #tpu.memory_space<semaphore_mem>>
      %dma_start3A_85 = tpu.memref_slice %arg20[%mul3A_6] : memref<10240xf32, #tpu.memory_space<vmem_shared>> -> memref<640xf32, #tpu.memory_space<vmem_shared>>
      %dma_start3A_86 = tpu.memref_slice %arg20[%mul3A_6] : memref<10240xf32, #tpu.memory_space<vmem_shared>> -> memref<640xf32, #tpu.memory_space<vmem_shared>>
      tpu.enqueue_dma source(%arg16 : memref<640xf32, #tpu.memory_space<vmem>>) target(%dma_start3A_86 : memref<640xf32, #tpu.memory_space<vmem_shared>>) target_semaphore(%run_scoped3A : memref<!tpu.dma_semaphore, #tpu.memory_space<semaphore_mem>>)
      %dma_wait3A_87 = tpu.memref_slice %arg20[%mul3A_6] : memref<10240xf32, #tpu.memory_space<vmem_shared>> -> memref<640xf32, #tpu.memory_space<vmem_shared>>
      %dma_wait3A_88 = tpu.memref_slice %arg20[%mul3A_6] : memref<10240xf32, #tpu.memory_space<vmem_shared>> -> memref<640xf32, #tpu.memory_space<vmem_shared>>
      tpu.wait_dma2 semaphore(%run_scoped3A : memref<!tpu.dma_semaphore, #tpu.memory_space<semaphore_mem>>) src(%arg16 : memref<640xf32, #tpu.memory_space<vmem>>) dst(%dma_wait3A_88 : memref<640xf32, #tpu.memory_space<vmem_shared>>)
      tpu.yield
    }) : () -> ()
    "tpu.region"() ({
      %run_scoped3A = tpu.sem_alloc : memref<!tpu.dma_semaphore, #tpu.memory_space<semaphore_mem>>
      %dma_start3A_85 = tpu.memref_slice %arg21[%mul3A_6] : memref<10240xf32, #tpu.memory_space<vmem_shared>> -> memref<640xf32, #tpu.memory_space<vmem_shared>>
      %dma_start3A_86 = tpu.memref_slice %arg21[%mul3A_6] : memref<10240xf32, #tpu.memory_space<vmem_shared>> -> memref<640xf32, #tpu.memory_space<vmem_shared>>
      tpu.enqueue_dma source(%arg17 : memref<640xf32, #tpu.memory_space<vmem>>) target(%dma_start3A_86 : memref<640xf32, #tpu.memory_space<vmem_shared>>) target_semaphore(%run_scoped3A : memref<!tpu.dma_semaphore, #tpu.memory_space<semaphore_mem>>)
      %dma_wait3A_87 = tpu.memref_slice %arg21[%mul3A_6] : memref<10240xf32, #tpu.memory_space<vmem_shared>> -> memref<640xf32, #tpu.memory_space<vmem_shared>>
      %dma_wait3A_88 = tpu.memref_slice %arg21[%mul3A_6] : memref<10240xf32, #tpu.memory_space<vmem_shared>> -> memref<640xf32, #tpu.memory_space<vmem_shared>>
      tpu.wait_dma2 semaphore(%run_scoped3A : memref<!tpu.dma_semaphore, #tpu.memory_space<semaphore_mem>>) src(%arg17 : memref<640xf32, #tpu.memory_space<vmem>>) dst(%dma_wait3A_88 : memref<640xf32, #tpu.memory_space<vmem_shared>>)
      tpu.yield
    }) : () -> ()
    "tpu.region"() ({
      %run_scoped3A = tpu.sem_alloc : memref<!tpu.dma_semaphore, #tpu.memory_space<semaphore_mem>>
      %dma_start3A_85 = tpu.memref_slice %arg22[%mul3A_6] : memref<10240xf32, #tpu.memory_space<vmem_shared>> -> memref<640xf32, #tpu.memory_space<vmem_shared>>
      %dma_start3A_86 = tpu.memref_slice %arg22[%mul3A_6] : memref<10240xf32, #tpu.memory_space<vmem_shared>> -> memref<640xf32, #tpu.memory_space<vmem_shared>>
      tpu.enqueue_dma source(%arg18 : memref<640xf32, #tpu.memory_space<vmem>>) target(%dma_start3A_86 : memref<640xf32, #tpu.memory_space<vmem_shared>>) target_semaphore(%run_scoped3A : memref<!tpu.dma_semaphore, #tpu.memory_space<semaphore_mem>>)
      %dma_wait3A_87 = tpu.memref_slice %arg22[%mul3A_6] : memref<10240xf32, #tpu.memory_space<vmem_shared>> -> memref<640xf32, #tpu.memory_space<vmem_shared>>
      %dma_wait3A_88 = tpu.memref_slice %arg22[%mul3A_6] : memref<10240xf32, #tpu.memory_space<vmem_shared>> -> memref<640xf32, #tpu.memory_space<vmem_shared>>
      tpu.wait_dma2 semaphore(%run_scoped3A : memref<!tpu.dma_semaphore, #tpu.memory_space<semaphore_mem>>) src(%arg18 : memref<640xf32, #tpu.memory_space<vmem>>) dst(%dma_wait3A_88 : memref<640xf32, #tpu.memory_space<vmem_shared>>)
      tpu.yield
    }) : () -> ()
    %barrier3A_78 = arith.constant 0 : index
    tpu.barrier barrier_id(%barrier3A_78)
    "tpu.region"() ({
      %run_scoped3A = tpu.sem_alloc : memref<!tpu.dma_semaphore, #tpu.memory_space<semaphore_mem>>
      tpu.enqueue_dma source(%arg20 : memref<10240xf32, #tpu.memory_space<vmem_shared>>) target(%arg9 : memref<10240xf32, #tpu.memory_space<vmem>>) target_semaphore(%run_scoped3A : memref<!tpu.dma_semaphore, #tpu.memory_space<semaphore_mem>>)
      tpu.wait_dma2 semaphore(%run_scoped3A : memref<!tpu.dma_semaphore, #tpu.memory_space<semaphore_mem>>) src(%arg20 : memref<10240xf32, #tpu.memory_space<vmem_shared>>) dst(%arg9 : memref<10240xf32, #tpu.memory_space<vmem>>)
      tpu.yield
    }) : () -> ()
    "tpu.region"() ({
      %run_scoped3A = tpu.sem_alloc : memref<!tpu.dma_semaphore, #tpu.memory_space<semaphore_mem>>
      tpu.enqueue_dma source(%arg21 : memref<10240xf32, #tpu.memory_space<vmem_shared>>) target(%arg11 : memref<10240xf32, #tpu.memory_space<vmem>>) target_semaphore(%run_scoped3A : memref<!tpu.dma_semaphore, #tpu.memory_space<semaphore_mem>>)
      tpu.wait_dma2 semaphore(%run_scoped3A : memref<!tpu.dma_semaphore, #tpu.memory_space<semaphore_mem>>) src(%arg21 : memref<10240xf32, #tpu.memory_space<vmem_shared>>) dst(%arg11 : memref<10240xf32, #tpu.memory_space<vmem>>)
      tpu.yield
    }) : () -> ()
    "tpu.region"() ({
      %run_scoped3A = tpu.sem_alloc : memref<!tpu.dma_semaphore, #tpu.memory_space<semaphore_mem>>
      tpu.enqueue_dma source(%arg22 : memref<10240xf32, #tpu.memory_space<vmem_shared>>) target(%arg12 : memref<10240xf32, #tpu.memory_space<vmem>>) target_semaphore(%run_scoped3A : memref<!tpu.dma_semaphore, #tpu.memory_space<semaphore_mem>>)
      tpu.wait_dma2 semaphore(%run_scoped3A : memref<!tpu.dma_semaphore, #tpu.memory_space<semaphore_mem>>) src(%arg22 : memref<10240xf32, #tpu.memory_space<vmem_shared>>) dst(%arg12 : memref<10240xf32, #tpu.memory_space<vmem>>)
      tpu.yield
    }) : () -> ()
    %eq3A_79 = arith.constant 0 : i32
    %eq3A_80 = arith.cmpi eq, %arg0, %eq3A_79 : i32
    %convert_element_type3A = arith.extui %eq3A_80 : i1 to i32
    %cond3A = arith.constant 0 : i32
    %cond3A_81 = arith.cmpi ne, %convert_element_type3A, %cond3A : i32
    scf.if %cond3A_81 {
      %gather3A = tpu.vector_load_idx %arg15[%broadcast_in_dim3A_54] : memref<16xf32, #tpu.memory_space<vmem>>[vector<16xi32>], vector<16xf32>,
      %gather3A_85 = tpu.vector_load_idx %arg15[%broadcast_in_dim3A_56] : memref<16xf32, #tpu.memory_space<vmem>>[vector<16xi32>], vector<16xf32>,
      %parallel_loop3A_86 = arith.constant 0 : i32
      %parallel_loop3A_87 = arith.constant 40 : i32
      %parallel_loop3A_88 = arith.constant 1 : i32
      scf.for %parallel_loop3A_89 = %parallel_loop3A_86 to %parallel_loop3A_87 step %parallel_loop3A_88  : i32 {
        %parallel_loop3A_90 = arith.constant 16 : i32
        %parallel_loop3A_91 = arith.muli %parallel_loop3A_89, %parallel_loop3A_90 : i32
        %parallel_loop3A_92 = arith.addi %mul3A_6, %parallel_loop3A_91 : i32
        %parallel_loop3A_93 = vector.broadcast %parallel_loop3A_92 : i32 to vector<16xi32>
        %parallel_loop3A_94 = arith.addi %parallel_loop3A_93, %iota3A : vector<16xi32>
        %parallel_loop3A_95 = arith.constant 10000 : i32
        %parallel_loop3A_96 = vector.broadcast %parallel_loop3A_95 : i32 to vector<16xi32>
        %parallel_loop3A_97 = arith.cmpi slt, %parallel_loop3A_94, %parallel_loop3A_96 : vector<16xi32>
        %parallel_loop3A_98 = arith.constant 2 : i32
        %parallel_loop3A_99 = vector.broadcast %parallel_loop3A_98 : i32 to vector<16xi32>
        %parallel_loop3A_100 = arith.muli %parallel_loop3A_94, %parallel_loop3A_99 : vector<16xi32>
        %parallel_loop3A_101 = arith.addi %mul3A_6, %parallel_loop3A_91 : i32
        %parallel_loop3A_102 = arith.index_cast %parallel_loop3A_101 : i32 to index
        %parallel_loop3A_103 = tpu.vector_load %arg9[%parallel_loop3A_102] {strides = array<i32>} : memref<10240xf32, #tpu.memory_space<vmem>>, vector<16xf32>,
        %parallel_loop3A_104 = arith.addi %mul3A_6, %parallel_loop3A_91 : i32
        %parallel_loop3A_105 = arith.index_cast %parallel_loop3A_104 : i32 to index
        %parallel_loop3A_106 = tpu.vector_load %arg11[%parallel_loop3A_105] {strides = array<i32>} : memref<10240xf32, #tpu.memory_space<vmem>>, vector<16xf32>,
        %parallel_loop3A_107 = arith.mulf %parallel_loop3A_103, %parallel_loop3A_106 : vector<16xf32>
        %parallel_loop3A_108 = arith.addf %parallel_loop3A_107, %gather3A : vector<16xf32>
        %parallel_loop3A_109 = arith.addi %mul3A_6, %parallel_loop3A_91 : i32
        %parallel_loop3A_110 = arith.index_cast %parallel_loop3A_109 : i32 to index
        %parallel_loop3A_111 = tpu.vector_load %arg9[%parallel_loop3A_110] {strides = array<i32>} : memref<10240xf32, #tpu.memory_space<vmem>>, vector<16xf32>,
        %parallel_loop3A_112 = arith.addi %mul3A_6, %parallel_loop3A_91 : i32
        %parallel_loop3A_113 = arith.index_cast %parallel_loop3A_112 : i32 to index
        %parallel_loop3A_114 = tpu.vector_load %arg12[%parallel_loop3A_113] {strides = array<i32>} : memref<10240xf32, #tpu.memory_space<vmem>>, vector<16xf32>,
        %parallel_loop3A_115 = arith.mulf %parallel_loop3A_111, %parallel_loop3A_114 : vector<16xf32>
        %parallel_loop3A_116 = arith.addf %parallel_loop3A_115, %gather3A_85 : vector<16xf32>
        tpu.vector_store_idx %arg13[%parallel_loop3A_100], %parallel_loop3A_108 masked %parallel_loop3A_97 : memref<20000xf32, #tpu.memory_space<vmem>>[vector<16xi32>], vector<16xf32>, vector<16xi1>
        %parallel_loop3A_117 = arith.constant 1 : i32
        %parallel_loop3A_118 = vector.broadcast %parallel_loop3A_117 : i32 to vector<16xi32>
        %parallel_loop3A_119 = arith.addi %parallel_loop3A_100, %parallel_loop3A_118 : vector<16xi32>
        tpu.vector_store_idx %arg13[%parallel_loop3A_119], %parallel_loop3A_116 masked %parallel_loop3A_97 : memref<20000xf32, #tpu.memory_space<vmem>>[vector<16xi32>], vector<16xf32>, vector<16xi1>
      } {sc.loop_unroll_factor = 4 : i64, sc.parallel_access}
    } else {
    }
    %parallel_loop3A_82 = arith.constant 0 : i32
    %parallel_loop3A_83 = arith.constant 640 : i32
    %parallel_loop3A_84 = arith.constant 1 : i32
    scf.for %parallel_loop3A_85 = %parallel_loop3A_82 to %parallel_loop3A_83 step %parallel_loop3A_84  : i32 {
      %parallel_loop3A_86 = arith.constant 16 : i32
      %parallel_loop3A_87 = arith.muli %parallel_loop3A_85, %parallel_loop3A_86 : i32
      %parallel_loop3A_88 = vector.broadcast %parallel_loop3A_87 : i32 to vector<16xi32>
      %parallel_loop3A_89 = arith.addi %parallel_loop3A_88, %iota3A : vector<16xi32>
      %parallel_loop3A_90 = vector.broadcast %select_n3A : i32 to vector<16xi32>
      %parallel_loop3A_91 = arith.cmpi slt, %parallel_loop3A_89, %parallel_loop3A_90 : vector<16xi32>
      %parallel_loop3A_92 = arith.constant 0 : i32
      %parallel_loop3A_93 = arith.index_cast %parallel_loop3A_92 : i32 to index
      %parallel_loop3A_94 = arith.index_cast %parallel_loop3A_87 : i32 to index
      %parallel_loop3A_95 = tpu.vector_load %arg7[%parallel_loop3A_93, %parallel_loop3A_94] {strides = array<i32>} : memref<2x10240xi32, #tpu.memory_space<vmem>>, vector<16xi32>,
      %parallel_loop3A_96 = arith.constant 1 : i32
      %parallel_loop3A_97 = arith.index_cast %parallel_loop3A_96 : i32 to index
      %parallel_loop3A_98 = arith.index_cast %parallel_loop3A_87 : i32 to index
      %parallel_loop3A_99 = tpu.vector_load %arg7[%parallel_loop3A_97, %parallel_loop3A_98] {strides = array<i32>} : memref<2x10240xi32, #tpu.memory_space<vmem>>, vector<16xi32>,
      %parallel_loop3A_100 = arith.index_cast %parallel_loop3A_87 : i32 to index
      %parallel_loop3A_101 = tpu.vector_load %arg8[%parallel_loop3A_100] {strides = array<i32>} : memref<10240xf32, #tpu.memory_space<vmem>>, vector<16xf32>,
      %parallel_loop3A_102 = tpu.vector_load_idx %arg9[%parallel_loop3A_99] : memref<10240xf32, #tpu.memory_space<vmem>>[vector<16xi32>], vector<16xf32>,
      %parallel_loop3A_103 = arith.mulf %parallel_loop3A_101, %parallel_loop3A_102 : vector<16xf32>
      %parallel_loop3A_104 = tpu.vector_load_idx %arg11[%parallel_loop3A_95] : memref<10240xf32, #tpu.memory_space<vmem>>[vector<16xi32>], vector<16xf32>,
      %parallel_loop3A_105 = arith.mulf %parallel_loop3A_103, %parallel_loop3A_104 : vector<16xf32>
      %parallel_loop3A_106 = tpu.vector_load_idx %arg12[%parallel_loop3A_95] : memref<10240xf32, #tpu.memory_space<vmem>>[vector<16xi32>], vector<16xf32>,
      %parallel_loop3A_107 = arith.mulf %parallel_loop3A_103, %parallel_loop3A_106 : vector<16xf32>
      %parallel_loop3A_108 = arith.constant 2 : i32
      %parallel_loop3A_109 = vector.broadcast %parallel_loop3A_108 : i32 to vector<16xi32>
      %parallel_loop3A_110 = arith.muli %parallel_loop3A_99, %parallel_loop3A_109 : vector<16xi32>
      tpu.vector_store_idx %arg13[%parallel_loop3A_110], %parallel_loop3A_105 masked %parallel_loop3A_91 {add = true} : memref<20000xf32, #tpu.memory_space<vmem>>[vector<16xi32>], vector<16xf32>, vector<16xi1>
      %parallel_loop3A_111 = arith.constant 1 : i32
      %parallel_loop3A_112 = vector.broadcast %parallel_loop3A_111 : i32 to vector<16xi32>
      %parallel_loop3A_113 = arith.addi %parallel_loop3A_110, %parallel_loop3A_112 : vector<16xi32>
      tpu.vector_store_idx %arg13[%parallel_loop3A_113], %parallel_loop3A_107 masked %parallel_loop3A_91 {add = true} : memref<20000xf32, #tpu.memory_space<vmem>>[vector<16xi32>], vector<16xf32>, vector<16xi1>
    } {sc.loop_unroll_factor = 16 : i64, sc.parallel_access}
    "tpu.region"() ({
      %run_scoped3A = tpu.sem_alloc : memref<!tpu.dma_semaphore, #tpu.memory_space<semaphore_mem>>
      %dma_start3A_85 = arith.constant 0 : i32
      %dma_start3A_86 = tpu.memref_slice %arg6[%add3A, %dma_start3A_85] : memref<32x20000xf32, #tpu.memory_space<hbm>> -> memref<1x20000xf32, #tpu.memory_space<hbm>>
      %dma_start3A_87 = tpu.memref_squeeze %dma_start3A_86 : memref<1x20000xf32, #tpu.memory_space<hbm>> -> memref<20000xf32, #tpu.memory_space<hbm>>
      %dma_start3A_88 = arith.constant 0 : i32
      %dma_start3A_89 = tpu.memref_slice %arg6[%add3A, %dma_start3A_88] : memref<32x20000xf32, #tpu.memory_space<hbm>> -> memref<1x20000xf32, #tpu.memory_space<hbm>>
      %dma_start3A_90 = tpu.memref_squeeze %dma_start3A_89 : memref<1x20000xf32, #tpu.memory_space<hbm>> -> memref<20000xf32, #tpu.memory_space<hbm>>
      tpu.enqueue_dma source(%arg13 : memref<20000xf32, #tpu.memory_space<vmem>>) target(%dma_start3A_90 : memref<20000xf32, #tpu.memory_space<hbm>>) target_semaphore(%run_scoped3A : memref<!tpu.dma_semaphore, #tpu.memory_space<semaphore_mem>>)
      %dma_wait3A_91 = arith.constant 0 : i32
      %dma_wait3A_92 = tpu.memref_slice %arg6[%add3A, %dma_wait3A_91] : memref<32x20000xf32, #tpu.memory_space<hbm>> -> memref<1x20000xf32, #tpu.memory_space<hbm>>
      %dma_wait3A_93 = tpu.memref_squeeze %dma_wait3A_92 : memref<1x20000xf32, #tpu.memory_space<hbm>> -> memref<20000xf32, #tpu.memory_space<hbm>>
      %dma_wait3A_94 = arith.constant 0 : i32
      %dma_wait3A_95 = tpu.memref_slice %arg6[%add3A, %dma_wait3A_94] : memref<32x20000xf32, #tpu.memory_space<hbm>> -> memref<1x20000xf32, #tpu.memory_space<hbm>>
      %dma_wait3A_96 = tpu.memref_squeeze %dma_wait3A_95 : memref<1x20000xf32, #tpu.memory_space<hbm>> -> memref<20000xf32, #tpu.memory_space<hbm>>
      tpu.wait_dma2 semaphore(%run_scoped3A : memref<!tpu.dma_semaphore, #tpu.memory_space<semaphore_mem>>) src(%arg13 : memref<20000xf32, #tpu.memory_space<vmem>>) dst(%dma_wait3A_96 : memref<20000xf32, #tpu.memory_space<hbm>>)
      tpu.yield
    }) : () -> ()
    return
  }
}

module attributes {stable_mosaic.version = 14 : i64} {
  func.func @_final_body(%arg0: memref<32x20000xf32, #tpu.memory_space<vmem>>, %arg1: memref<1x20000xf32, #tpu.memory_space<vmem>>, %arg2: memref<1x1xf32, #tpu.memory_space<vmem>>, %arg3: memref<1x1xf32, #tpu.memory_space<vmem>>) attributes {dimension_semantics = [], scalar_prefetch = 0 : i64, scratch_operands = 0 : i64, tpu.core_type = #tpu.core_type<tc>} {
    %get3A = arith.constant 0 : index
    %get3A_0 = arith.constant 0 : index
    %get3A_1 = vector.load %arg0[%get3A, %get3A_0] : memref<32x20000xf32, #tpu.memory_space<vmem>>, vector<32x20000xf32>
    %reduce_sum3A = arith.constant dense<0.000000e+00> : vector<20000xf32>
    %reduce_sum3A_2 = vector.multi_reduction <add>, %get3A_1, %reduce_sum3A [0] : vector<32x20000xf32> to vector<20000xf32>
    %broadcast_in_dim3A = vector.shape_cast %reduce_sum3A_2 : vector<20000xf32> to vector<1x20000xf32>
    %max3A = arith.constant 0.000000e+00 : f32
    %max3A_3 = vector.broadcast %max3A : f32 to vector<1x20000xf32>
    %max3A_4 = arith.maximumf %broadcast_in_dim3A, %max3A_3 : vector<1x20000xf32>
    %get3A_5 = arith.constant 0 : index
    %get3A_6 = arith.constant 0 : index
    %get3A_7 = vector.load %arg1[%get3A_5, %get3A_6] : memref<1x20000xf32, #tpu.memory_space<vmem>>, vector<1x20000xf32>
    %mul3A = arith.mulf %max3A_4, %get3A_7 : vector<1x20000xf32>
    %reduce_sum3A_8 = vector.shape_cast %mul3A : vector<1x20000xf32> to vector<1x1x20000xf32>
    %reduce_sum3A_9 = arith.constant dense<0.000000e+00> : vector<1xf32>
    %reduce_sum3A_10 = vector.multi_reduction <add>, %reduce_sum3A_8, %reduce_sum3A_9 [1, 2] : vector<1x1x20000xf32> to vector<1xf32>
    %reduce_sum3A_11 = vector.shape_cast %reduce_sum3A_10 : vector<1xf32> to vector<1x1x1xf32>
    %reduce_sum3A_12 = vector.extract %reduce_sum3A_11[0, 0, 0] : f32 from vector<1x1x1xf32>
    %broadcast_in_dim3A_13 = vector.broadcast %reduce_sum3A_12 : f32 to vector<1x1xf32>
    %get3A_14 = arith.constant 0 : index
    %get3A_15 = arith.constant 0 : index
    %get3A_16 = vector.load %arg2[%get3A_14, %get3A_15] : memref<1x1xf32, #tpu.memory_space<vmem>>, vector<1x1xf32>
    %add3A = arith.addf %broadcast_in_dim3A_13, %get3A_16 : vector<1x1xf32>
    %logistic3A = arith.negf %add3A : vector<1x1xf32>
    %logistic3A_17 = math.exp %logistic3A : vector<1x1xf32>
    %logistic3A_18 = arith.constant 1.000000e+00 : f32
    %logistic3A_19 = vector.broadcast %logistic3A_18 : f32 to vector<1x1xf32>
    %logistic3A_20 = arith.addf %logistic3A_19, %logistic3A_17 : vector<1x1xf32>
    %logistic3A_21 = arith.divf %logistic3A_19, %logistic3A_20 : vector<1x1xf32>
    %swap3A = arith.constant 0 : index
    %swap3A_22 = arith.constant 0 : index
    %swap3A_23 = vector.load %arg3[%swap3A, %swap3A_22] : memref<1x1xf32, #tpu.memory_space<vmem>>, vector<1x1xf32>
    tpu.vector_store %arg3[%swap3A, %swap3A_22], %logistic3A_21 {strides = array<i32>} : memref<1x1xf32, #tpu.memory_space<vmem>>, vector<1x1xf32>,
    return
  }
}

module attributes {stable_mosaic.version = 14 : i64} {
  func.func @_mm_body(%arg0: memref<10000x128xf32, #tpu.memory_space<vmem>>, %arg1: memref<128x2xf32, #tpu.memory_space<vmem>>, %arg2: memref<2x10240xf32, #tpu.memory_space<vmem>>) attributes {dimension_semantics = [], scalar_prefetch = 0 : i64, scratch_operands = 0 : i64, tpu.core_type = #tpu.core_type<tc>} {
    %get3A = arith.constant 0 : index
    %get3A_0 = arith.constant 0 : index
    %get3A_1 = vector.load %arg1[%get3A, %get3A_0] : memref<128x2xf32, #tpu.memory_space<vmem>>, vector<128x2xf32>
    %get3A_2 = arith.constant 0 : index
    %get3A_3 = arith.constant 0 : index
    %get3A_4 = vector.load %arg0[%get3A_2, %get3A_3] : memref<10000x128xf32, #tpu.memory_space<vmem>>, vector<10000x128xf32>
    %dot_general3A = arith.constant dense<0.000000e+00> : vector<2x10000xf32>
    %dot_general3A_5 = tpu.matmul %get3A_1, %get3A_4, %dot_general3A {dimension_numbers = #tpu.dot_dimension_numbers<[0], [1], [1], [0], [0, 1, 1, 0], [], []>, transpose_lhs_hint = false} : vector<128x2xf32>, vector<10000x128xf32>, vector<2x10000xf32> -> vector<2x10000xf32>
    %jit3A = arith.constant 0 : i32
    %convert_element_type3A = arith.sitofp %jit3A : i32 to f32
    %pad3A = vector.broadcast %convert_element_type3A : f32 to vector<2x240xf32>
    %pad3A_6 = tpu.concatenate %dot_general3A_5, %pad3A in 1 : vector<2x10000xf32>, vector<2x240xf32> -> vector<2x10240xf32>
    %swap3A = arith.constant 0 : index
    %swap3A_7 = arith.constant 0 : index
    %swap3A_8 = vector.load %arg2[%swap3A, %swap3A_7] : memref<2x10240xf32, #tpu.memory_space<vmem>>, vector<2x10240xf32>
    tpu.vector_store %arg2[%swap3A, %swap3A_7], %pad3A_6 {strides = array<i32>} : memref<2x10240xf32, #tpu.memory_space<vmem>>, vector<2x10240xf32>,
    return
  }
}

</mosaic_0001>

<sc_bundles>
// kernel: kernel.5.cloned.1.call-start
scs
__scs_entry_jumppad:
0x0: {  	(pc) =	sbr.rel $0x88, $3  }
0x1: {  	(tag) =	ssettag $0x0;
	lr =	simm.s32 $0x1  }
0x2: {  	[smem:$0x3F9A] =	sst lr;
	_ =	strace $0xD0000000  }
0x3: {  	_ = 	snop  }
0x4: {  	_ = 	snop  }
0x5: {  	_ = 	snop  }
0x6: {  	_ = 	snop  }
0x7: {  	_ = 	snop  }
__scs_overlays_trampoline_lowered:
0x8: {  	[smem:$0x3FA9] =	sst s0  }
0x9: {  	[smem:$0x3FAA] =	sst s1  }
0xa: {  	[smem:$0x3FAB] =	sst s2  }
0xb: {  	[smem:$0x3FAC] =	sst s3  }
0xc: {  	[smem:$0x3FAD] =	sst s4  }
0xd: {  	[smem:$0x3FAE] =	sst s5  }
0xe: {  	[smem:$0x3FAF] =	sst s6  }
0xf: {  	[smem:$0x3FB0] =	sst s7  }
0x10: {  	[smem:$0x3FB1] =	sst s8  }
0x11: {  	[smem:$0x3FB2] =	sst s9;
	s0 =	simm.s32 @!p0 $0x0  }
0x12: {  	s1 =	sld [smem:$0x3F98];
	s0 =	simm.s32 @p0 $0x1  }
0x13: {  	[smem:$0x3FB3] =	sst s0;
	s0 =	simm.s32 @!p1 $0x0  }
0x14: {  	s2 =	sld [smem:$0x3F97];
	s0 =	simm.s32 @p1 $0x1  }
0x15: {  	[smem:$0x3FB4] =	sst s0;
	s0 =	simm.s32 @!p2 $0x0  }
0x16: {  	s3 =	sld [smem:$0x3FDB];
	s0 =	simm.s32 @p2 $0x1  }
0x17: {  	s4 =	simm.s32 $0x1BF5;
	[smem:$0x3FB6] =	sst s0  }
0x18: {  	s0 =	sld [smem:$0x3F99];
	_ =	swait.ge [sflag:s4], $0x0  }
0x19: {  	s7 =	sld [smem:$0x3F9A]  }
0x1a: {  	s8 =	sadd.s32 $0xFFFFE003, lr  }
0x1b: {  	s9 =	sadd.s32 $0xFFFFFEF7, lr;
	s5 =	simm.s32 $0xFFFFFFFF;
	p2 =	slt.u32 s8, $0xFFFFF086  }
0x1c: {  	p1 =	slt.u32 s9, $0xF7A;
	s5 =	simm.s32 @!p2 $0x0  }
0x1d: {  	s5 =	simm.s32 @p1 $0x1;
	p0 =	seq.s32 s7, s2  }
0x1e: {  	s7 =	smul.u32 @!p0 $0xF7A, s2;
	p2 =	seq.s32 @!p0 s5, $0x0  }
0x1f: {  	s9 =	smul.u32 $0xF7A, s1;
	s8 =	simm.s32 @!p0 $0x1BF5;
	p2 =	por !p2, p0  }
0x20: {  	[sflag:s8] =	ssyncset.s32 @!p0 $0xFFFFF086;
	s6 =	sadd.s32 @!p0 s3, s7;
	s7 =	simm.s32 @!p0 $0x108  }
0x21: {  	s3 =	sadd.s32 s3, s9;
	s6 =	sadd.s32 @!p0 $0x88, s6;
	s7 =	simm.s32 @p2 $0x1082  }
0x22: {  	[simem:s7], [sflag:s8] =	dma.local @!p0 [hbm:s6], $0xF7A  }
0x23: {  	s9 =	sor.u32 $0xD0000000, s2;
	s6 =	simm.s32 $0x108;
	_ =	swait.ge @!p0 [sflag:s8], $0x0  }
0x24: {  	s3 =	sadd.s32 $0x88, s3;
	s6 =	simm.s32 @!p1 $0x1082;
	[sflag:s4] =	ssyncset.s32 $0xFFFFF086  }
0x25: {  	[simem:s6], [sflag:s4] =	dma.local [hbm:s3], $0xF7A  }
0x26: {  	[smem:$0x3F9A] =	sst s1;
	(tag) =	ssettag s2;
	_ =	strace s9  }
0x27: {  	s1 =	sld [smem:$0x3FAA]  }
0x28: {  	s2 =	sld [smem:$0x3FAB]  }
0x29: {  	s4 =	sld [smem:$0x3FAD]  }
0x2a: {  	p0 =	seq.s32 s5, $0x0;
	s5 =	sld [smem:$0x3FAE]  }
0x2b: {  	s6 =	sld [smem:$0x3FAF]  }
0x2c: {  	s7 =	sld [smem:$0x3FB0]  }
0x2d: {  	s3 =	simm.s32 $0x108;
	s8 =	sld [smem:$0x3FB1]  }
0x2e: {  	s3 =	simm.s32 @!p0 $0x1082;
	s9 =	sld [smem:$0x3FB2]  }
0x2f: {  	lr =	sadd.s32 s0, s3;
	s0 =	sld [smem:$0x3FA9]  }
0x30: {  	s3 =	sld [smem:$0x3FAC]  }
0x31: {  	[smem:$0x3FB5] =	sst s10  }
0x32: {  	s10 =	sld [smem:$0x3FB3];
	_ =	sdelay $0x3  }
0x33: {  	p0 =	seq.s32 s10, $0x1;
	s10 =	sld [smem:$0x3FB5];
	_ =	sdelay $0x3  }
0x34: {  	[smem:$0x3FB5] =	sst s10  }
0x35: {  	s10 =	sld [smem:$0x3FB4];
	_ =	sdelay $0x3  }
0x36: {  	p1 =	seq.s32 s10, $0x1;
	s10 =	sld [smem:$0x3FB5];
	_ =	sdelay $0x3  }
0x37: {  	[smem:$0x3FB5] =	sst s10  }
0x38: {  	s10 =	sld [smem:$0x3FB6]  }
0x39: {  	_ = 	snop;
	(pc) =	sbr.ind lr, $3  }
0x3a: {  	_ = 	snop  }
0x3b: {  	_ = 	snop  }
0x3c: {  	p2 =	seq.s32 s10, $0x1;
	s10 =	sld [smem:$0x3FB5]  }
0x3d: {  	_ =	shalt  }
0x3e: {  	_ =	shalt  }
0x3f: {  	_ =	shalt  }
0x40: {  	_ =	shalt  }
0x41: {  	_ =	shalt  }
0x42: {  	_ =	shalt  }
0x43: {  	_ =	shalt  }
0x44: {  	_ =	shalt  }
0x45: {  	_ =	shalt  }
0x46: {  	_ =	shalt  }
0x47: {  	_ =	shalt  }
0x48: {  	_ =	shalt  }
0x49: {  	_ =	shalt  }
0x4a: {  	_ =	shalt  }
0x4b: {  	_ =	shalt  }
0x4c: {  	_ =	shalt  }
0x4d: {  	_ =	shalt  }
0x4e: {  	_ =	shalt  }
0x4f: {  	_ =	shalt  }
0x50: {  	_ =	shalt  }
0x51: {  	_ =	shalt  }
0x52: {  	_ =	shalt  }
0x53: {  	_ =	shalt  }
0x54: {  	_ =	shalt  }
0x55: {  	_ =	shalt  }
0x56: {  	_ =	shalt  }
0x57: {  	_ =	shalt  }
0x58: {  	_ =	shalt  }
0x59: {  	_ =	shalt  }
0x5a: {  	_ =	shalt  }
0x5b: {  	_ =	shalt  }
0x5c: {  	_ =	shalt  }
0x5d: {  	_ =	shalt  }
0x5e: {  	_ =	shalt  }
0x5f: {  	_ =	shalt  }
0x60: {  	_ =	shalt  }
0x61: {  	_ =	shalt  }
0x62: {  	_ =	shalt  }
0x63: {  	_ =	shalt  }
0x64: {  	_ =	shalt  }
0x65: {  	_ =	shalt  }
0x66: {  	_ =	shalt  }
0x67: {  	_ =	shalt  }
0x68: {  	_ =	shalt  }
0x69: {  	_ =	shalt  }
0x6a: {  	_ =	shalt  }
0x6b: {  	_ =	shalt  }
0x6c: {  	_ =	shalt  }
0x6d: {  	_ =	shalt  }
0x6e: {  	_ =	shalt  }
0x6f: {  	_ =	shalt  }
0x70: {  	_ =	shalt  }
0x71: {  	_ =	shalt  }
0x72: {  	_ =	shalt  }
0x73: {  	_ =	shalt  }
0x74: {  	_ =	shalt  }
0x75: {  	_ =	shalt  }
0x76: {  	_ =	shalt  }
0x77: {  	_ =	shalt  }
0x78: {  	_ =	shalt  }
0x79: {  	_ =	shalt  }
0x7a: {  	_ =	shalt  }
0x7b: {  	_ =	shalt  }
0x7c: {  	_ =	shalt  }
0x7d: {  	_ =	shalt  }
0x7e: {  	_ =	shalt  }
0x7f: {  	_ =	shalt  }
0x80: {  	_ =	shalt  }
0x81: {  	_ =	shalt  }
0x82: {  	_ =	shalt  }
0x83: {  	_ =	shalt  }
0x84: {  	_ =	shalt  }
0x85: {  	_ =	shalt  }
0x86: {  	_ =	shalt  }
0x87: {  	_ =	shalt  }
.Lfunc_end0:
.L_simem_size_0:
called_computation_lowered:
.L_overlay_start_0:
0x88: {  	s2 =	sld [smem:$0x3FD9]  }
0x89: {  	s3 =	sld [smem:$0x3FFE];
	_ =	sdelay $0x1  }
0x8a: {  	s1 =	srdreg.scid  }
0x8b: {  	s0 =	sand.u32 $0x1, s1  }
0x8c: {  	s17 =	sshll.u32 s0, $0xA;
	s2 =	sadd.s32 s3, s2  }
0x8d: {  	s2 =	sadd.s32 s2, s17  }
0x8e: {  	[smem:$0x3FC1] =	sst s2  }
0x8f: {  	_ = 	snop  }
0x90: {  	s2 =	sld [smem:$0x3FC8]  }
0x91: {  	s18 =	sld [smem:$0x3FC7]  }
0x92: {  	s4 =	sld [smem:$0x3FD0];
	(tm) =	ssettm $0x1  }
0x93: {  	s5 =	sld [smem:$0x3FFB];
	_ =	sdelay $0x3  }
0x94: {  	_ =	strace s5  }
0x95: {  	s5 =	sld [smem:$0x3FFC];
	_ =	sdelay $0x3  }
0x96: {  	_ =	strace s5  }
0x97: {  	s5 =	sld [smem:$0x3FFD];
	_ =	sdelay $0x3  }
0x98: {  	_ =	strace s5  }
0x99: {  	_ =	strace $0x8FFFFFFF  }
0x9a: {  	s19 =	sld [smem:$0x3FDB];
	_ =	sdelay $0x1  }
0x9b: {  	s6 =	simm.s32 $_scs_section_size  }
0x9c: {  	s7 =	simm.s32 $_size__tile_overlayer_lowered;
	s8 =	simm.s32 $_tile_overlayer_lowered  }
0x9d: {  	s22 =	simm.s32 $0x1BFF;
	s21 =	sshll.u32 s8, $0x1;
	s5 =	sadd.s32 s6, s19  }
0x9e: {  	s9 =	simm.s32 $0x0;
	s20 =	sshll.u32 s7, $0x1;
	s7 =	sadd.s32 s21, s5  }
0x9f: {  	[timem:s9], [sflag:s22] =	dma.local [hbm:s7], s20  }
0xa0: {  	_ =	swait.ge [sflag:s22], s20  }
0xa1: {  	s6 =	ssub.s32 $0x0, s20;
	[sflag:s22] =	ssyncset.done $0x0  }
0xa2: {  	[sflag:s22] =	ssyncadd.s32 s6;
	_ =	sdelay $0x1  }
0xa3: {  	s23 =	simm.s32 $0x1B8B  }
0xa4: {  	_ =	swait.ge [sflag:s23], $0x1  }
0xa5: {  	[sflag:s23] =	ssyncset.done $0x0  }
0xa6: {  	s25 =	simm.s32 $0x1B8E;
	s24 =	sld [smem:$0x3FFE];
	[sflag:s23] =	ssyncadd.s32 $0xFFFFFFFF  }
0xa7: {  	s26 =	simm.s32 $execute0_lowered;
	[smem:$0x3FD2] =	sst s25  }
0xa8: {  	s7 =	sshll.u32 s26, $0x1;
	_ =	strace $0x80000046;
	[dreg:$0x1] =	wrdreg $0xFFFFFFFF  }
0xa9: {  	s28 =	simm.s32 $_size_execute0_lowered;
	s5 =	sadd.s32 s5, s7;
	[dreg:$0x0] =	wrdreg $0x0  }
0xaa: {  	s7 =	sshll.u32 s28, $0x1;
	[dreg:$0x2] =	wrdreg s5  }
0xab: {  	[dreg:$0x3] =	wrdreg s7  }
0xac: {  	[dreg:$0x4] =	wrdreg $0xC0  }
0xad: {  	_ =	task [dreg:s9], $0x5FFFF  }
0xae: {  	[dreg:$0x1] =	wrdreg $0xFFFFFFFF  }
0xaf: {  	[dreg:$0x0] =	wrdreg $0x60  }
0xb0: {  	[dreg:$0x2] =	wrdreg s2  }
0xb1: {  	[dreg:$0x3] =	wrdreg s18  }
0xb2: {  	[dreg:$0x4] =	wrdreg s24  }
0xb3: {  	[dreg:$0x5] =	wrdreg s4  }
0xb4: {  	[dreg:$0x6] =	wrdreg $0x173800  }
0xb5: {  	[dreg:$0x7] =	wrdreg $0x19B800  }
0xb6: {  	[dreg:$0x8] =	wrdreg $0x19E000  }
0xb7: {  	[dreg:$0x9] =	wrdreg $0x1A0800  }
0xb8: {  	[dreg:$0xa] =	wrdreg $0x9  }
0xb9: {  	_ =	task.clear_ibuf [dreg:s9], $0xBFFFF;
	_ =	strace $0x90000046  }
0xba: {  	s29 =	simm.s32 $0x9;
	_ =	strace $0x80000048  }
0xbb: {  	_ =	swait.ge [sflag:s29], $0x1  }
0xbc: {  	[sflag:s29] =	ssyncadd.s32 $0xFFFFFFFF  }
0xbd: {  	_ =	strace $0x90000048  }
0xbe: {  	_ =	sfence  }
0xbf: {  	s30 =	sld [smem:$0x0];
	_ =	sdelay $0x2  }
0xc0: {  	s31 =	sshll.u32 s1, $0xD;
	s1 =	sshrl.u32 s1, $0x2  }
0xc1: {  	s3 =	sand.u32 $0x4000, s31;
	s1 =	sadd.s32 s1, s30  }
0xc2: {  	s0 =	sor.u32 s3, s0;
	s1 =	sshll.u32 s1, $0x11  }
0xc3: {  	s0 =	sor.u32 s1, s0  }
0xc4: {  	s0 =	sadd.s32 $0x8F2B, s0  }
0xc5: {  	[sflag:s0] =	ssyncadd.remote.s32 $0x1  }
0xc6: {  	_ =	sfence.sel $0xFFFF  }
0xc7: {  	[dreg:$0x0] =	wrdreg $0xFFFFFFFF;
	(pc) =	sbr.abs _section_cstart, $3  }
0xc8: {  	[dreg:$0x1] =	wrdreg $0xFFFFFFFF  }
0xc9: {  	_ =	task.clear_ibuf [dreg:s9], $0x2FFFF;
	_ =	strace $0x9FFFFFFF  }
0xca: {  	(tm) =	ssettm $0x7FFFFFFF  }
0xcb: {  	_ =	shalt  }
tec
execute0_lowered:
.L_overlay_start_1:
0x0: {  	(tag) =	ssettag $0x1  }
0x1: {  	s0 =	rddreg [dreg:$0x0]  }
0x2: {  	s1 =	rddreg [dreg:$0x1]  }
0x3: {  	s2 =	rddreg [dreg:$0x2]  }
0x4: {  	s3 =	rddreg [dreg:$0x4]  }
0x5: {  	s14 =	rddreg [dreg:$0x5]  }
0x6: {  	s15 =	rddreg [dreg:$0x6]  }
0x7: {  	s16 =	rddreg [dreg:$0x7]  }
0x8: {  	s13 =	stileid.u32;
	s17 =	simm.s32 $0x0;
	s5 =	srdreg.scid  }
0x9: {  	s4 =	smul.u32 $0xA0, s13;
	[smem:$0x7FF] =	sst s17;
	s5 =	sand.u32 $0x1, s5  }
0xa: {  	s6 =	sshrl.u32 s13, $0x2;
	s7 =	sshll.u32 s13, $0x8;
	s9 =	smul.u32 $0x4E00, s13  }
0xb: {  	p0 =	seq.s32 s13, $0xF;
	s18 =	smul.u32 $0x280, s13;
	s19 =	sshrl.u32 s13, $0x3  }
0xc: {  	s21 =	smul.u32 $0x5000, s13;
	s23 =	sshll.u32 s13, $0x7;
	s13 =	simm.s32 $0x7800  }
0xd: {  	_ =	strace $0x80000047;
	s6 =	smul.u32 $0x27400, s6;
	s8 =	sshll.u32 s5, $0x7  }
0xe: {  	s7 =	sand.u32 $0x300, s7;
	s10 =	sxor.u32 $0x1, s5;
	s30 =	ssub.s32 $0x2, s5  }
0xf: {  	s4 =	sadd.s32 s4, s2;
	s7 =	sor.u32 s8, s7;
	s8 =	simm.s32 $0x2800  }
0x10: {  	s11 =	sshrl.u32 s30, $0x1;
	s26 =	sadd.s32 s18, s14;
	s28 =	sadd.s32 s18, s15  }
0x11: {  	s29 =	sadd.s32 s18, s16;
	s14 =	simm.s32 $0x2;
	[dreg:$0x19] =	wrdreg s18  }
0x12: {  	s8 =	simm.s32 @!p0 $0x2700;
	s6 =	sor.u32 s6, s7;
	[smem:$0x7F9] =	sst s26  }
0x13: {  	s31 =	ssub.s32 s30, s11;
	s4 =	sadd.s32 $0xC00, s4;
	[smem:$0x7FA] =	sst s28  }
0x14: {  	[smem:$0x7FB] =	sst s29;
	s10 =	smul.u32 s10, s8;
	s6 =	sshrl.u32 s6, $0x3  }
0x15: {  	s12 =	smul.u32 s5, s8;
	[dreg:$0x1c] =	wrdreg s4;
	s31 =	smax.u32 s31, $0x1  }
0x16: {  	p0 =	sne.s32 s5, $0x0;
	s2 =	sadd.s32 s6, s2;
	[smem:$0x7FD] =	sst s31  }
0x17: {  	s11 =	sadd.s32 s9, s10;
	s9 =	sadd.s32 s9, s12;
	s30 =	sadd.s32 $0x1600, s2  }
0x18: {  	s12 =	simm.s32 $0x400;
	s10 =	sshrl.u32 s11, $0x2;
	s7 =	sshrl.u32 s11, $0x3  }
0x19: {  	s20 =	sshrl.u32 s9, $0x2;
	[smem:$0x7FC] =	sst s30;
	s10 =	sadd.s32 s0, s10  }
0x1a: {  	s22 =	sshrl.u32 s9, $0x3;
	s7 =	sadd.s32 s1, s7;
	[dreg:$0x1a] =	wrdreg s10  }
0x1b: {  	s0 =	sadd.s32 s0, s20;
	[dreg:$0x1b] =	wrdreg s7;
	s10 =	smul.u32 $0x50000, s19  }
0x1c: {  	s11 =	simm.s32 $0x80;
	s1 =	sadd.s32 s1, s22;
	[dreg:$0x1d] =	wrdreg s0  }
0x1d: {  	v2 =	vlaneseq.u32;
	s7 =	sand.u32 $0x380, s23;
	s0 =	sshrl.u32 s21, $0x2;
	s24 =	sshrl.u32 s10, $0x2  }
0x1e: {  	v0 =	vmul.u32 $0xFFFFFFFF, v2;
	v2 =	vmul.u32 $0x2, v2;
	[dreg:$0x1e] =	wrdreg s1;
	s0 =	sadd.s32 s0, s3;
	s9 =	sadd.s32 s24, s3  }
0x1f: {  	s1 =	simm.s32 $0x0;
	[smem:$0x7F8] =	sst s0;
	s25 =	sadd.s32 s7, s9  }
0x20: {  	v1 =	vimm.f32 $0.0e+00;
	[tilespmem:$0x1FFF0] =	vst v2;
	v0 =	vadd.s32 s8, v0;
	s10 =	simm.s32 $0x1;
	s9 =	simm.s32 $0x5000;
	[dreg:$0x1f] =	wrdreg s25  }
.LBB2_1:
0x21: {  	[smem:$0x7F7] =	sst s1  }
0x22: {  	s0 =	rddreg [dreg:$0x1a]  }
0x23: {  	[tilespmem:s17], [sflag:$0x1] =	stream.linear.gather [hbm4b:s0+s17], $0x5000, $0x38;
	[tilespmem:$0x1A300] =	vst v63  }
0x24: {  	s26 =	rddreg [dreg:$0x1b]  }
0x25: {  	[tilespmem:s9], [sflag:$0x1] =	stream.linear.gather [hbm4b:s26+s17], $0x2800, $0x38;
	[tilespmem:$0x1A300] =	vst v63  }
0x26: {  	s28 =	rddreg [dreg:$0x1c];
	s29 =	simm.s32 $0x16680  }
0x27: {  	[tilespmem:s29], [sflag:$0x1] =	stream.linear.gather [hbm4b:s28+s17], $0x500, $0x38;
	[tilespmem:$0x1A300] =	vst v63  }
0x28: {  	s30 =	rddreg [dreg:$0x3];
	s31 =	simm.s32 $0x16B80;
	s1 =	simm.s32 $0x7880  }
0x29: {  	[tilespmem:s31], [sflag:$0x1] =	stream.linear.gather [hbm4b:s30+s17], $0x80, $0x38;
	[tilespmem:$0x1A300] =	vst v63  }
0x2a: {  	[tilespmem:s1+$0xFFFFFF80] =	vst v1  }
0x2b: {  	[tilespmem:s1+$0x70] =	vst v1  }
0x2c: {  	[tilespmem:s1+$0x60] =	vst v1  }
0x2d: {  	[tilespmem:s1+$0x50] =	vst v1  }
0x2e: {  	[tilespmem:s1+$0x40] =	vst v1  }
0x2f: {  	[tilespmem:s1+$0x30] =	vst v1  }
0x30: {  	[tilespmem:s1+$0x20] =	vst v1  }
0x31: {  	[tilespmem:s1+$0x10] =	vst v1  }
0x32: {  	[tilespmem:s1+$0x0] =	vst v1  }
0x33: {  	[tilespmem:s1+$0xFFFFFFF0] =	vst v1  }
0x34: {  	[tilespmem:s1+$0xFFFFFFE0] =	vst v1  }
0x35: {  	[tilespmem:s1+$0xFFFFFFD0] =	vst v1  }
0x36: {  	[tilespmem:s1+$0xFFFFFFC0] =	vst v1  }
0x37: {  	[tilespmem:s1+$0xFFFFFFB0] =	vst v1  }
0x38: {  	s2 =	simm.s32 $0x0;
	[tilespmem:s1+$0xFFFFFFA0] =	vst v1  }
.LBB2_2:
0x39: {  	s2 =	sadd.s32 $0x10, s2;
	[tilespmem:s1+$0xFFFFFF90] =	vst v1;
	s1 =	sadd.s32 $0x100, s1;
	s0 =	simm.s32 $0x11880  }
0x3a: {  	[tilespmem:s1+$0xFFFFFF80] =	vst v1;
	p1 =	slt.u32 s2, $0x270  }
0x3b: {  	[tilespmem:s1+$0x70] =	vst v1  }
0x3c: {  	[tilespmem:s1+$0x60] =	vst v1  }
0x3d: {  	[tilespmem:s1+$0x50] =	vst v1  }
0x3e: {  	[tilespmem:s1+$0x40] =	vst v1  }
0x3f: {  	[tilespmem:s1+$0x30] =	vst v1  }
0x40: {  	[tilespmem:s1+$0x20] =	vst v1  }
0x41: {  	[tilespmem:s1+$0x10] =	vst v1  }
0x42: {  	[tilespmem:s1+$0x0] =	vst v1  }
0x43: {  	[tilespmem:s1+$0xFFFFFFF0] =	vst v1  }
.Ltmp0:
0x44: {  	[tilespmem:s1+$0xFFFFFFE0] =	vst v1;
	(pc) =	sbr.rel @p1 .LBB2_2-.Ltmp0, $4  }
0x45: {  	[tilespmem:s1+$0xFFFFFFD0] =	vst v1  }
0x46: {  	[tilespmem:s1+$0xFFFFFFC0] =	vst v1  }
0x47: {  	[tilespmem:s1+$0xFFFFFFB0] =	vst v1  }
0x48: {  	[tilespmem:s1+$0xFFFFFFA0] =	vst v1  }
0x49: {  	[tilespmem:s1+$0xFFFFFF90] =	vst v1  }
0x4a: {  	[tilespmem:s0+$0xFFFFFF80] =	vst v1  }
0x4b: {  	[tilespmem:s0+$0x70] =	vst v1  }
0x4c: {  	[tilespmem:s0+$0x60] =	vst v1  }
0x4d: {  	[tilespmem:s0+$0x50] =	vst v1  }
0x4e: {  	[tilespmem:s0+$0x40] =	vst v1  }
0x4f: {  	[tilespmem:s0+$0x30] =	vst v1  }
0x50: {  	[tilespmem:s0+$0x20] =	vst v1  }
0x51: {  	[tilespmem:s0+$0x10] =	vst v1  }
0x52: {  	[tilespmem:s0+$0x0] =	vst v1  }
0x53: {  	[tilespmem:s0+$0xFFFFFFF0] =	vst v1  }
0x54: {  	[tilespmem:s0+$0xFFFFFFE0] =	vst v1  }
0x55: {  	[tilespmem:s0+$0xFFFFFFD0] =	vst v1  }
0x56: {  	[tilespmem:s0+$0xFFFFFFC0] =	vst v1  }
0x57: {  	[tilespmem:s0+$0xFFFFFFB0] =	vst v1  }
0x58: {  	s1 =	simm.s32 $0x0;
	[tilespmem:s0+$0xFFFFFFA0] =	vst v1  }
.LBB2_4:
0x59: {  	s1 =	sadd.s32 $0x10, s1;
	[tilespmem:s0+$0xFFFFFF90] =	vst v1;
	s0 =	sadd.s32 $0x100, s0  }
0x5a: {  	[tilespmem:s0+$0xFFFFFF80] =	vst v1;
	p1 =	slt.u32 s1, $0x4D0  }
0x5b: {  	[tilespmem:s0+$0x70] =	vst v1  }
0x5c: {  	[tilespmem:s0+$0x60] =	vst v1  }
0x5d: {  	[tilespmem:s0+$0x50] =	vst v1  }
0x5e: {  	[tilespmem:s0+$0x40] =	vst v1  }
0x5f: {  	[tilespmem:s0+$0x30] =	vst v1  }
0x60: {  	[tilespmem:s0+$0x20] =	vst v1  }
0x61: {  	[tilespmem:s0+$0x10] =	vst v1  }
0x62: {  	[tilespmem:s0+$0x0] =	vst v1  }
0x63: {  	[tilespmem:s0+$0xFFFFFFF0] =	vst v1  }
.Ltmp1:
0x64: {  	[tilespmem:s0+$0xFFFFFFE0] =	vst v1;
	(pc) =	sbr.rel @p1 .LBB2_4-.Ltmp1, $4  }
0x65: {  	[tilespmem:s0+$0xFFFFFFD0] =	vst v1  }
0x66: {  	[tilespmem:s0+$0xFFFFFFC0] =	vst v1  }
0x67: {  	[tilespmem:s0+$0xFFFFFFB0] =	vst v1  }
0x68: {  	[tilespmem:s0+$0xFFFFFFA0] =	vst v1  }
0x69: {  	[tilespmem:s0+$0xFFFFFF90] =	vst v1;
	s0 =	simm.s32 $0x0  }
.LBB2_6:
0x6a: {  	p1 =	sne.s32 s0, $0x40  }
.Ltmp2:
0x6b: {  	_ = 	snop;
	(pc) =	sbr.rel @p1 .LBB2_6-.Ltmp2, $3  }
0x6c: {  	_ =	sdelay $0x1  }
0x6d: {  	s1 =	sshra.s32 s0, $0x2  }
0x6e: {  	s0 =	sadd.s32 $0x40, s0;
	[tilespmem:s1+$0x16600] =	vst v1  }
0x6f: {  	_ =	swait.ge [sflag:s10], $0x5000  }
0x70: {  	[sflag:s10] =	ssyncset.done $0x0  }
0x71: {  	[sflag:s10] =	ssyncadd.s32 $0xFFFFB000  }
0x72: {  	_ =	swait.ge [sflag:s10], $0x2800  }
0x73: {  	[sflag:s10] =	ssyncset.done $0x0  }
0x74: {  	[sflag:s10] =	ssyncadd.s32 $0xFFFFD800  }
0x75: {  	_ =	swait.ge [sflag:s10], $0x500  }
0x76: {  	[sflag:s10] =	ssyncset.done $0x0  }
0x77: {  	[sflag:s10] =	ssyncadd.s32 $0xFFFFFB00  }
0x78: {  	_ =	swait.ge [sflag:s10], $0x80  }
0x79: {  	[sflag:s10] =	ssyncset.done $0x0  }
0x7a: {  	s2 =	simm.s32 $0x180;
	[sflag:s10] =	ssyncadd.s32 $0xFFFFFF80  }
0x7b: {  	v2 =	vld [tilespmem:s2+$0x70]  }
0x7c: {  	v4 =	vld [tilespmem:s2+$0xFFFFFF00]  }
0x7d: {  	s1 =	simm.s32 $0x5080;
	v6 =	vld [tilespmem:s2+$0xFFFFFF10]  }
0x7e: {  	v48 =	vld [tilespmem:s1+$0x70]  }
0x7f: {  	v7 =	vld [tilespmem:s2+$0xFFFFFF20]  }
0x80: {  	v8 =	vld [tilespmem:s2+$0xFFFFFF30]  }
0x81: {  	v9 =	vld [tilespmem:s2+$0xFFFFFF40]  }
0x82: {  	v10 =	vld [tilespmem:s2+$0xFFFFFF50]  }
0x83: {  	v49 =	vld [tilespmem:s2+$0xFFFFFF70]  }
0x84: {  	v11 =	vld [tilespmem:s2+$0x0]  }
0x85: {  	v12 =	vld [tilespmem:s2+$0x10]  }
0x86: {  	v13 =	vld [tilespmem:s2+$0x20]  }
0x87: {  	v14 =	vld [tilespmem:s2+$0x30]  }
0x88: {  	v15 =	vld [tilespmem:s2+$0x40]  }
0x89: {  	v16 =	vld [tilespmem:s2+$0x50]  }
0x8a: {  	v17 =	vld [tilespmem:s2+$0x60]  }
0x8b: {  	v18 =	vld [tilespmem:s1+$0xFFFFFF80]  }
0x8c: {  	v19 =	vld [tilespmem:s1+$0xFFFFFF90]  }
0x8d: {  	v20 =	vld [tilespmem:s1+$0xFFFFFFA0]  }
0x8e: {  	v21 =	vld [tilespmem:s1+$0xFFFFFFB0]  }
0x8f: {  	v22 =	vld [tilespmem:s1+$0xFFFFFFC0]  }
0x90: {  	v23 =	vld [tilespmem:s1+$0xFFFFFFD0]  }
0x91: {  	v24 =	vld [tilespmem:s1+$0xFFFFFFE0]  }
0x92: {  	s0 =	simm.s32 $0xF0;
	v26 =	vld [tilespmem:s1+$0xFFFFFFF0]  }
0x93: {  	v5 =	vmov s0;
	v50 =	vld [tilespmem:s1+$0x0]  }
0x94: {  	s16 =	simm.s32 $0x0;
	vm0 =	vlt.u32 v5, v0;
	v28 =	vld [tilespmem:s1+$0x10]  }
0x95: {  	s18 =	simm.s32 $0x10;
	v25 =	vmov s16;
	v51 =	vld [tilespmem:s1+$0x20]  }
0x96: {  	s3 =	simm.s32 $0x20;
	v27 =	vmov s18;
	vm14 =	vlt.u32 v25, v0;
	v52 =	vld [tilespmem:s1+$0x30]  }
0x97: {  	s19 =	simm.s32 $0x30;
	v29 =	vmov s3;
	vm1 =	vlt.u32 v27, v0;
	v53 =	vld [tilespmem:s1+$0x40]  }
0x98: {  	s20 =	simm.s32 $0x40;
	v30 =	vmov s19;
	vm2 =	vlt.u32 v29, v0;
	v54 =	vld [tilespmem:s1+$0x50]  }
0x99: {  	s21 =	simm.s32 $0x50;
	v31 =	vmov s20;
	vm3 =	vlt.u32 v30, v0;
	v57 =	vld [tilespmem:s1+$0x60]  }
0x9a: {  	s23 =	simm.s32 $0x70;
	v32 =	vmov s21;
	vm4 =	vlt.u32 v31, v0;
	[tilespmem:v2+s13+$0x0] =	vst.idx.add.f32.msk vm0, v48  }
0x9b: {  	s22 =	simm.s32 $0x60;
	v56 =	vmov s23;
	vm5 =	vlt.u32 v32, v0;
	v2 =	vld [tilespmem:s2+$0xFFFFFF60]  }
0x9c: {  	s24 =	simm.s32 $0x80;
	v55 =	vmov s22;
	vm6 =	vlt.u32 v56, v0;
	[tilespmem:v4+s13+$0x0] =	vst.idx.add.f32.msk vm14, v18  }
0x9d: {  	s25 =	simm.s32 $0x90;
	v58 =	vmov s24;
	vm15 =	vlt.u32 v55, v0;
	[tilespmem:v6+s13+$0x0] =	vst.idx.add.f32.msk vm1, v19  }
0x9e: {  	s26 =	simm.s32 $0xA0;
	v59 =	vmov s25;
	vm9 =	vlt.u32 v58, v0;
	[tilespmem:v7+s13+$0x0] =	vst.idx.add.f32.msk vm2, v20  }
0x9f: {  	s28 =	simm.s32 $0xB0;
	v60 =	vmov s26;
	vm10 =	vlt.u32 v59, v0;
	[tilespmem:v8+s13+$0x0] =	vst.idx.add.f32.msk vm3, v21  }
0xa0: {  	s29 =	simm.s32 $0xC0;
	v61 =	vmov s28;
	vm11 =	vlt.u32 v60, v0;
	[tilespmem:v9+s13+$0x0] =	vst.idx.add.f32.msk vm4, v22  }
0xa1: {  	s30 =	simm.s32 $0xD0;
	v62 =	vmov s29;
	vm12 =	vlt.u32 v61, v0;
	[tilespmem:v10+s13+$0x0] =	vst.idx.add.f32.msk vm5, v23  }
0xa2: {  	s31 =	simm.s32 $0xE0;
	v63 =	vmov s30;
	vm13 =	vlt.u32 v62, v0;
	[tilespmem:v49+s13+$0x0] =	vst.idx.add.f32.msk vm6, v26  }
0xa3: {  	vm14 =	vlt.u32 v63, v0;
	[tilespmem:v2+s13+$0x0] =	vst.idx.add.f32.msk vm15, v24;
	v2 =	vmov s31  }
0xa4: {  	[tilespmem:v11+s13+$0x0] =	vst.idx.add.f32.msk vm9, v50;
	vm15 =	vlt.u32 v2, v0  }
0xa5: {  	[tilespmem:v12+s13+$0x0] =	vst.idx.add.f32.msk vm10, v28  }
0xa6: {  	[tilespmem:v13+s13+$0x0] =	vst.idx.add.f32.msk vm11, v51  }
0xa7: {  	[tilespmem:v14+s13+$0x0] =	vst.idx.add.f32.msk vm12, v52  }
0xa8: {  	[tilespmem:v15+s13+$0x0] =	vst.idx.add.f32.msk vm13, v53  }
0xa9: {  	[tilespmem:v16+s13+$0x0] =	vst.idx.add.f32.msk vm14, v54  }
0xaa: {  	s3 =	simm.s32 $0x380;
	s2 =	simm.s32 $0x0;
	[tilespmem:v17+s13+$0x0] =	vst.idx.add.f32.msk vm15, v57  }
.LBB2_8:
0xab: {  	v2 =	vld [tilespmem:s3+$0x70];
	s2 =	sadd.s32 $0x10, s2;
	s0 =	sadd.s32 $0x100, s0  }
0xac: {  	v4 =	vld [tilespmem:s3+$0xFFFFFF00];
	s4 =	sadd.s32 $0xFFFFFF20, s0;
	s5 =	sadd.s32 $0xFFFFFF30, s0;
	v5 =	vmov s0;
	p1 =	slt.u32 s2, $0x270  }
0xad: {  	s1 =	sadd.s32 $0x100, s1;
	v6 =	vmov s4;
	v7 =	vld [tilespmem:s3+$0xFFFFFF10];
	v8 =	vmov s5;
	s4 =	sadd.s32 $0xFFFFFF40, s0;
	s5 =	sadd.s32 $0xFFFFFF50, s0;
	vm2 =	vlt.u32 v5, v0  }
0xae: {  	s6 =	sadd.s32 $0xFFFFFF80, s0;
	vm0 =	vlt.u32 v6, v0;
	v5 =	vmov s4;
	v6 =	vmov s5;
	s4 =	sadd.s32 $0xFFFFFF60, s0;
	s5 =	sadd.s32 $0xFFFFFF70, s0;
	v9 =	vld [tilespmem:s1+$0x70]  }
0xaf: {  	v13 =	vmov s6;
	s6 =	sadd.s32 $0xFFFFFFB0, s0;
	v10 =	vld [tilespmem:s3+$0xFFFFFF20];
	v11 =	vmov s4;
	v12 =	vmov s5;
	s4 =	sadd.s32 $0xFFFFFF90, s0;
	s5 =	sadd.s32 $0xFFFFFFA0, s0  }
0xb0: {  	v17 =	vmov s6;
	s6 =	sadd.s32 $0xFFFFFFE0, s0;
	v14 =	vld [tilespmem:s3+$0xFFFFFF30];
	v15 =	vmov s4;
	v16 =	vmov s5;
	s4 =	sadd.s32 $0xFFFFFFC0, s0;
	s5 =	sadd.s32 $0xFFFFFFD0, s0  }
0xb1: {  	s7 =	sadd.s32 $0xFFFFFF10, s0;
	v21 =	vmov s6;
	v18 =	vld [tilespmem:s3+$0xFFFFFF40];
	v19 =	vmov s4;
	v20 =	vmov s5;
	s4 =	sadd.s32 $0xFFFFFFF0, s0  }
0xb2: {  	v22 =	vmov s7;
	vm1 =	vlt.u32 v8, v0;
	v8 =	vld [tilespmem:s3+$0xFFFFFF50];
	v23 =	vmov s4  }
0xb3: {  	vm14 =	vlt.u32 v22, v0;
	vm8 =	vlt.u32 v5, v0;
	[tilespmem:v2+s13+$0x0] =	vst.idx.add.f32.msk vm2, v9  }
0xb4: {  	vm13 =	vlt.u32 v6, v0;
	vm9 =	vlt.u32 v11, v0;
	vm4 =	vlt.u32 v12, v0;
	v2 =	vld [tilespmem:s3+$0xFFFFFF60]  }
0xb5: {  	vm10 =	vlt.u32 v13, v0;
	vm11 =	vlt.u32 v15, v0;
	vm5 =	vlt.u32 v16, v0;
	v5 =	vld [tilespmem:s3+$0xFFFFFF70]  }
0xb6: {  	vm12 =	vlt.u32 v17, v0;
	vm6 =	vlt.u32 v19, v0;
	vm2 =	vlt.u32 v20, v0;
	v6 =	vld [tilespmem:s3+$0x0]  }
0xb7: {  	vm7 =	vlt.u32 v21, v0;
	vm3 =	vlt.u32 v23, v0;
	v9 =	vld [tilespmem:s3+$0x10]  }
0xb8: {  	v11 =	vld [tilespmem:s3+$0x20]  }
0xb9: {  	v12 =	vld [tilespmem:s3+$0x30]  }
0xba: {  	v13 =	vld [tilespmem:s3+$0x40]  }
0xbb: {  	v15 =	vld [tilespmem:s3+$0x50]  }
0xbc: {  	v16 =	vld [tilespmem:s3+$0x60]  }
0xbd: {  	v17 =	vld [tilespmem:s1+$0xFFFFFF80]  }
0xbe: {  	v19 =	vld [tilespmem:s1+$0xFFFFFF90]  }
0xbf: {  	v20 =	vld [tilespmem:s1+$0xFFFFFFA0]  }
0xc0: {  	v21 =	vld [tilespmem:s1+$0xFFFFFFB0]  }
0xc1: {  	v22 =	vld [tilespmem:s1+$0xFFFFFFC0]  }
0xc2: {  	v23 =	vld [tilespmem:s1+$0xFFFFFFD0]  }
0xc3: {  	v24 =	vld [tilespmem:s1+$0xFFFFFFE0]  }
0xc4: {  	v25 =	vld [tilespmem:s1+$0xFFFFFFF0]  }
0xc5: {  	v26 =	vld [tilespmem:s1+$0x0]  }
0xc6: {  	v27 =	vld [tilespmem:s1+$0x10]  }
0xc7: {  	v28 =	vld [tilespmem:s1+$0x20]  }
0xc8: {  	v29 =	vld [tilespmem:s1+$0x30]  }
0xc9: {  	v30 =	vld [tilespmem:s1+$0x40]  }
0xca: {  	v31 =	vld [tilespmem:s1+$0x50]  }
0xcb: {  	v32 =	vld [tilespmem:s1+$0x60]  }
0xcc: {  	[tilespmem:v4+s13+$0x0] =	vst.idx.add.f32.msk vm14, v17  }
0xcd: {  	[tilespmem:v7+s13+$0x0] =	vst.idx.add.f32.msk vm0, v19  }
0xce: {  	[tilespmem:v10+s13+$0x0] =	vst.idx.add.f32.msk vm1, v20  }
0xcf: {  	[tilespmem:v14+s13+$0x0] =	vst.idx.add.f32.msk vm8, v21  }
0xd0: {  	[tilespmem:v18+s13+$0x0] =	vst.idx.add.f32.msk vm13, v22  }
0xd1: {  	[tilespmem:v8+s13+$0x0] =	vst.idx.add.f32.msk vm9, v23  }
0xd2: {  	[tilespmem:v2+s13+$0x0] =	vst.idx.add.f32.msk vm4, v24  }
0xd3: {  	[tilespmem:v5+s13+$0x0] =	vst.idx.add.f32.msk vm10, v25  }
0xd4: {  	[tilespmem:v6+s13+$0x0] =	vst.idx.add.f32.msk vm11, v26  }
0xd5: {  	[tilespmem:v9+s13+$0x0] =	vst.idx.add.f32.msk vm5, v27  }
.Ltmp3:
0xd6: {  	[tilespmem:v11+s13+$0x0] =	vst.idx.add.f32.msk vm12, v28;
	(pc) =	sbr.rel @p1 .LBB2_8-.Ltmp3, $4  }
0xd7: {  	[tilespmem:v12+s13+$0x0] =	vst.idx.add.f32.msk vm6, v29  }
0xd8: {  	[tilespmem:v13+s13+$0x0] =	vst.idx.add.f32.msk vm2, v30  }
0xd9: {  	[tilespmem:v15+s13+$0x0] =	vst.idx.add.f32.msk vm7, v31  }
0xda: {  	s3 =	sadd.s32 $0x200, s3;
	[tilespmem:v16+s13+$0x0] =	vst.idx.add.f32.msk vm3, v32  }
0xdb: {  	s0 =	rddreg [dreg:$0x1d]  }
0xdc: {  	[tilespmem:s17], [sflag:$0x1] =	stream.linear.gather [hbm4b:s0+s17], $0x5000, $0x38;
	[tilespmem:$0x1A300] =	vst v63  }
0xdd: {  	s16 =	rddreg [dreg:$0x1e]  }
0xde: {  	[tilespmem:s9], [sflag:$0x1] =	stream.linear.gather [hbm4b:s16+s17], $0x2800, $0x38;
	[tilespmem:$0x1A300] =	vst v63  }
0xdf: {  	_ =	swait.ge [sflag:s10], $0x5000  }
0xe0: {  	[sflag:s10] =	ssyncset.done $0x0  }
0xe1: {  	[sflag:s10] =	ssyncadd.s32 $0xFFFFB000  }
0xe2: {  	_ =	swait.ge [sflag:s10], $0x2800  }
0xe3: {  	[sflag:s10] =	ssyncset.done $0x0  }
0xe4: {  	s2 =	simm.s32 $0x180;
	[sflag:s10] =	ssyncadd.s32 $0xFFFFD800  }
0xe5: {  	v2 =	vld [tilespmem:s2+$0x70]  }
0xe6: {  	v4 =	vld [tilespmem:s2+$0xFFFFFF00]  }
0xe7: {  	s1 =	simm.s32 $0x5080;
	v6 =	vld [tilespmem:s2+$0xFFFFFF10]  }
0xe8: {  	v48 =	vld [tilespmem:s1+$0x70]  }
0xe9: {  	v7 =	vld [tilespmem:s2+$0xFFFFFF20]  }
0xea: {  	v8 =	vld [tilespmem:s2+$0xFFFFFF30]  }
0xeb: {  	v9 =	vld [tilespmem:s2+$0xFFFFFF40]  }
0xec: {  	v10 =	vld [tilespmem:s2+$0xFFFFFF50]  }
0xed: {  	v49 =	vld [tilespmem:s2+$0xFFFFFF70]  }
0xee: {  	v11 =	vld [tilespmem:s2+$0x0]  }
0xef: {  	v12 =	vld [tilespmem:s2+$0x10]  }
0xf0: {  	v13 =	vld [tilespmem:s2+$0x20]  }
0xf1: {  	v14 =	vld [tilespmem:s2+$0x30]  }
0xf2: {  	v15 =	vld [tilespmem:s2+$0x40]  }
0xf3: {  	v16 =	vld [tilespmem:s2+$0x50]  }
0xf4: {  	v17 =	vld [tilespmem:s2+$0x60]  }
0xf5: {  	v18 =	vld [tilespmem:s1+$0xFFFFFF80]  }
0xf6: {  	v19 =	vld [tilespmem:s1+$0xFFFFFF90]  }
0xf7: {  	v20 =	vld [tilespmem:s1+$0xFFFFFFA0]  }
0xf8: {  	v21 =	vld [tilespmem:s1+$0xFFFFFFB0]  }
0xf9: {  	v22 =	vld [tilespmem:s1+$0xFFFFFFC0]  }
0xfa: {  	v23 =	vld [tilespmem:s1+$0xFFFFFFD0]  }
0xfb: {  	v24 =	vld [tilespmem:s1+$0xFFFFFFE0]  }
0xfc: {  	s0 =	simm.s32 $0xF0;
	v26 =	vld [tilespmem:s1+$0xFFFFFFF0]  }
0xfd: {  	v5 =	vmov s0;
	v50 =	vld [tilespmem:s1+$0x0]  }
0xfe: {  	vm0 =	vlt.u32 v5, v0;
	s17 =	simm.s32 $0x0;
	v28 =	vld [tilespmem:s1+$0x10]  }
0xff: {  	s18 =	simm.s32 $0x10;
	v25 =	vmov s17;
	v51 =	vld [tilespmem:s1+$0x20]  }
0x100: {  	s3 =	simm.s32 $0x20;
	v27 =	vmov s18;
	vm14 =	vlt.u32 v25, v0;
	v52 =	vld [tilespmem:s1+$0x30]  }
0x101: {  	s19 =	simm.s32 $0x30;
	v29 =	vmov s3;
	vm1 =	vlt.u32 v27, v0;
	v53 =	vld [tilespmem:s1+$0x40]  }
0x102: {  	s20 =	simm.s32 $0x40;
	v30 =	vmov s19;
	vm2 =	vlt.u32 v29, v0;
	v54 =	vld [tilespmem:s1+$0x50]  }
0x103: {  	s21 =	simm.s32 $0x50;
	v31 =	vmov s20;
	vm3 =	vlt.u32 v30, v0;
	v57 =	vld [tilespmem:s1+$0x60]  }
0x104: {  	s23 =	simm.s32 $0x70;
	v32 =	vmov s21;
	vm4 =	vlt.u32 v31, v0;
	[tilespmem:v2+s13+$0x0] =	vst.idx.add.f32.msk vm0, v48  }
0x105: {  	s22 =	simm.s32 $0x60;
	v56 =	vmov s23;
	vm5 =	vlt.u32 v32, v0;
	v2 =	vld [tilespmem:s2+$0xFFFFFF60]  }
0x106: {  	s24 =	simm.s32 $0x80;
	v55 =	vmov s22;
	vm6 =	vlt.u32 v56, v0;
	[tilespmem:v4+s13+$0x0] =	vst.idx.add.f32.msk vm14, v18  }
0x107: {  	s25 =	simm.s32 $0x90;
	v58 =	vmov s24;
	vm15 =	vlt.u32 v55, v0;
	[tilespmem:v6+s13+$0x0] =	vst.idx.add.f32.msk vm1, v19  }
0x108: {  	s26 =	simm.s32 $0xA0;
	v59 =	vmov s25;
	vm9 =	vlt.u32 v58, v0;
	[tilespmem:v7+s13+$0x0] =	vst.idx.add.f32.msk vm2, v20  }
0x109: {  	s28 =	simm.s32 $0xB0;
	v60 =	vmov s26;
	vm10 =	vlt.u32 v59, v0;
	[tilespmem:v8+s13+$0x0] =	vst.idx.add.f32.msk vm3, v21  }
0x10a: {  	s29 =	simm.s32 $0xC0;
	v61 =	vmov s28;
	vm11 =	vlt.u32 v60, v0;
	[tilespmem:v9+s13+$0x0] =	vst.idx.add.f32.msk vm4, v22  }
0x10b: {  	s30 =	simm.s32 $0xD0;
	v62 =	vmov s29;
	vm12 =	vlt.u32 v61, v0;
	[tilespmem:v10+s13+$0x0] =	vst.idx.add.f32.msk vm5, v23  }
0x10c: {  	s31 =	simm.s32 $0xE0;
	v63 =	vmov s30;
	vm13 =	vlt.u32 v62, v0;
	[tilespmem:v49+s13+$0x0] =	vst.idx.add.f32.msk vm6, v26  }
0x10d: {  	vm14 =	vlt.u32 v63, v0;
	[tilespmem:v2+s13+$0x0] =	vst.idx.add.f32.msk vm15, v24;
	v2 =	vmov s31  }
0x10e: {  	[tilespmem:v11+s13+$0x0] =	vst.idx.add.f32.msk vm9, v50;
	vm15 =	vlt.u32 v2, v0  }
0x10f: {  	[tilespmem:v12+s13+$0x0] =	vst.idx.add.f32.msk vm10, v28  }
0x110: {  	[tilespmem:v13+s13+$0x0] =	vst.idx.add.f32.msk vm11, v51  }
0x111: {  	[tilespmem:v14+s13+$0x0] =	vst.idx.add.f32.msk vm12, v52  }
0x112: {  	[tilespmem:v15+s13+$0x0] =	vst.idx.add.f32.msk vm13, v53  }
0x113: {  	[tilespmem:v16+s13+$0x0] =	vst.idx.add.f32.msk vm14, v54  }
0x114: {  	s3 =	simm.s32 $0x380;
	s2 =	simm.s32 $0x0;
	[tilespmem:v17+s13+$0x0] =	vst.idx.add.f32.msk vm15, v57  }
.LBB2_10:
0x115: {  	v2 =	vld [tilespmem:s3+$0x70];
	s2 =	sadd.s32 $0x10, s2;
	s0 =	sadd.s32 $0x100, s0  }
0x116: {  	v4 =	vld [tilespmem:s3+$0xFFFFFF00];
	s4 =	sadd.s32 $0xFFFFFF20, s0;
	s5 =	sadd.s32 $0xFFFFFF30, s0;
	v5 =	vmov s0;
	p1 =	slt.u32 s2, $0x270  }
0x117: {  	s1 =	sadd.s32 $0x100, s1;
	v6 =	vmov s4;
	v7 =	vld [tilespmem:s3+$0xFFFFFF10];
	v8 =	vmov s5;
	s4 =	sadd.s32 $0xFFFFFF40, s0;
	s5 =	sadd.s32 $0xFFFFFF50, s0;
	vm2 =	vlt.u32 v5, v0  }
0x118: {  	s6 =	sadd.s32 $0xFFFFFF80, s0;
	vm0 =	vlt.u32 v6, v0;
	v5 =	vmov s4;
	v6 =	vmov s5;
	s4 =	sadd.s32 $0xFFFFFF60, s0;
	s5 =	sadd.s32 $0xFFFFFF70, s0;
	v9 =	vld [tilespmem:s1+$0x70]  }
0x119: {  	v13 =	vmov s6;
	s6 =	sadd.s32 $0xFFFFFFB0, s0;
	v10 =	vld [tilespmem:s3+$0xFFFFFF20];
	v11 =	vmov s4;
	v12 =	vmov s5;
	s4 =	sadd.s32 $0xFFFFFF90, s0;
	s5 =	sadd.s32 $0xFFFFFFA0, s0  }
0x11a: {  	v17 =	vmov s6;
	s6 =	sadd.s32 $0xFFFFFFE0, s0;
	v14 =	vld [tilespmem:s3+$0xFFFFFF30];
	v15 =	vmov s4;
	v16 =	vmov s5;
	s4 =	sadd.s32 $0xFFFFFFC0, s0;
	s5 =	sadd.s32 $0xFFFFFFD0, s0  }
0x11b: {  	s7 =	sadd.s32 $0xFFFFFF10, s0;
	v21 =	vmov s6;
	v18 =	vld [tilespmem:s3+$0xFFFFFF40];
	v19 =	vmov s4;
	v20 =	vmov s5;
	s4 =	sadd.s32 $0xFFFFFFF0, s0  }
0x11c: {  	v22 =	vmov s7;
	vm1 =	vlt.u32 v8, v0;
	v8 =	vld [tilespmem:s3+$0xFFFFFF50];
	v23 =	vmov s4  }
0x11d: {  	vm14 =	vlt.u32 v22, v0;
	vm8 =	vlt.u32 v5, v0;
	[tilespmem:v2+s13+$0x0] =	vst.idx.add.f32.msk vm2, v9  }
0x11e: {  	vm13 =	vlt.u32 v6, v0;
	vm9 =	vlt.u32 v11, v0;
	vm4 =	vlt.u32 v12, v0;
	v2 =	vld [tilespmem:s3+$0xFFFFFF60]  }
0x11f: {  	vm10 =	vlt.u32 v13, v0;
	vm11 =	vlt.u32 v15, v0;
	vm5 =	vlt.u32 v16, v0;
	v5 =	vld [tilespmem:s3+$0xFFFFFF70]  }
0x120: {  	vm12 =	vlt.u32 v17, v0;
	vm6 =	vlt.u32 v19, v0;
	vm2 =	vlt.u32 v20, v0;
	v6 =	vld [tilespmem:s3+$0x0]  }
0x121: {  	vm7 =	vlt.u32 v21, v0;
	vm3 =	vlt.u32 v23, v0;
	v9 =	vld [tilespmem:s3+$0x10]  }
0x122: {  	v11 =	vld [tilespmem:s3+$0x20]  }
0x123: {  	v12 =	vld [tilespmem:s3+$0x30]  }
0x124: {  	v13 =	vld [tilespmem:s3+$0x40]  }
0x125: {  	v15 =	vld [tilespmem:s3+$0x50]  }
0x126: {  	v16 =	vld [tilespmem:s3+$0x60]  }
0x127: {  	v17 =	vld [tilespmem:s1+$0xFFFFFF80]  }
0x128: {  	v19 =	vld [tilespmem:s1+$0xFFFFFF90]  }
0x129: {  	v20 =	vld [tilespmem:s1+$0xFFFFFFA0]  }
0x12a: {  	v21 =	vld [tilespmem:s1+$0xFFFFFFB0]  }
0x12b: {  	v22 =	vld [tilespmem:s1+$0xFFFFFFC0]  }
0x12c: {  	v23 =	vld [tilespmem:s1+$0xFFFFFFD0]  }
0x12d: {  	v24 =	vld [tilespmem:s1+$0xFFFFFFE0]  }
0x12e: {  	v25 =	vld [tilespmem:s1+$0xFFFFFFF0]  }
0x12f: {  	v26 =	vld [tilespmem:s1+$0x0]  }
0x130: {  	v27 =	vld [tilespmem:s1+$0x10]  }
0x131: {  	v28 =	vld [tilespmem:s1+$0x20]  }
0x132: {  	v29 =	vld [tilespmem:s1+$0x30]  }
0x133: {  	v30 =	vld [tilespmem:s1+$0x40]  }
0x134: {  	v31 =	vld [tilespmem:s1+$0x50]  }
0x135: {  	v32 =	vld [tilespmem:s1+$0x60]  }
0x136: {  	[tilespmem:v4+s13+$0x0] =	vst.idx.add.f32.msk vm14, v17  }
0x137: {  	[tilespmem:v7+s13+$0x0] =	vst.idx.add.f32.msk vm0, v19  }
0x138: {  	[tilespmem:v10+s13+$0x0] =	vst.idx.add.f32.msk vm1, v20  }
0x139: {  	[tilespmem:v14+s13+$0x0] =	vst.idx.add.f32.msk vm8, v21  }
0x13a: {  	[tilespmem:v18+s13+$0x0] =	vst.idx.add.f32.msk vm13, v22  }
0x13b: {  	[tilespmem:v8+s13+$0x0] =	vst.idx.add.f32.msk vm9, v23  }
0x13c: {  	[tilespmem:v2+s13+$0x0] =	vst.idx.add.f32.msk vm4, v24  }
0x13d: {  	[tilespmem:v5+s13+$0x0] =	vst.idx.add.f32.msk vm10, v25  }
0x13e: {  	[tilespmem:v6+s13+$0x0] =	vst.idx.add.f32.msk vm11, v26  }
0x13f: {  	[tilespmem:v9+s13+$0x0] =	vst.idx.add.f32.msk vm5, v27  }
.Ltmp4:
0x140: {  	[tilespmem:v11+s13+$0x0] =	vst.idx.add.f32.msk vm12, v28;
	(pc) =	sbr.rel @p1 .LBB2_10-.Ltmp4, $4  }
0x141: {  	[tilespmem:v12+s13+$0x0] =	vst.idx.add.f32.msk vm6, v29  }
0x142: {  	[tilespmem:v13+s13+$0x0] =	vst.idx.add.f32.msk vm2, v30  }
0x143: {  	[tilespmem:v15+s13+$0x0] =	vst.idx.add.f32.msk vm7, v31  }
0x144: {  	s3 =	sadd.s32 $0x200, s3;
	[tilespmem:v16+s13+$0x0] =	vst.idx.add.f32.msk vm3, v32  }
0x145: {  	s0 =	rddreg [dreg:$0x1f]  }
0x146: {  	[spmem:s0] =	stream.strided.scatter [tilespmem:s13], [sflag:$0x2], $0x2800, s12, s11, $0x38;
	[tilespmem:$0x1A300] =	vst v63  }
0x147: {  	_ =	swait.ge [sflag:s14], $0x2800  }
0x148: {  	[sflag:s14] =	ssyncset.done $0x0  }
0x149: {  	[sflag:s14] =	ssyncadd.s32 $0xFFFFD800  }
0x14a: {  	[bflag:$0x0] =	sbarrier.arrive $0xFFFF  }
0x14b: {  	s24 =	sld [smem:$0x7F8]  }
0x14c: {  	s1 =	simm.s32 $0x1400;
	s2 =	simm.s32 $0x14000  }
0x14d: {  	s3 =	simm.s32 $0xA000;
	s25 =	simm.s32 $0x0;
	s0 =	simm.s32 $0x0  }
0x14e: {  	[tilespmem:s3], [sflag:$0x2] =	stream.strided.gather [spmem:s24], $0x2800, s2, s1, $0x38;
	[tilespmem:$0x1A300] =	vst v63  }
0x14f: {  	s6 =	sand.u32 $0x3FFFFC00, s25;
	s2 =	sand.u32 $0x40, s0;
	_ =	swait.ge [sflag:s14], $0x2800  }
0x150: {  	s1 =	sadd.s32 $0xA000, s6;
	s3 =	sor.u32 $0x30, s2;
	[sflag:s14] =	ssyncset.done $0x0  }
0x151: {  	s4 =	sor.u32 s3, s1;
	[sflag:s14] =	ssyncadd.s32 $0xFFFFD800  }
0x152: {  	v2 =	vld [tilespmem:s4+$0x0]  }
0x153: {  	v4 =	vld [tilespmem:s4+$0x80];
	_ =	sdelay $0x1  }
0x154: {  	v5 =	vld [tilespmem:s4+$0x100];
	_ =	sdelay $0x1  }
0x155: {  	v6 =	vld [tilespmem:s4+$0x180]  }
0x156: {  	v2 =	vadd.f32 v4, v2  }
0x157: {  	v4 =	vld [tilespmem:s4+$0x200]  }
0x158: {  	v2 =	vadd.f32 v5, v2  }
0x159: {  	v5 =	vld [tilespmem:s4+$0x280]  }
0x15a: {  	v2 =	vadd.f32 v6, v2  }
0x15b: {  	v6 =	vld [tilespmem:s4+$0x300]  }
0x15c: {  	v2 =	vadd.f32 v4, v2  }
0x15d: {  	s31 =	sadd.s32 $0xB400, s6;
	s5 =	sor.u32 s2, s1;
	v4 =	vld [tilespmem:s4+$0x380]  }
0x15e: {  	s9 =	sor.u32 s3, s31;
	v46 =	vld [tilespmem:s5+$0x0];
	v2 =	vadd.f32 v5, v2  }
0x15f: {  	s11 =	sadd.s32 $0xB480, s6;
	v5 =	vld [tilespmem:s9+$0x0]  }
0x160: {  	s22 =	sor.u32 $0x10, s2;
	s16 =	sor.u32 s3, s11;
	v31 =	vld [tilespmem:s5+$0x80];
	v2 =	vadd.f32 v6, v2  }
0x161: {  	s17 =	sadd.s32 $0xB500, s6;
	s10 =	sor.u32 s22, s1;
	v6 =	vld [tilespmem:s16+$0x0]  }
0x162: {  	s18 =	sor.u32 s3, s17;
	v44 =	vld [tilespmem:s10+$0x0];
	v2 =	vadd.f32 v4, v2  }
0x163: {  	s9 =	sadd.s32 $0xB580, s6;
	v4 =	vld [tilespmem:s18+$0x0]  }
0x164: {  	s8 =	sor.u32 $0x20, s2;
	v22 =	vld [tilespmem:s10+$0x80];
	s19 =	sor.u32 s3, s9;
	v2 =	vadd.f32 v5, v2  }
0x165: {  	s26 =	sor.u32 s8, s1;
	s4 =	sadd.s32 $0xB600, s6;
	v5 =	vld [tilespmem:s19+$0x0]  }
0x166: {  	v47 =	vld [tilespmem:s26+$0x0];
	s7 =	sor.u32 s3, s4;
	v2 =	vadd.f32 v6, v2  }
0x167: {  	s1 =	sadd.s32 $0xB680, s6;
	v6 =	vld [tilespmem:s7+$0x0]  }
0x168: {  	s15 =	sor.u32 s3, s1;
	v33 =	vld [tilespmem:s26+$0x80];
	v2 =	vadd.f32 v4, v2  }
0x169: {  	s7 =	sadd.s32 $0xB700, s6;
	v4 =	vld [tilespmem:s15+$0x0]  }
0x16a: {  	v27 =	vld [tilespmem:s5+$0x100];
	s20 =	sor.u32 s3, s7;
	v2 =	vadd.f32 v5, v2  }
0x16b: {  	s6 =	sadd.s32 $0xB780, s6;
	v8 =	vld [tilespmem:s20+$0x0]  }
0x16c: {  	v25 =	vld [tilespmem:s10+$0x100];
	s21 =	sor.u32 s3, s6;
	v2 =	vadd.f32 v6, v2  }
0x16d: {  	v9 =	vld [tilespmem:s21+$0x0]  }
0x16e: {  	v30 =	vld [tilespmem:s26+$0x100];
	v2 =	vadd.f32 v4, v2  }
0x16f: {  	v14 =	vld [tilespmem:s5+$0x180]  }
0x170: {  	v36 =	vld [tilespmem:s10+$0x180];
	v2 =	vadd.f32 v8, v2  }
0x171: {  	v32 =	vld [tilespmem:s26+$0x180]  }
0x172: {  	v10 =	vld [tilespmem:s5+$0x200];
	v2 =	vadd.f32 v9, v2  }
0x173: {  	v12 =	vld [tilespmem:s10+$0x200]  }
0x174: {  	v37 =	vld [tilespmem:s26+$0x200];
	v2 =	vadd.f32 $1.000000000e+00, v2  }
0x175: {  	v11 =	vld [tilespmem:s5+$0x280]  }
0x176: {  	v13 =	vld [tilespmem:s10+$0x280];
	v4 =	vshra.s32 v2, $0x1;
	v2 =	vmul.f32 $5.000000000e-01, v2  }
0x177: {  	v41 =	vld [tilespmem:s26+$0x280];
	v4 =	vsub.s32 $0x5F3759DF, v4  }
0x178: {  	v38 =	vld [tilespmem:s10+$0x300];
	v8 =	vmul.f32 v4, v2  }
0x179: {  	v45 =	vld [tilespmem:s26+$0x300]  }
0x17a: {  	v18 =	vld [tilespmem:s5+$0x380];
	v8 =	vmul.f32 v4, v8  }
0x17b: {  	v48 =	vld [tilespmem:s10+$0x380]  }
0x17c: {  	s23 =	sor.u32 s2, s31;
	v53 =	vld [tilespmem:s26+$0x380];
	v8 =	vsub.f32 $1.500000000e+00, v8  }
0x17d: {  	s24 =	sor.u32 s22, s31;
	v20 =	vld [tilespmem:s23+$0x0]  }
0x17e: {  	s25 =	sor.u32 s8, s31;
	v26 =	vld [tilespmem:s24+$0x0];
	v4 =	vmul.f32 v4, v8  }
0x17f: {  	s31 =	sor.u32 s22, s11;
	v55 =	vld [tilespmem:s25+$0x0]  }
0x180: {  	s13 =	sor.u32 s8, s11;
	v54 =	vld [tilespmem:s31+$0x0];
	v8 =	vmul.f32 v4, v2  }
0x181: {  	s14 =	sor.u32 s2, s17;
	v56 =	vld [tilespmem:s13+$0x0]  }
0x182: {  	s26 =	sor.u32 s2, s11;
	v23 =	vld [tilespmem:s14+$0x0];
	v8 =	vmul.f32 v8, v4  }
0x183: {  	s23 =	sor.u32 s22, s1;
	v19 =	vld [tilespmem:s26+$0x0]  }
0x184: {  	v28 =	vld [tilespmem:s23+$0x0];
	s16 =	sor.u32 s8, s17;
	v8 =	vsub.f32 $1.500000000e+00, v8  }
0x185: {  	v57 =	vld [tilespmem:s16+$0x0];
	s18 =	sor.u32 s22, s9  }
0x186: {  	v62 =	vld [tilespmem:s18+$0x0];
	s19 =	sor.u32 s2, s4;
	v4 =	vmul.f32 v8, v4  }
0x187: {  	v24 =	vld [tilespmem:s19+$0x0];
	s25 =	sor.u32 s2, s7  }
0x188: {  	s26 =	sor.u32 s22, s7;
	v15 =	vld [tilespmem:s25+$0x0];
	v2 =	vmul.f32 v4, v2  }
0x189: {  	s7 =	sor.u32 s8, s7;
	v16 =	vld [tilespmem:s26+$0x0]  }
0x18a: {  	s19 =	sor.u32 s22, s6;
	v17 =	vld [tilespmem:s7+$0x0];
	v2 =	vmul.f32 v2, v4  }
0x18b: {  	s15 =	sor.u32 s22, s17;
	v7 =	vld [tilespmem:s19+$0x0]  }
0x18c: {  	s0 =	sand.u32 $0x380, s0;
	s17 =	sor.u32 s2, s9;
	v60 =	vld [tilespmem:s15+$0x0];
	v2 =	vsub.f32 $1.500000000e+00, v2  }
0x18d: {  	s24 =	simm.s32 $0x200;
	s9 =	sor.u32 s8, s9;
	v29 =	vld [tilespmem:s17+$0x0];
	s17 =	simm.s32 $0x0  }
0x18e: {  	s20 =	sor.u32 s22, s4;
	s4 =	sor.u32 s8, s4;
	v58 =	vld [tilespmem:s9+$0x0];
	s11 =	sand.u32 $0x3FFFFF00, s17;
	v1 =	vmul.f32 v2, v4  }
0x18f: {  	v63 =	vld [tilespmem:s20+$0x0];
	s15 =	sand.u32 $0x3FFFFC00, s24;
	s24 =	sor.u32 s0, s3;
	s14 =	sadd.s32 $0x16680, s11  }
0x190: {  	v59 =	vld [tilespmem:s4+$0x0];
	s3 =	sor.u32 s3, s14;
	[tilespmem:s24+$0x16C00] =	vst v1  }
0x191: {  	v35 =	vld [tilespmem:s3+$0x0]  }
0x192: {  	s21 =	sor.u32 s2, s1;
	s1 =	sor.u32 s8, s1;
	v9 =	vld [tilespmem:s5+$0x300];
	s5 =	simm.s32 $0x40  }
0x193: {  	v61 =	vld [tilespmem:s1+$0x0];
	s1 =	sand.u32 $0x40, s5  }
0x194: {  	s18 =	sor.u32 s2, s6;
	v21 =	vld [tilespmem:s21+$0x0];
	s31 =	sadd.s32 $0xA000, s15;
	s4 =	sor.u32 $0x30, s1  }
0x195: {  	v6 =	vld [tilespmem:s18+$0x0];
	s16 =	sor.u32 s4, s31  }
0x196: {  	v8 =	vld [tilespmem:s16+$0x0];
	v35 =	vmul.f32 v1, v35  }
0x197: {  	v4 =	vld [tilespmem:s16+$0x80]  }
0x198: {  	v34 =	vld [tilespmem:s16+$0x100];
	[tilespmem:s24+$0x16E80] =	vst v35  }
0x199: {  	v2 =	vld [tilespmem:s3+$0x80]  }
0x19a: {  	v39 =	vld [tilespmem:s16+$0x180]  }
0x19b: {  	v40 =	vld [tilespmem:s16+$0x200]  }
0x19c: {  	v42 =	vld [tilespmem:s16+$0x280];
	v8 =	vadd.f32 v4, v8  }
0x19d: {  	s6 =	sor.u32 s8, s6;
	v51 =	vld [tilespmem:s16+$0x300]  }
0x19e: {  	s18 =	sor.u32 s1, s31;
	v34 =	vadd.f32 v34, v8;
	v8 =	vld [tilespmem:s6+$0x0];
	[tilespmem:$0x1FFE0] =	vst v2  }
0x19f: {  	v2 =	vld [tilespmem:s18+$0x0];
	_ =	sdelay $0x4  }
0x1a0: {  	v52 =	vld [tilespmem:s16+$0x380];
	[tilespmem:$0x1FE70] =	vst v2  }
0x1a1: {  	v2 =	vld [tilespmem:s18+$0x80];
	_ =	sdelay $0x2  }
0x1a2: {  	s17 =	sadd.s32 $0xB400, s15  }
0x1a3: {  	s11 =	sor.u32 $0x10, s1;
	s20 =	sor.u32 s4, s17  }
0x1a4: {  	s19 =	sor.u32 s11, s31;
	v49 =	vld [tilespmem:s20+$0x0];
	[tilespmem:$0x1FE80] =	vst v2  }
0x1a5: {  	v2 =	vld [tilespmem:s19+$0x0];
	_ =	sdelay $0x1  }
0x1a6: {  	v34 =	vadd.f32 v39, v34  }
0x1a7: {  	s16 =	sadd.s32 $0xB480, s15  }
0x1a8: {  	v34 =	vadd.f32 v40, v34;
	s21 =	sor.u32 s4, s16  }
0x1a9: {  	v43 =	vld [tilespmem:s21+$0x0];
	[tilespmem:$0x1FE90] =	vst v2  }
0x1aa: {  	v34 =	vadd.f32 v42, v34;
	v2 =	vld [tilespmem:s19+$0x80];
	_ =	sdelay $0x1  }
0x1ab: {  	v39 =	vadd.f32 v51, v34  }
0x1ac: {  	s13 =	sadd.s32 $0xB500, s15  }
0x1ad: {  	s12 =	sadd.s32 $0xB580, s15;
	s23 =	sor.u32 s4, s13;
	v39 =	vadd.f32 v52, v39  }
0x1ae: {  	s25 =	sor.u32 s4, s12;
	s3 =	sor.u32 $0x20, s1;
	v50 =	vld [tilespmem:s23+$0x0];
	[tilespmem:$0x1FEA0] =	vst v2  }
0x1af: {  	s10 =	sadd.s32 $0xB600, s15;
	s20 =	sor.u32 s3, s31;
	v39 =	vadd.f32 v49, v39;
	v42 =	vld [tilespmem:s25+$0x0]  }
0x1b0: {  	s26 =	sor.u32 s4, s10;
	v35 =	vld [tilespmem:s20+$0x0]  }
0x1b1: {  	s9 =	sadd.s32 $0xB680, s15;
	v39 =	vadd.f32 v43, v39;
	v43 =	vld [tilespmem:s26+$0x0]  }
0x1b2: {  	s31 =	sor.u32 s4, s9;
	v52 =	vld [tilespmem:s20+$0x80]  }
0x1b3: {  	v34 =	vld [tilespmem:s31+$0x0]  }
0x1b4: {  	s6 =	sadd.s32 $0xB780, s15;
	v39 =	vadd.f32 v50, v39;
	v49 =	vld [tilespmem:s18+$0x100]  }
0x1b5: {  	s7 =	sadd.s32 $0xB700, s15;
	s15 =	sor.u32 s4, s6;
	v50 =	vld [tilespmem:s19+$0x100]  }
0x1b6: {  	s21 =	sor.u32 s4, s7;
	v2 =	vld [tilespmem:s15+$0x0];
	v39 =	vadd.f32 v42, v39  }
0x1b7: {  	v42 =	vld [tilespmem:s21+$0x0]  }
0x1b8: {  	v51 =	vld [tilespmem:s20+$0x100];
	v39 =	vadd.f32 v43, v39  }
0x1b9: {  	v3 =	vld [tilespmem:s20+$0x200]  }
0x1ba: {  	v40 =	vld [tilespmem:s19+$0x200];
	v39 =	vadd.f32 v34, v39  }
0x1bb: {  	v43 =	vld [tilespmem:s19+$0x180]  }
0x1bc: {  	v34 =	vld [tilespmem:s18+$0x180];
	v39 =	vadd.f32 v42, v39  }
0x1bd: {  	v42 =	vld [tilespmem:s20+$0x180]  }
0x1be: {  	v2 =	vadd.f32 v2, v39;
	v39 =	vld [tilespmem:s18+$0x200];
	[tilespmem:$0x1FEB0] =	vst v3  }
0x1bf: {  	v3 =	vld [tilespmem:s18+$0x280];
	_ =	sdelay $0x3  }
0x1c0: {  	v2 =	vadd.f32 $1.000000000e+00, v2  }
0x1c1: {  	[tilespmem:$0x1FEC0] =	vst v3  }
0x1c2: {  	v4 =	vshra.s32 v2, $0x1;
	v5 =	vmul.f32 $5.000000000e-01, v2;
	v2 =	vld [tilespmem:s19+$0x280];
	_ =	sdelay $0x4  }
0x1c3: {  	[tilespmem:$0x1FED0] =	vst v2  }
0x1c4: {  	v2 =	vld [tilespmem:s20+$0x280];
	_ =	sdelay $0x4  }
0x1c5: {  	[tilespmem:$0x1FEE0] =	vst v2  }
0x1c6: {  	v2 =	vld [tilespmem:s18+$0x300];
	_ =	sdelay $0x4  }
0x1c7: {  	[tilespmem:$0x1FEF0] =	vst v2  }
0x1c8: {  	v3 =	vld [tilespmem:s19+$0x300];
	_ =	sdelay $0x4  }
0x1c9: {  	[tilespmem:$0x1FF00] =	vst v3  }
0x1ca: {  	v3 =	vld [tilespmem:s20+$0x300];
	_ =	sdelay $0x4  }
0x1cb: {  	[tilespmem:$0x1FF10] =	vst v3  }
0x1cc: {  	v3 =	vld [tilespmem:s18+$0x380];
	_ =	sdelay $0x4  }
0x1cd: {  	[tilespmem:$0x1FF20] =	vst v3  }
0x1ce: {  	v3 =	vld [tilespmem:s19+$0x380];
	_ =	sdelay $0x4  }
0x1cf: {  	[tilespmem:$0x1FF30] =	vst v3  }
0x1d0: {  	v3 =	vld [tilespmem:s20+$0x380];
	_ =	sdelay $0x4  }
0x1d1: {  	s19 =	sor.u32 s1, s17;
	[tilespmem:$0x1FF40] =	vst v3  }
0x1d2: {  	v3 =	vld [tilespmem:s19+$0x0];
	_ =	sdelay $0x4  }
0x1d3: {  	s21 =	sor.u32 s11, s17;
	v4 =	vsub.s32 $0x5F3759DF, v4;
	[tilespmem:$0x1FF50] =	vst v3  }
0x1d4: {  	v2 =	vmul.f32 v4, v5;
	v3 =	vld [tilespmem:s21+$0x0];
	_ =	sdelay $0x1  }
0x1d5: {  	v2 =	vmul.f32 v4, v2;
	_ =	sdelay $0x1  }
0x1d6: {  	v2 =	vsub.f32 $1.500000000e+00, v2  }
0x1d7: {  	s23 =	sor.u32 s3, s17;
	[tilespmem:$0x1FF60] =	vst v3  }
0x1d8: {  	v2 =	vmul.f32 v4, v2;
	v4 =	vld [tilespmem:s23+$0x0];
	_ =	sdelay $0x4  }
0x1d9: {  	s25 =	sor.u32 s1, s16;
	[tilespmem:$0x1FF70] =	vst v4  }
0x1da: {  	v3 =	vld [tilespmem:s25+$0x0];
	_ =	sdelay $0x4  }
0x1db: {  	s26 =	sor.u32 s11, s16;
	[tilespmem:$0x1FF80] =	vst v3  }
0x1dc: {  	v3 =	vld [tilespmem:s26+$0x0];
	_ =	sdelay $0x4  }
0x1dd: {  	s16 =	sor.u32 s3, s16;
	[tilespmem:$0x1FF90] =	vst v3  }
0x1de: {  	v3 =	vld [tilespmem:s16+$0x0];
	_ =	sdelay $0x4  }
0x1df: {  	s31 =	sor.u32 s1, s13;
	[tilespmem:$0x1FFA0] =	vst v3  }
0x1e0: {  	v4 =	vmul.f32 v2, v5;
	v3 =	vld [tilespmem:s31+$0x0]  }
0x1e1: {  	v31 =	vadd.f32 v31, v46  }
0x1e2: {  	v4 =	vmul.f32 v4, v2  }
0x1e3: {  	v27 =	vadd.f32 v27, v31  }
0x1e4: {  	v4 =	vsub.f32 $1.500000000e+00, v4  }
0x1e5: {  	v22 =	vadd.f32 v22, v44;
	v14 =	vadd.f32 v14, v27;
	s17 =	sor.u32 s11, s13;
	[tilespmem:$0x1FFB0] =	vst v3  }
0x1e6: {  	v47 =	vadd.f32 v33, v47;
	v2 =	vmul.f32 v4, v2;
	v3 =	vld [tilespmem:s17+$0x0]  }
0x1e7: {  	v10 =	vadd.f32 v10, v14;
	v4 =	vadd.f32 v25, v22  }
0x1e8: {  	v14 =	vadd.f32 v30, v47;
	v5 =	vmul.f32 v2, v5  }
0x1e9: {  	v10 =	vadd.f32 v11, v10;
	v4 =	vadd.f32 v36, v4  }
0x1ea: {  	v11 =	vadd.f32 v32, v14;
	v5 =	vmul.f32 v5, v2  }
0x1eb: {  	v9 =	vadd.f32 v9, v10;
	s13 =	sor.u32 s3, s13;
	v4 =	vadd.f32 v12, v4;
	[tilespmem:$0x1FFC0] =	vst v3  }
0x1ec: {  	v10 =	vadd.f32 v37, v11;
	v5 =	vsub.f32 $1.500000000e+00, v5;
	v3 =	vld [tilespmem:s13+$0x0]  }
0x1ed: {  	v4 =	vadd.f32 v13, v4  }
0x1ee: {  	v22 =	vmul.f32 v5, v2;
	v5 =	vadd.f32 v41, v10  }
0x1ef: {  	v2 =	vadd.f32 v38, v4  }
0x1f0: {  	s15 =	sor.u32 s11, s7;
	v4 =	vadd.f32 v18, v9;
	v5 =	vadd.f32 v45, v5  }
0x1f1: {  	s21 =	sor.u32 s11, s10;
	s23 =	sor.u32 s1, s9;
	s25 =	sor.u32 s11, s9;
	v2 =	vadd.f32 v48, v2;
	[tilespmem:$0x1FFD0] =	vst v3  }
0x1f2: {  	s9 =	sor.u32 s3, s9;
	s26 =	simm.s32 $0x80;
	s16 =	sor.u32 s1, s6;
	v4 =	vadd.f32 v20, v4;
	v5 =	vadd.f32 v53, v5;
	v31 =	vld [tilespmem:s21+$0x0]  }
0x1f3: {  	v2 =	vadd.f32 v26, v2;
	s31 =	sand.u32 $0x3FFFFF00, s26;
	s17 =	simm.s32 $0x400;
	v45 =	vld [tilespmem:s15+$0x0];
	s15 =	simm.s32 $0x80  }
0x1f4: {  	v4 =	vadd.f32 v19, v4;
	s26 =	sand.u32 $0x380, s5;
	v5 =	vadd.f32 v55, v5;
	v38 =	vld [tilespmem:s9+$0x0];
	s9 =	sand.u32 $0x3FFFFC00, s17;
	s5 =	sand.u32 $0x40, s15  }
0x1f5: {  	s19 =	sor.u32 s11, s12;
	v2 =	vadd.f32 v54, v2;
	v53 =	vld [tilespmem:s16+$0x0];
	s21 =	sadd.s32 $0xA000, s9;
	s16 =	sor.u32 $0x30, s5  }
0x1f6: {  	v4 =	vadd.f32 v23, v4;
	v5 =	vadd.f32 v56, v5;
	v33 =	vld [tilespmem:s19+$0x0];
	s19 =	sor.u32 s16, s21  }
0x1f7: {  	v2 =	vadd.f32 v60, v2;
	v10 =	vld [tilespmem:s19+$0x0]  }
0x1f8: {  	s18 =	sor.u32 s1, s12;
	v4 =	vadd.f32 v29, v4;
	v5 =	vadd.f32 v57, v5;
	v11 =	vld [tilespmem:s19+$0x80]  }
0x1f9: {  	v2 =	vadd.f32 v62, v2;
	v25 =	vld [tilespmem:s18+$0x0]  }
0x1fa: {  	s12 =	sor.u32 s3, s12;
	v4 =	vadd.f32 v24, v4;
	v5 =	vadd.f32 v58, v5;
	v12 =	vld [tilespmem:s19+$0x100]  }
0x1fb: {  	v2 =	vadd.f32 v63, v2;
	v27 =	vld [tilespmem:s12+$0x0]  }
0x1fc: {  	s20 =	sor.u32 s1, s10;
	v4 =	vadd.f32 v21, v4;
	v5 =	vadd.f32 v59, v5;
	v13 =	vld [tilespmem:s19+$0x180]  }
0x1fd: {  	v2 =	vadd.f32 v28, v2;
	v30 =	vld [tilespmem:s20+$0x0];
	v10 =	vadd.f32 v11, v10  }
0x1fe: {  	v4 =	vadd.f32 v15, v4;
	v5 =	vadd.f32 v61, v5;
	v11 =	vld [tilespmem:s19+$0x200]  }
0x1ff: {  	v2 =	vadd.f32 v16, v2;
	v36 =	vld [tilespmem:s23+$0x0];
	v10 =	vadd.f32 v12, v10  }
0x200: {  	v4 =	vadd.f32 v6, v4;
	v5 =	vadd.f32 v17, v5;
	v6 =	vld [tilespmem:s19+$0x280]  }
0x201: {  	v2 =	vadd.f32 v7, v2;
	v37 =	vld [tilespmem:s25+$0x0];
	v10 =	vadd.f32 v13, v10  }
0x202: {  	s13 =	sor.u32 s1, s7;
	s7 =	sor.u32 s3, s7;
	v4 =	vadd.f32 $1.000000000e+00, v4;
	v5 =	vadd.f32 v8, v5;
	v12 =	vld [tilespmem:s19+$0x300]  }
0x203: {  	v2 =	vadd.f32 $1.000000000e+00, v2;
	s25 =	sadd.s32 $0x16680, s31;
	s20 =	sor.u32 s26, s4;
	v48 =	vld [tilespmem:s7+$0x0];
	v8 =	vadd.f32 v11, v10  }
0x204: {  	v14 =	vmul.f32 $5.000000000e-01, v4;
	v5 =	vadd.f32 $1.000000000e+00, v5;
	[tilespmem:s20+$0x16C00] =	vst v22;
	s4 =	sor.u32 s4, s25;
	s7 =	sadd.s32 $0xB400, s9;
	v7 =	vld [tilespmem:s19+$0x380];
	v13 =	vshra.s32 v4, $0x1  }
0x205: {  	v17 =	vmul.f32 $5.000000000e-01, v2;
	v9 =	vld [tilespmem:s4+$0x0];
	s23 =	sor.u32 s16, s7;
	v10 =	vsub.s32 $0x5F3759DF, v13;
	v6 =	vadd.f32 v6, v8  }
0x206: {  	s18 =	sor.u32 s11, s6;
	v19 =	vmul.f32 $5.000000000e-01, v5;
	s19 =	sadd.s32 $0xB480, s9;
	v4 =	vld [tilespmem:s23+$0x0];
	v11 =	vshra.s32 v2, $0x1;
	v2 =	vmul.f32 v10, v14  }
0x207: {  	v54 =	vld [tilespmem:s18+$0x0];
	s31 =	sor.u32 s16, s19;
	v8 =	vsub.s32 $0x5F3759DF, v11;
	v6 =	vadd.f32 v12, v6;
	v12 =	vshra.s32 v5, $0x1  }
0x208: {  	s18 =	sadd.s32 $0xB500, s9;
	v13 =	vld [tilespmem:s31+$0x0];
	v2 =	vmul.f32 v10, v2;
	v11 =	vmul.f32 v8, v17;
	v12 =	vsub.s32 $0x5F3759DF, v12  }
0x209: {  	v41 =	vld [tilespmem:s13+$0x0];
	s12 =	sor.u32 s16, s18;
	v7 =	vadd.f32 v7, v6;
	v29 =	vmul.f32 v12, v19  }
0x20a: {  	s6 =	sor.u32 s3, s6;
	s17 =	sadd.s32 $0xB580, s9;
	v15 =	vld [tilespmem:s12+$0x0];
	v9 =	vmul.f32 v22, v9;
	v5 =	vmul.f32 v8, v11;
	v2 =	vsub.f32 $1.500000000e+00, v2  }
0x20b: {  	v55 =	vld [tilespmem:s6+$0x0];
	s23 =	sor.u32 s16, s17;
	v4 =	vadd.f32 v4, v7;
	v7 =	vmul.f32 v12, v29  }
0x20c: {  	[tilespmem:s20+$0x16E80] =	vst v9;
	v16 =	vld [tilespmem:s23+$0x0];
	v10 =	vmul.f32 v10, v2;
	v2 =	vsub.f32 $1.500000000e+00, v5  }
0x20d: {  	s13 =	sadd.s32 $0xB600, s9;
	s6 =	sadd.s32 $0xB780, s9;
	v60 =	vld [tilespmem:s4+$0x80];
	v13 =	vadd.f32 v13, v4;
	v7 =	vsub.f32 $1.500000000e+00, v7  }
0x20e: {  	s12 =	sadd.s32 $0xB680, s9;
	s4 =	sadd.s32 $0xB700, s9;
	v3 =	vld [tilespmem:$0x1FE70];
	s9 =	sor.u32 s16, s6;
	v8 =	vmul.f32 v8, v2;
	v2 =	vmul.f32 v10, v14  }
0x20f: {  	v21 =	vld [tilespmem:s9+$0x0];
	s23 =	sor.u32 s16, s12;
	v7 =	vmul.f32 v12, v7;
	v12 =	vadd.f32 v15, v13  }
0x210: {  	v20 =	vld [tilespmem:s23+$0x0];
	v44 =	vmul.f32 v2, v10  }
0x211: {  	s31 =	sor.u32 s16, s13;
	v12 =	vadd.f32 v16, v12;
	v16 =	vld [tilespmem:$0x1FE80]  }
0x212: {  	s9 =	sor.u32 $0x10, s5;
	s23 =	sor.u32 s16, s4;
	v18 =	vld [tilespmem:s31+$0x0];
	v15 =	vsub.f32 $1.500000000e+00, v44  }
0x213: {  	v23 =	vld [tilespmem:s23+$0x0];
	s31 =	sor.u32 s9, s21  }
0x214: {  	v59 =	vld [tilespmem:s31+$0x80];
	v10 =	vmul.f32 v15, v10  }
0x215: {  	v24 =	vld [tilespmem:s31+$0x100];
	v46 =	vmul.f32 v8, v17  }
0x216: {  	v2 =	vld [tilespmem:s31+$0x0];
	v47 =	vmul.f32 v7, v19;
	v63 =	vmul.f32 v10, v14;
	v61 =	vadd.f32 v16, v3  }
0x217: {  	v13 =	vmul.f32 v46, v8;
	v15 =	vld [tilespmem:$0x1FEA0]  }
0x218: {  	v26 =	vmul.f32 v47, v7;
	v3 =	vld [tilespmem:$0x1FE90];
	v47 =	vadd.f32 v49, v61;
	v61 =	vmul.f32 v63, v10  }
0x219: {  	v13 =	vsub.f32 $1.500000000e+00, v13;
	v18 =	vadd.f32 v18, v12;
	v12 =	vld [tilespmem:s31+$0x200]  }
0x21a: {  	v14 =	vld [tilespmem:s31+$0x300];
	v28 =	vsub.f32 $1.500000000e+00, v61  }
0x21b: {  	v8 =	vmul.f32 v13, v8;
	v13 =	vld [tilespmem:s31+$0x380]  }
0x21c: {  	v16 =	vld [tilespmem:s31+$0x180];
	v10 =	vmul.f32 v28, v10  }
0x21d: {  	v62 =	vadd.f32 v15, v3;
	v15 =	vld [tilespmem:s31+$0x280];
	s31 =	simm.s32 $0x16C00  }
0x21e: {  	v35 =	vadd.f32 v52, v35;
	[tilespmem:s31+$0x0] =	vst v10  }
0x21f: {  	v3 =	vld [tilespmem:$0x1FEB0]  }
0x220: {  	v18 =	vadd.f32 v20, v18;
	v63 =	vadd.f32 v51, v35  }
0x221: {  	v17 =	vmul.f32 v8, v17  }
0x222: {  	v18 =	vadd.f32 v23, v18;
	v35 =	vadd.f32 v42, v63  }
0x223: {  	v46 =	vsub.f32 $1.500000000e+00, v26;
	v17 =	vmul.f32 v17, v8  }
0x224: {  	v18 =	vadd.f32 v21, v18;
	v21 =	vadd.f32 v3, v35;
	v3 =	vld [tilespmem:$0x1FEC0]  }
0x225: {  	v26 =	vadd.f32 v34, v47;
	v17 =	vsub.f32 $1.500000000e+00, v17  }
0x226: {  	v7 =	vmul.f32 v46, v7  }
0x227: {  	v8 =	vmul.f32 v17, v8;
	v17 =	vadd.f32 v39, v26  }
0x228: {  	v19 =	vmul.f32 v7, v19;
	v62 =	vadd.f32 v50, v62  }
0x229: {  	v47 =	vadd.f32 v3, v17;
	v3 =	vld [tilespmem:$0x1FED0]  }
0x22a: {  	v19 =	vmul.f32 v19, v7;
	v20 =	vadd.f32 v43, v62;
	_ =	sdelay $0x1  }
0x22b: {  	s29 =	sor.u32 s0, s22;
	v19 =	vsub.f32 $1.500000000e+00, v19;
	v20 =	vadd.f32 v40, v20  }
0x22c: {  	[tilespmem:s29+$0x16C00] =	vst v8  }
0x22d: {  	v7 =	vmul.f32 v19, v7;
	v19 =	vadd.f32 v3, v20;
	v3 =	vld [tilespmem:$0x1FEE0];
	_ =	sdelay $0x4  }
0x22e: {  	v21 =	vadd.f32 v3, v21;
	v3 =	vld [tilespmem:$0x1FEF0];
	_ =	sdelay $0x4  }
0x22f: {  	v28 =	vadd.f32 v3, v47;
	v3 =	vld [tilespmem:$0x1FF00];
	_ =	sdelay $0x2  }
0x230: {  	s28 =	sor.u32 s0, s8  }
0x231: {  	[tilespmem:s28+$0x16C00] =	vst v7  }
0x232: {  	v19 =	vadd.f32 v3, v19;
	v3 =	vld [tilespmem:$0x1FF10];
	_ =	sdelay $0x4  }
0x233: {  	v21 =	vadd.f32 v3, v21;
	v3 =	vld [tilespmem:$0x1FF20];
	_ =	sdelay $0x4  }
0x234: {  	v28 =	vadd.f32 v3, v28;
	v3 =	vld [tilespmem:$0x1FF30];
	_ =	sdelay $0x4  }
0x235: {  	v19 =	vadd.f32 v3, v19;
	v3 =	vld [tilespmem:$0x1FF40];
	_ =	sdelay $0x2  }
0x236: {  	s10 =	sor.u32 s3, s10  }
0x237: {  	v32 =	vld [tilespmem:s10+$0x0]  }
0x238: {  	s10 =	sor.u32 s5, s21;
	v21 =	vadd.f32 v3, v21;
	v3 =	vld [tilespmem:$0x1FF50]  }
0x239: {  	v56 =	vld [tilespmem:s10+$0x0]  }
0x23a: {  	v57 =	vld [tilespmem:s10+$0x100]  }
0x23b: {  	v58 =	vld [tilespmem:s10+$0x380]  }
0x23c: {  	v9 =	vld [tilespmem:s10+$0x80]  }
0x23d: {  	v28 =	vadd.f32 v3, v28;
	v3 =	vld [tilespmem:$0x1FF60]  }
0x23e: {  	v11 =	vld [tilespmem:s10+$0x180]  }
0x23f: {  	v6 =	vld [tilespmem:s10+$0x200]  }
0x240: {  	v5 =	vld [tilespmem:s10+$0x280]  }
0x241: {  	v4 =	vld [tilespmem:s10+$0x300]  }
0x242: {  	s10 =	sor.u32 $0x20, s5;
	v19 =	vadd.f32 v3, v19;
	v3 =	vld [tilespmem:$0x1FF80]  }
0x243: {  	s21 =	sor.u32 s10, s21  }
0x244: {  	v52 =	vld [tilespmem:s21+$0x0]  }
0x245: {  	v29 =	vld [tilespmem:s21+$0x280]  }
0x246: {  	v51 =	vld [tilespmem:s21+$0x80]  }
0x247: {  	v39 =	vadd.f32 v3, v28;
	v3 =	vld [tilespmem:$0x1FF90]  }
0x248: {  	v49 =	vld [tilespmem:s21+$0x180]  }
0x249: {  	v42 =	vld [tilespmem:s21+$0x200]  }
0x24a: {  	v35 =	vld [tilespmem:$0x1FF70]  }
0x24b: {  	v18 =	vadd.f32 $1.000000000e+00, v18;
	v50 =	vld [tilespmem:s21+$0x100]  }
0x24c: {  	v19 =	vadd.f32 v3, v19;
	v3 =	vld [tilespmem:$0x1FFA0]  }
0x24d: {  	s0 =	sor.u32 s8, s14;
	s8 =	sor.u32 s9, s19;
	v46 =	vshra.s32 v18, $0x1;
	v26 =	vmul.f32 $5.000000000e-01, v18;
	v18 =	vld [tilespmem:s21+$0x300]  }
0x24e: {  	s23 =	sor.u32 s9, s7;
	v23 =	vsub.s32 $0x5F3759DF, v46;
	v46 =	vld [tilespmem:s8+$0x0]  }
0x24f: {  	s31 =	sor.u32 s5, s7;
	s7 =	sor.u32 s10, s7;
	v34 =	vmul.f32 v23, v26;
	v43 =	vld [tilespmem:s23+$0x0];
	v21 =	vadd.f32 v35, v21  }
0x250: {  	v44 =	vld [tilespmem:s7+$0x0]  }
0x251: {  	v20 =	vmul.f32 v23, v34;
	v34 =	vadd.f32 v3, v21;
	v3 =	vld [tilespmem:$0x1FFB0]  }
0x252: {  	v40 =	vld [tilespmem:s31+$0x0]  }
0x253: {  	v17 =	vld [tilespmem:s21+$0x380];
	s21 =	sor.u32 s2, s14;
	v20 =	vsub.f32 $1.500000000e+00, v20  }
0x254: {  	s22 =	sor.u32 s22, s14;
	v61 =	vld [tilespmem:s21+$0x0]  }
0x255: {  	v62 =	vld [tilespmem:s22+$0x0];
	v20 =	vmul.f32 v23, v20  }
0x256: {  	s31 =	sor.u32 s5, s19;
	v23 =	vadd.f32 v3, v39;
	v3 =	vld [tilespmem:$0x1FFC0]  }
0x257: {  	v47 =	vld [tilespmem:s31+$0x0];
	v28 =	vmul.f32 v20, v26  }
0x258: {  	s14 =	sor.u32 s10, s19;
	v63 =	vld [tilespmem:s0+$0x0]  }
0x259: {  	s23 =	sor.u32 s9, s18;
	v35 =	vld [tilespmem:s14+$0x0];
	v28 =	vmul.f32 v28, v20  }
0x25a: {  	v9 =	vadd.f32 v9, v56;
	v21 =	vld [tilespmem:s23+$0x0];
	v25 =	vadd.f32 v25, v23  }
0x25b: {  	s19 =	sor.u32 s5, s18;
	v28 =	vsub.f32 $1.500000000e+00, v28;
	v19 =	vadd.f32 v3, v19;
	v3 =	vld [tilespmem:$0x1FFD0]  }
0x25c: {  	v9 =	vadd.f32 v57, v9;
	v39 =	vld [tilespmem:s19+$0x0];
	s19 =	sor.u32 s5, s13;
	v30 =	vadd.f32 v30, v25  }
0x25d: {  	s31 =	sor.u32 s10, s18;
	v20 =	vmul.f32 v28, v20;
	v28 =	vld [tilespmem:s19+$0x0];
	v33 =	vadd.f32 v33, v19  }
0x25e: {  	v9 =	vadd.f32 v11, v9;
	s14 =	sor.u32 s9, s17;
	v23 =	vld [tilespmem:s31+$0x0];
	v30 =	vadd.f32 v36, v30  }
0x25f: {  	v56 =	vadd.f32 v51, v52;
	s8 =	sor.u32 s5, s17;
	v25 =	vld [tilespmem:s14+$0x0];
	v31 =	vadd.f32 v31, v33  }
0x260: {  	s31 =	sor.u32 s10, s13;
	v19 =	vld [tilespmem:s8+$0x0];
	v36 =	vadd.f32 v41, v30;
	v34 =	vadd.f32 v3, v34  }
0x261: {  	v50 =	vadd.f32 v50, v56;
	s18 =	sor.u32 s10, s17;
	v26 =	vmul.f32 v20, v26;
	v30 =	vld [tilespmem:s31+$0x0];
	v31 =	vadd.f32 v37, v31  }
0x262: {  	s23 =	sor.u32 s9, s13;
	s13 =	sor.u32 s9, s12;
	v36 =	vadd.f32 v53, v36;
	v34 =	vadd.f32 v27, v34;
	v27 =	vld [tilespmem:s18+$0x0]  }
0x263: {  	v6 =	vadd.f32 v6, v9;
	s17 =	sor.u32 s5, s4;
	s18 =	sor.u32 s9, s4;
	s4 =	sor.u32 s10, s4;
	v31 =	vadd.f32 v45, v31;
	v45 =	vmul.f32 v26, v20;
	v26 =	vld [tilespmem:s13+$0x0]  }
0x264: {  	v49 =	vadd.f32 v49, v50;
	v53 =	vadd.f32 $1.000000000e+00, v36;
	v36 =	vld [tilespmem:s4+$0x0]  }
0x265: {  	v5 =	vadd.f32 v5, v6;
	v33 =	vadd.f32 v32, v34;
	v32 =	vld [tilespmem:s23+$0x0]  }
0x266: {  	v42 =	vadd.f32 v42, v49;
	s8 =	sor.u32 s5, s12;
	v41 =	vadd.f32 v54, v31;
	v31 =	vld [tilespmem:s17+$0x0]  }
0x267: {  	s14 =	sor.u32 s10, s12;
	v37 =	vsub.f32 $1.500000000e+00, v45;
	v34 =	vadd.f32 v38, v33;
	v33 =	vld [tilespmem:s8+$0x0]  }
0x268: {  	v59 =	vadd.f32 v59, v2;
	v4 =	vadd.f32 v4, v5;
	s19 =	simm.s32 $0x100;
	s13 =	sor.u32 s9, s6;
	v38 =	vld [tilespmem:s14+$0x0]  }
0x269: {  	v29 =	vadd.f32 v29, v42;
	s12 =	sand.u32 $0x380, s15;
	s31 =	sor.u32 s5, s6;
	s23 =	sand.u32 $0x3FFFFF00, s19;
	v2 =	vmul.f32 v37, v20;
	v37 =	vld [tilespmem:s13+$0x0];
	v34 =	vadd.f32 v48, v34  }
0x26a: {  	v57 =	vshra.s32 v53, $0x1;
	v52 =	vmul.f32 $5.000000000e-01, v53;
	s15 =	sadd.s32 $0x16680, s23;
	s17 =	sor.u32 s12, s16;
	v48 =	vadd.f32 v24, v59;
	v24 =	vld [tilespmem:s31+$0x0]  }
0x26b: {  	s8 =	sor.u32 s16, s15;
	v20 =	vadd.f32 $1.000000000e+00, v41;
	v41 =	vmul.f32 v10, v61;
	[tilespmem:s17+$0x16C00] =	vst v2;
	v45 =	vadd.f32 v55, v34;
	v34 =	vld [tilespmem:s18+$0x0]  }
0x26c: {  	s6 =	sor.u32 s10, s6;
	v51 =	vsub.s32 $0x5F3759DF, v57;
	s14 =	simm.s32 $0x16E80;
	v61 =	vmul.f32 v8, v62;
	v62 =	vmul.f32 v7, v63;
	v59 =	vld [tilespmem:s8+$0x0]  }
0x26d: {  	s30 =	simm.s32 $0xC0;
	v18 =	vadd.f32 v18, v29;
	v11 =	vmul.f32 v51, v52;
	s16 =	simm.s32 $0x600;
	[tilespmem:s14+$0x0] =	vst v41;
	v48 =	vadd.f32 v16, v48;
	v16 =	vld [tilespmem:s6+$0x0]  }
0x26e: {  	v4 =	vadd.f32 v58, v4;
	s2 =	sand.u32 $0x3FFFFC00, s16;
	s14 =	sand.u32 $0x40, s30;
	[tilespmem:s28+$0x16E80] =	vst v62;
	v9 =	vld [tilespmem:s21+$0x80]  }
0x26f: {  	v17 =	vadd.f32 v17, v18;
	v54 =	vmul.f32 v51, v11;
	[tilespmem:s29+$0x16E80] =	vst v61;
	s21 =	sadd.s32 $0xA000, s2;
	s16 =	sor.u32 $0x30, s14;
	v11 =	vld [tilespmem:s0+$0x80]  }
0x270: {  	v4 =	vadd.f32 v40, v4;
	s18 =	sor.u32 s16, s21;
	v48 =	vadd.f32 v12, v48;
	v12 =	vld [tilespmem:s22+$0x80]  }
0x271: {  	v17 =	vadd.f32 v44, v17;
	v6 =	vld [tilespmem:s18+$0x0]  }
0x272: {  	v4 =	vadd.f32 v47, v4;
	v57 =	vld [tilespmem:s18+$0x80]  }
0x273: {  	v17 =	vadd.f32 v35, v17;
	v63 =	vshra.s32 v20, $0x1;
	v20 =	vmul.f32 $5.000000000e-01, v20;
	v62 =	vld [tilespmem:s18+$0x180]  }
0x274: {  	v4 =	vadd.f32 v39, v4;
	s7 =	sadd.s32 $0xB400, s2;
	v41 =	vsub.s32 $0x5F3759DF, v63;
	v63 =	vld [tilespmem:s18+$0x280]  }
0x275: {  	v17 =	vadd.f32 v23, v17;
	s0 =	sadd.s32 $0xB500, s2;
	v56 =	vmul.f32 v41, v20;
	s19 =	sor.u32 s16, s7;
	v44 =	vld [tilespmem:s18+$0x380]  }
0x276: {  	v4 =	vadd.f32 v19, v4;
	v50 =	vsub.f32 $1.500000000e+00, v54;
	s23 =	sor.u32 s16, s0;
	v54 =	vld [tilespmem:s19+$0x0]  }
0x277: {  	v17 =	vadd.f32 v27, v17;
	v5 =	vmul.f32 v41, v56;
	v56 =	vld [tilespmem:s23+$0x0];
	s23 =	sadd.s32 $0xB600, s2  }
0x278: {  	v4 =	vadd.f32 v28, v4;
	s13 =	sor.u32 s16, s23;
	v55 =	vmul.f32 v2, v59;
	v59 =	vld [tilespmem:s18+$0x100]  }
0x279: {  	v17 =	vadd.f32 v30, v17;
	v58 =	vld [tilespmem:s13+$0x0];
	s13 =	sor.u32 s14, s21  }
0x27a: {  	v4 =	vadd.f32 v33, v4;
	v45 =	vadd.f32 $1.000000000e+00, v45;
	v30 =	vld [tilespmem:s13+$0x100]  }
0x27b: {  	v50 =	vmul.f32 v51, v50;
	v48 =	vadd.f32 v15, v48;
	v33 =	vld [tilespmem:s13+$0x200]  }
0x27c: {  	s4 =	sadd.s32 $0xB580, s2;
	v4 =	vadd.f32 v31, v4;
	v61 =	vshra.s32 v45, $0x1;
	v45 =	vmul.f32 $5.000000000e-01, v45;
	v40 =	vld [tilespmem:s13+$0x280]  }
0x27d: {  	s31 =	sor.u32 s16, s4;
	v42 =	vsub.s32 $0x5F3759DF, v61;
	v5 =	vsub.f32 $1.500000000e+00, v5;
	v14 =	vadd.f32 v14, v48;
	v31 =	vld [tilespmem:s13+$0x300]  }
0x27e: {  	v18 =	vmul.f32 v42, v45;
	v6 =	vadd.f32 v57, v6;
	v57 =	vld [tilespmem:s31+$0x0]  }
0x27f: {  	v51 =	vmul.f32 v50, v52;
	[tilespmem:s17+$0x16E80] =	vst v55;
	v5 =	vmul.f32 v41, v5;
	v13 =	vadd.f32 v13, v14;
	v14 =	vld [tilespmem:s18+$0x200]  }
0x280: {  	v15 =	vld [tilespmem:s8+$0x80];
	v18 =	vmul.f32 v42, v18;
	v6 =	vadd.f32 v59, v6  }
0x281: {  	v41 =	vmul.f32 v51, v50;
	s8 =	sadd.s32 $0xB480, s2;
	v3 =	vld [tilespmem:$0x1FFE0];
	v53 =	vmul.f32 v5, v20;
	v13 =	vadd.f32 v43, v13  }
0x282: {  	s19 =	sadd.s32 $0xB700, s2;
	s22 =	sor.u32 s16, s8;
	v43 =	vld [tilespmem:s18+$0x300];
	v18 =	vsub.f32 $1.500000000e+00, v18;
	v6 =	vadd.f32 v62, v6  }
0x283: {  	s31 =	sadd.s32 $0xB680, s2;
	v41 =	vsub.f32 $1.500000000e+00, v41;
	v55 =	vld [tilespmem:s22+$0x0];
	s22 =	sor.u32 s16, s19;
	v47 =	vmul.f32 v53, v5;
	v13 =	vadd.f32 v46, v13  }
0x284: {  	v4 =	vadd.f32 v24, v4;
	s18 =	sor.u32 s16, s31;
	v23 =	vld [tilespmem:s22+$0x0];
	v18 =	vmul.f32 v42, v18;
	v6 =	vadd.f32 v14, v6  }
0x285: {  	v41 =	vmul.f32 v41, v50;
	v59 =	vsub.f32 $1.500000000e+00, v47;
	v13 =	vadd.f32 v21, v13;
	v21 =	vld [tilespmem:s18+$0x0];
	s18 =	sadd.s32 $0xB780, s2  }
0x286: {  	v9 =	vmul.f32 v10, v9;
	v62 =	vld [tilespmem:s13+$0x0];
	v14 =	vmul.f32 v18, v45;
	s6 =	sor.u32 s16, s18;
	v6 =	vadd.f32 v63, v6  }
0x287: {  	v61 =	vmul.f32 v41, v52;
	v5 =	vmul.f32 v59, v5;
	v13 =	vadd.f32 v25, v13;
	v19 =	vld [tilespmem:s6+$0x0]  }
0x288: {  	v51 =	vadd.f32 $1.000000000e+00, v4;
	v14 =	vmul.f32 v14, v18;
	v63 =	vld [tilespmem:s13+$0x80];
	s6 =	sor.u32 $0x10, s14;
	v6 =	vadd.f32 v43, v6  }
0x289: {  	v25 =	vmul.f32 v61, v41;
	v20 =	vmul.f32 v5, v20;
	s22 =	sor.u32 s6, s21;
	v13 =	vadd.f32 v32, v13;
	v32 =	vld [tilespmem:s13+$0x180]  }
0x28a: {  	v8 =	vmul.f32 v8, v12;
	v53 =	vshra.s32 v51, $0x1;
	v48 =	vld [tilespmem:s22+$0x0];
	v6 =	vadd.f32 v44, v6  }
0x28b: {  	v14 =	vsub.f32 $1.500000000e+00, v14;
	v25 =	vsub.f32 $1.500000000e+00, v25;
	v50 =	vld [tilespmem:s22+$0x80];
	v20 =	vmul.f32 v20, v5  }
0x28c: {  	v35 =	vsub.s32 $0x5F3759DF, v53;
	v52 =	vld [tilespmem:s22+$0x100];
	v26 =	vadd.f32 v26, v13;
	v6 =	vadd.f32 v54, v6  }
0x28d: {  	v29 =	vld [tilespmem:s22+$0x280];
	v42 =	vmul.f32 v14, v18;
	v14 =	vadd.f32 v38, v17;
	v20 =	vsub.f32 $1.500000000e+00, v20  }
0x28e: {  	v2 =	vmul.f32 v2, v15;
	v43 =	vld [tilespmem:s22+$0x300];
	v27 =	vadd.f32 v63, v62;
	v6 =	vadd.f32 v55, v6  }
0x28f: {  	v18 =	vld [tilespmem:s13+$0x380];
	v4 =	vmul.f32 v25, v41;
	v17 =	vadd.f32 v34, v26;
	v47 =	vadd.f32 v36, v14  }
0x290: {  	v25 =	vld [tilespmem:s22+$0x180];
	v14 =	vmul.f32 v22, v60;
	v22 =	vadd.f32 v50, v48;
	v6 =	vadd.f32 v56, v6  }
0x291: {  	s13 =	sor.u32 $0x20, s14;
	v44 =	vld [tilespmem:s22+$0x380];
	v46 =	vmul.f32 v42, v45;
	v49 =	vadd.f32 v30, v27;
	v17 =	vadd.f32 v37, v17  }
0x292: {  	v36 =	vmul.f32 $5.000000000e-01, v51;
	v16 =	vadd.f32 v16, v47;
	v37 =	vld [tilespmem:s22+$0x200];
	s22 =	sor.u32 s13, s21;
	v6 =	vadd.f32 v57, v6  }
0x293: {  	v26 =	vmul.f32 v46, v42;
	v59 =	vld [tilespmem:s22+$0x0];
	v22 =	vadd.f32 v52, v22;
	v17 =	vadd.f32 $1.000000000e+00, v17  }
0x294: {  	v61 =	vld [tilespmem:s22+$0x80];
	v16 =	vadd.f32 $1.000000000e+00, v16;
	v56 =	vmul.f32 v35, v36;
	v6 =	vadd.f32 v58, v6  }
0x295: {  	v62 =	vld [tilespmem:s22+$0x100];
	v26 =	vsub.f32 $1.500000000e+00, v26;
	v22 =	vadd.f32 v25, v22;
	v54 =	vshra.s32 v17, $0x1  }
0x296: {  	v63 =	vld [tilespmem:s22+$0x180];
	v17 =	vmul.f32 $5.000000000e-01, v17;
	v55 =	vshra.s32 v16, $0x1;
	v6 =	vadd.f32 v21, v6  }
0x297: {  	v48 =	vld [tilespmem:s22+$0x280];
	v16 =	vmul.f32 $5.000000000e-01, v16;
	v45 =	vmul.f32 v35, v56;
	v38 =	vsub.s32 $0x5F3759DF, v54  }
0x298: {  	v50 =	vld [tilespmem:s22+$0x300];
	v57 =	vsub.s32 $0x5F3759DF, v55;
	v58 =	vmul.f32 v38, v17;
	v23 =	vadd.f32 v23, v6  }
0x299: {  	s21 =	sor.u32 s14, s7;
	v51 =	vld [tilespmem:s22+$0x380];
	v22 =	vadd.f32 v37, v22;
	v60 =	vmul.f32 v57, v16;
	v45 =	vsub.f32 $1.500000000e+00, v45  }
0x29a: {  	v52 =	vld [tilespmem:s21+$0x0];
	v15 =	vadd.f32 v61, v59;
	v39 =	vmul.f32 v38, v58;
	v19 =	vadd.f32 v19, v23  }
0x29b: {  	v22 =	vadd.f32 v29, v22;
	v46 =	vmul.f32 v57, v60;
	v6 =	vmul.f32 v26, v42;
	v42 =	vld [tilespmem:s22+$0x200];
	s22 =	sor.u32 s6, s7  }
0x29c: {  	v13 =	vmul.f32 v1, v3;
	v39 =	vsub.f32 $1.500000000e+00, v39;
	s7 =	sor.u32 s13, s7;
	v53 =	vld [tilespmem:s22+$0x0];
	v19 =	vadd.f32 $1.000000000e+00, v19  }
0x29d: {  	s21 =	sor.u32 s14, s8;
	v35 =	vmul.f32 v35, v45;
	v21 =	vadd.f32 v32, v49;
	v10 =	vsub.f32 $1.500000000e+00, v46;
	v32 =	vld [tilespmem:s7+$0x0]  }
0x29e: {  	s22 =	sor.u32 s6, s8;
	v26 =	vmul.f32 v38, v39;
	v39 =	vld [tilespmem:s21+$0x0];
	v54 =	vshra.s32 v19, $0x1;
	v19 =	vmul.f32 $5.000000000e-01, v19  }
0x29f: {  	v15 =	vadd.f32 v62, v15;
	v22 =	vadd.f32 v43, v22;
	s7 =	sor.u32 s13, s8;
	v58 =	vld [tilespmem:s22+$0x0];
	v25 =	vsub.s32 $0x5F3759DF, v54  }
0x2a0: {  	v56 =	vadd.f32 v33, v21;
	s8 =	sor.u32 s14, s0;
	v10 =	vmul.f32 v57, v10;
	v60 =	vld [tilespmem:s7+$0x0];
	v57 =	vmul.f32 v25, v19  }
0x2a1: {  	s1 =	sor.u32 s1, s25;
	s2 =	sor.u32 s26, s3;
	v5 =	vmul.f32 v20, v5;
	v55 =	vmul.f32 v35, v36;
	v15 =	vadd.f32 v63, v15;
	v61 =	vld [tilespmem:s8+$0x0];
	s22 =	sor.u32 s6, s0  }
0x2a2: {  	v22 =	vadd.f32 v44, v22;
	v20 =	vadd.f32 v40, v56;
	s7 =	sor.u32 s26, s11;
	s26 =	sor.u32 s11, s25;
	s25 =	sor.u32 s3, s25;
	[tilespmem:s2+$0x16C00] =	vst v6;
	v63 =	vld [tilespmem:s22+$0x0];
	v21 =	vmul.f32 v25, v57  }
0x2a3: {  	v38 =	vmul.f32 v55, v35;
	s21 =	simm.s32 $0x16C40;
	s8 =	sor.u32 s13, s4;
	v47 =	vld [tilespmem:s25+$0x0];
	v59 =	vmul.f32 v26, v17;
	v15 =	vadd.f32 v42, v15  }
0x2a4: {  	[tilespmem:s21+$0x0] =	vst v4;
	v55 =	vld [tilespmem:s8+$0x0];
	v62 =	vmul.f32 v10, v16;
	v20 =	vadd.f32 v31, v20;
	v21 =	vsub.f32 $1.500000000e+00, v21  }
0x2a5: {  	[tilespmem:s7+$0x16C00] =	vst v5;
	v38 =	vsub.f32 $1.500000000e+00, v38;
	v42 =	vld [tilespmem:s1+$0x0];
	v41 =	vmul.f32 v59, v26;
	v15 =	vadd.f32 v48, v15  }
0x2a6: {  	s21 =	sor.u32 s14, s23;
	v43 =	vld [tilespmem:s26+$0x0];
	v29 =	vmul.f32 v62, v10;
	v18 =	vadd.f32 v18, v20;
	v21 =	vmul.f32 v25, v21  }
0x2a7: {  	s22 =	sor.u32 s6, s23;
	v56 =	vld [tilespmem:s21+$0x0];
	v46 =	vmul.f32 v38, v35;
	v22 =	vadd.f32 v53, v22;
	v15 =	vadd.f32 v50, v15  }
0x2a8: {  	[tilespmem:s24+$0x17100] =	vst v13;
	s0 =	sor.u32 s13, s0;
	v13 =	vld [tilespmem:s22+$0x0];
	v45 =	vsub.f32 $1.500000000e+00, v41;
	v29 =	vsub.f32 $1.500000000e+00, v29;
	v49 =	vmul.f32 v21, v19  }
0x2a9: {  	s23 =	sor.u32 s13, s23;
	v48 =	vld [tilespmem:s0+$0x0];
	v18 =	vadd.f32 v52, v18;
	v54 =	vmul.f32 v46, v36;
	v15 =	vadd.f32 v51, v15  }
0x2aa: {  	s11 =	smov.u32 s1;
	s1 =	sor.u32 s14, s4;
	v22 =	vadd.f32 v58, v22;
	v58 =	vld [tilespmem:s23+$0x0];
	v52 =	vmul.f32 v4, v42;
	v53 =	vmul.f32 v49, v21  }
0x2ab: {  	[tilespmem:s20+$0x17100] =	vst v14;
	s3 =	sor.u32 s6, s4;
	s4 =	simm.s32 $0x16EC0;
	v20 =	vmul.f32 v6, v47;
	v50 =	vld [tilespmem:s1+$0x0];
	v26 =	vmul.f32 v45, v26;
	v15 =	vadd.f32 v32, v15  }
0x2ac: {  	s24 =	sor.u32 s14, s31;
	v10 =	vmul.f32 v29, v10;
	v51 =	vld [tilespmem:s3+$0x0];
	[tilespmem:s4+$0x0] =	vst v52;
	v25 =	vmul.f32 v5, v43;
	v34 =	vsub.f32 $1.500000000e+00, v53  }
0x2ad: {  	v18 =	vadd.f32 v39, v18;
	v17 =	vmul.f32 v26, v17;
	v14 =	vadd.f32 v60, v15;
	v60 =	vld [tilespmem:s24+$0x0];
	[dreg:$0x11] =	wrdreg s7  }
0x2ae: {  	s1 =	sor.u32 s6, s31;
	v15 =	vmul.f32 v10, v16;
	[tilespmem:s7+$0x16E80] =	vst v25;
	v16 =	vmul.f32 v34, v21  }
0x2af: {  	v57 =	vmul.f32 v54, v46;
	v22 =	vadd.f32 v63, v22;
	s3 =	sor.u32 s13, s31;
	v18 =	vadd.f32 v61, v18;
	v61 =	vld [tilespmem:s1+$0x0];
	[tilespmem:s17+$0x17100] =	vst v2  }
0x2b0: {  	v17 =	vmul.f32 v17, v26;
	v12 =	vadd.f32 v48, v14;
	v14 =	vld [tilespmem:s3+$0x0];
	[dreg:$0xb] =	wrdreg s2;
	v19 =	vmul.f32 v16, v19  }
0x2b1: {  	s20 =	simm.s32 $0x17100;
	s8 =	sor.u32 s6, s19;
	v59 =	vsub.f32 $1.500000000e+00, v57;
	v18 =	vadd.f32 v50, v18;
	s7 =	sor.u32 s14, s19;
	v15 =	vmul.f32 v15, v10;
	[tilespmem:s2+$0x16E80] =	vst v20  }
0x2b2: {  	s24 =	sor.u32 s5, s15;
	s5 =	sor.u32 s12, s10;
	v2 =	vsub.f32 $1.500000000e+00, v17;
	v22 =	vadd.f32 v51, v22;
	s17 =	sor.u32 s9, s15;
	v17 =	vld [tilespmem:s7+$0x0];
	[tilespmem:s20+$0x0] =	vst v9;
	v19 =	vmul.f32 v19, v16  }
0x2b3: {  	v11 =	vmul.f32 v7, v11;
	s3 =	sor.u32 s12, s9;
	s12 =	sor.u32 s13, s19;
	v62 =	vld [tilespmem:s8+$0x0];
	v15 =	vsub.f32 $1.500000000e+00, v15;
	v12 =	vadd.f32 v55, v12;
	[dreg:$0xa] =	wrdreg s17  }
0x2b4: {  	s21 =	sor.u32 s6, s18;
	s22 =	simm.s32 $0x180;
	v7 =	vmul.f32 v59, v46;
	[tilespmem:s29+$0x17100] =	vst v8;
	v8 =	vadd.f32 v56, v18;
	v18 =	vld [tilespmem:s12+$0x0];
	v19 =	vsub.f32 $1.500000000e+00, v19  }
0x2b5: {  	s9 =	sor.u32 s10, s15;
	s19 =	sor.u32 s14, s18;
	s10 =	simm.s32 $0x16C80;
	v9 =	vmul.f32 v2, v26;
	[tilespmem:s28+$0x17100] =	vst v11;
	v11 =	vadd.f32 v13, v22;
	v13 =	vld [tilespmem:s21+$0x0];
	v21 =	vadd.f32 v58, v12  }
0x2b6: {  	s23 =	sor.u32 s13, s18;
	s31 =	sand.u32 $0x380, s30;
	s1 =	sand.u32 $0x3FFFFF00, s22;
	[tilespmem:s10+$0x0] =	vst v7;
	v12 =	vld [tilespmem:s19+$0x0];
	v63 =	vadd.f32 v60, v8;
	v2 =	vmul.f32 v19, v16  }
0x2b7: {  	s1 =	sadd.s32 $0x16680, s1;
	s18 =	sor.u32 s31, s13;
	[tilespmem:s3+$0x16C00] =	vst v9;
	s28 =	sor.u32 s31, s16;
	v8 =	vmul.f32 v15, v10;
	v11 =	vadd.f32 v61, v11;
	v10 =	vld [tilespmem:s24+$0x0];
	v16 =	vadd.f32 v14, v21  }
0x2b8: {  	s0 =	sor.u32 s16, s1;
	s7 =	sor.u32 s13, s1;
	s17 =	sor.u32 s31, s6;
	v15 =	vadd.f32 v17, v63;
	v14 =	vld [tilespmem:s23+$0x0];
	[tilespmem:s28+$0x16C00] =	vst v2  }
0x2b9: {  	s21 =	sor.u32 s14, s1;
	s29 =	sor.u32 s6, s1;
	s12 =	simm.s32 $0xC;
	[tilespmem:s5+$0x16C00] =	vst v8;
	v17 =	vadd.f32 v62, v11;
	v16 =	vadd.f32 v18, v16;
	v11 =	vld [tilespmem:s0+$0x0]  }
.LBB2_12:
0x2ba: {  	s12 =	sadd.s32 $0x4, s12;
	v18 =	vld [tilespmem:s26+$0x80]  }
0x2bb: {  	s30 =	sadd.s32 $0x40, s30;
	v20 =	vld [tilespmem:s25+$0x80];
	s1 =	sshll.u32 s12, $0x7  }
0x2bc: {  	s22 =	rddreg [dreg:$0xa];
	s13 =	sand.u32 $0x40, s30;
	s23 =	sand.u32 $0x3FFFFC00, s1;
	v13 =	vadd.f32 v13, v17;
	v17 =	vld [tilespmem:s9+$0x0];
	v12 =	vadd.f32 v12, v15  }
0x2bd: {  	s15 =	sor.u32 $0x30, s13;
	s2 =	sadd.s32 $0xA000, s23;
	v15 =	vld [tilespmem:s22+$0x0];
	v14 =	vadd.f32 v14, v16;
	v10 =	vmul.f32 v7, v10  }
0x2be: {  	s4 =	sadd.s32 $0x40, s4;
	v16 =	vld [tilespmem:s11+$0x80];
	s1 =	sor.u32 s15, s2;
	v11 =	vmul.f32 v2, v11;
	v13 =	vadd.f32 $1.000000000e+00, v13;
	v12 =	vadd.f32 $1.000000000e+00, v12  }
0x2bf: {  	v21 =	vld [tilespmem:s1+$0x0];
	v14 =	vadd.f32 $1.000000000e+00, v14;
	[tilespmem:s4+$0x0] =	vst v10  }
0x2c0: {  	v10 =	vld [tilespmem:s1+$0x80];
	[tilespmem:s28+$0x16E80] =	vst v11;
	v22 =	vshra.s32 v13, $0x1;
	v19 =	vshra.s32 v12, $0x1;
	v12 =	vmul.f32 $5.000000000e-01, v12  }
0x2c1: {  	s6 =	sor.u32 s13, s2;
	v13 =	vmul.f32 $5.000000000e-01, v13;
	v24 =	vld [tilespmem:s0+$0x80];
	v23 =	vshra.s32 v14, $0x1;
	v19 =	vsub.s32 $0x5F3759DF, v19  }
0x2c2: {  	v25 =	vld [tilespmem:s6+$0x0];
	v14 =	vmul.f32 $5.000000000e-01, v14;
	v22 =	vsub.s32 $0x5F3759DF, v22;
	v11 =	vmul.f32 v19, v12  }
0x2c3: {  	v28 =	vld [tilespmem:s1+$0x100];
	v23 =	vsub.s32 $0x5F3759DF, v23;
	v26 =	vmul.f32 v22, v13;
	v15 =	vmul.f32 v9, v15  }
0x2c4: {  	s26 =	smov.u32 s29;
	v29 =	vld [tilespmem:s6+$0x80];
	v27 =	vmul.f32 v23, v14;
	v11 =	vmul.f32 v19, v11  }
0x2c5: {  	[dreg:$0x9] =	wrdreg s4;
	s25 =	smov.u32 s22;
	s14 =	sor.u32 $0x10, s13;
	v30 =	vld [tilespmem:s1+$0x180];
	v26 =	vmul.f32 v22, v26;
	[tilespmem:s3+$0x16E80] =	vst v15;
	v15 =	vmul.f32 v8, v17;
	v10 =	vadd.f32 v10, v21  }
0x2c6: {  	[dreg:$0xa] =	wrdreg s26;
	s16 =	sor.u32 $0x20, s13;
	s31 =	sor.u32 s14, s2;
	v49 =	vld [tilespmem:s1+$0x200];
	v27 =	vmul.f32 v23, v27;
	v2 =	vmul.f32 v2, v24;
	v11 =	vsub.f32 $1.500000000e+00, v11  }
0x2c7: {  	[dreg:$0x10] =	wrdreg s25;
	s19 =	sor.u32 s16, s2;
	v16 =	vmul.f32 v4, v16;
	v4 =	vmovc v7;
	v7 =	vld [tilespmem:s31+$0x0];
	v17 =	vsub.f32 $1.500000000e+00, v26;
	[tilespmem:s5+$0x16E80] =	vst v15;
	v15 =	vmul.f32 v5, v18  }
0x2c8: {  	s11 =	smov.u32 s24;
	s2 =	smov.u32 s9;
	s9 =	rddreg [dreg:$0xb];
	v5 =	vmovc v9;
	v9 =	vld [tilespmem:s31+$0x80];
	v10 =	vadd.f32 v28, v10;
	[tilespmem:s28+$0x17100] =	vst v2;
	v11 =	vmul.f32 v19, v11;
	v19 =	vsub.f32 $1.500000000e+00, v27  }
0x2c9: {  	s20 =	sadd.s32 $0x40, s20;
	s24 =	smov.u32 s21;
	[dreg:$0xc] =	wrdreg s11;
	v2 =	vmul.f32 v6, v20;
	v17 =	vmul.f32 v22, v17;
	v50 =	vld [tilespmem:s1+$0x280]  }
0x2ca: {  	[dreg:$0xd] =	wrdreg s24;
	[tilespmem:s20+$0x0] =	vst v16;
	v16 =	vld [tilespmem:s19+$0x0];
	v10 =	vadd.f32 v30, v10;
	v51 =	vmul.f32 v11, v12;
	v19 =	vmul.f32 v23, v19  }
0x2cb: {  	s8 =	smov.u32 s3;
	s4 =	smov.u32 s7;
	s7 =	rddreg [dreg:$0x11];
	v6 =	vmov v8;
	v8 =	vld [tilespmem:s1+$0x300];
	[tilespmem:s9+$0x17100] =	vst v2;
	v52 =	vmul.f32 v17, v13  }
0x2cc: {  	s29 =	smov.u32 s18;
	s10 =	sadd.s32 $0x40, s10;
	[dreg:$0xe] =	wrdreg s2;
	[tilespmem:s7+$0x17100] =	vst v15;
	v2 =	vld [tilespmem:s19+$0x80];
	v10 =	vadd.f32 v49, v10;
	v15 =	vmul.f32 v51, v11;
	v53 =	vmul.f32 v19, v14  }
0x2cd: {  	s11 =	smov.u32 s5;
	s3 =	smov.u32 s17;
	s17 =	sadd.s32 $0xB400, s23;
	v7 =	vadd.f32 v9, v7;
	v9 =	vld [tilespmem:s1+$0x380];
	v54 =	vmul.f32 v52, v17  }
0x2ce: {  	s24 =	sadd.s32 $0xB480, s23;
	[dreg:$0x11] =	wrdreg s8;
	v55 =	vld [tilespmem:s6+$0x100];
	s22 =	sor.u32 s15, s17;
	v10 =	vadd.f32 v50, v10;
	v15 =	vsub.f32 $1.500000000e+00, v15;
	v22 =	vmul.f32 v53, v19  }
0x2cf: {  	[dreg:$0xb] =	wrdreg s11;
	s25 =	sor.u32 s13, s24;
	s26 =	sor.u32 s14, s24;
	v57 =	vld [tilespmem:s22+$0x0];
	v56 =	vsub.f32 $1.500000000e+00, v54  }
0x2d0: {  	s2 =	sor.u32 s16, s24;
	[dreg:$0xf] =	wrdreg s4;
	v58 =	vld [tilespmem:s31+$0x100];
	s1 =	sor.u32 s15, s24;
	v8 =	vadd.f32 v8, v10;
	v11 =	vmul.f32 v15, v11;
	v15 =	vsub.f32 $1.500000000e+00, v22  }
0x2d1: {  	s8 =	sadd.s32 $0xB580, s23;
	[dreg:$0x16] =	wrdreg s25;
	s4 =	sadd.s32 $0xB500, s23;
	v18 =	vadd.f32 v29, v25;
	v2 =	vadd.f32 v2, v16;
	v16 =	vld [tilespmem:s1+$0x0];
	v10 =	vmul.f32 v56, v17  }
0x2d2: {  	s11 =	sadd.s32 $0xB600, s23;
	[dreg:$0x15] =	wrdreg s26;
	s7 =	sor.u32 s15, s4;
	v17 =	vld [tilespmem:s19+$0x100];
	v8 =	vadd.f32 v9, v8;
	v12 =	vmul.f32 v11, v12;
	v15 =	vmul.f32 v15, v19  }
0x2d3: {  	[dreg:$0x18] =	wrdreg s2;
	s26 =	sor.u32 s16, s8;
	s25 =	sor.u32 s13, s11;
	v9 =	vmul.f32 v10, v13;
	v13 =	vadd.f32 v55, v18;
	v18 =	vld [tilespmem:s7+$0x0]  }
0x2d4: {  	s2 =	sadd.s32 $0xB680, s23;
	s18 =	sor.u32 s13, s17;
	s9 =	sor.u32 s15, s8;
	v19 =	vld [tilespmem:s6+$0x180];
	v8 =	vadd.f32 v57, v8;
	v12 =	vmul.f32 v12, v11;
	v14 =	vmul.f32 v15, v14  }
0x2d5: {  	s21 =	sor.u32 s14, s17;
	[dreg:$0x14] =	wrdreg s18;
	s22 =	sor.u32 s15, s11;
	v60 =	vld [tilespmem:s9+$0x0];
	v59 =	vadd.f32 v58, v7;
	v9 =	vmul.f32 v9, v10  }
0x2d6: {  	s0 =	sor.u32 s16, s17;
	s17 =	sor.u32 s13, s8;
	[dreg:$0x12] =	wrdreg s21;
	v8 =	vadd.f32 v16, v8;
	v16 =	vld [tilespmem:s22+$0x0];
	v7 =	vsub.f32 $1.500000000e+00, v12;
	v12 =	vmul.f32 v14, v15  }
0x2d7: {  	s5 =	sor.u32 s14, s4;
	s21 =	sor.u32 s16, s4;
	s18 =	sor.u32 s14, s8;
	v2 =	vadd.f32 v17, v2;
	v9 =	vsub.f32 $1.500000000e+00, v9;
	v14 =	vld [tilespmem:s31+$0x180]  }
0x2d8: {  	[dreg:$0x17] =	wrdreg s5;
	s5 =	sor.u32 s15, s2;
	s22 =	sadd.s32 $0xB700, s23;
	v17 =	vadd.f32 v18, v8;
	v7 =	vmul.f32 v7, v11;
	v11 =	vsub.f32 $1.500000000e+00, v12;
	v12 =	vld [tilespmem:s19+$0x180]  }
0x2d9: {  	s28 =	sor.u32 s13, s4;
	s8 =	sor.u32 s13, s2;
	s4 =	sor.u32 s15, s22;
	v9 =	vmul.f32 v9, v10;
	v10 =	vadd.f32 v19, v13;
	v13 =	vld [tilespmem:s5+$0x0]  }
0x2da: {  	s9 =	sor.u32 s16, s11;
	s24 =	sor.u32 s14, s11;
	s11 =	sor.u32 s14, s2;
	[tilespmem:s10+$0x0] =	vst v7;
	v8 =	vmul.f32 v11, v15;
	v15 =	vadd.f32 v60, v17;
	v17 =	vld [tilespmem:s4+$0x0]  }
0x2db: {  	s7 =	sor.u32 s16, s2;
	s23 =	sadd.s32 $0xB780, s23;
	s2 =	sor.u32 s13, s22;
	[tilespmem:s3+$0x16C00] =	vst v9;
	v11 =	vld [tilespmem:s6+$0x200]  }
0x2dc: {  	s1 =	sor.u32 s16, s22;
	s5 =	sor.u32 s14, s22;
	s22 =	sor.u32 s15, s23;
	v18 =	vld [tilespmem:s31+$0x200];
	v15 =	vadd.f32 v16, v15  }
0x2dd: {  	[tilespmem:s29+$0x16C00] =	vst v8;
	v2 =	vadd.f32 v12, v2;
	v12 =	vld [tilespmem:s22+$0x0]  }
0x2de: {  	v16 =	vld [tilespmem:s19+$0x200];
	v13 =	vadd.f32 v13, v15  }
0x2df: {  	v14 =	vadd.f32 v14, v59;
	v15 =	vld [tilespmem:s31+$0x280]  }
0x2e0: {  	v10 =	vadd.f32 v11, v10;
	v11 =	vld [tilespmem:s6+$0x280];
	v13 =	vadd.f32 v17, v13  }
0x2e1: {  	v17 =	vld [tilespmem:s19+$0x280]  }
0x2e2: {  	v14 =	vadd.f32 v18, v14;
	v18 =	vld [tilespmem:s6+$0x300];
	v12 =	vadd.f32 v12, v13  }
0x2e3: {  	v13 =	vld [tilespmem:s31+$0x300]  }
0x2e4: {  	v62 =	vld [tilespmem:s17+$0x0];
	v2 =	vadd.f32 v16, v2;
	v12 =	vadd.f32 $1.000000000e+00, v12  }
0x2e5: {  	v16 =	vld [tilespmem:s6+$0x380];
	v14 =	vadd.f32 v15, v14;
	v10 =	vadd.f32 v11, v10  }
0x2e6: {  	v15 =	vld [tilespmem:s31+$0x380];
	v2 =	vadd.f32 v17, v2;
	v17 =	vshra.s32 v12, $0x1;
	v12 =	vmul.f32 $5.000000000e-01, v12  }
0x2e7: {  	[dreg:$0x13] =	wrdreg s0;
	v11 =	vld [tilespmem:s19+$0x300];
	v17 =	vsub.s32 $0x5F3759DF, v17  }
0x2e8: {  	v10 =	vadd.f32 v18, v10;
	v18 =	vld [tilespmem:s19+$0x380];
	s19 =	rddreg [dreg:$0x14];
	v13 =	vadd.f32 v13, v14;
	v14 =	vmul.f32 v17, v12  }
0x2e9: {  	s22 =	rddreg [dreg:$0x12];
	v19 =	vld [tilespmem:s19+$0x0]  }
0x2ea: {  	v61 =	vld [tilespmem:s22+$0x0];
	s19 =	rddreg [dreg:$0x16];
	v14 =	vmul.f32 v17, v14  }
0x2eb: {  	s31 =	rddreg [dreg:$0x13];
	v10 =	vadd.f32 v16, v10;
	v16 =	vld [tilespmem:s19+$0x0]  }
0x2ec: {  	s22 =	rddreg [dreg:$0x15];
	v2 =	vadd.f32 v11, v2;
	v11 =	vld [tilespmem:s31+$0x0];
	v14 =	vsub.f32 $1.500000000e+00, v14  }
0x2ed: {  	v13 =	vadd.f32 v15, v13;
	v15 =	vld [tilespmem:s22+$0x0];
	s31 =	rddreg [dreg:$0x18]  }
0x2ee: {  	v2 =	vadd.f32 v18, v2;
	v18 =	vld [tilespmem:s31+$0x0];
	v10 =	vadd.f32 v19, v10;
	v14 =	vmul.f32 v17, v14  }
0x2ef: {  	s19 =	rddreg [dreg:$0x17];
	v19 =	vld [tilespmem:s28+$0x0]  }
0x2f0: {  	v13 =	vadd.f32 v61, v13;
	v17 =	vld [tilespmem:s19+$0x0];
	v10 =	vadd.f32 v16, v10;
	v16 =	vmul.f32 v14, v12  }
0x2f1: {  	v2 =	vadd.f32 v11, v2;
	v11 =	vld [tilespmem:s21+$0x0]  }
0x2f2: {  	v13 =	vadd.f32 v15, v13;
	v15 =	vld [tilespmem:s18+$0x0];
	v16 =	vmul.f32 v16, v14  }
0x2f3: {  	v2 =	vadd.f32 v18, v2;
	v18 =	vld [tilespmem:s26+$0x0]  }
0x2f4: {  	v10 =	vadd.f32 v19, v10;
	v19 =	vld [tilespmem:s25+$0x0];
	v16 =	vsub.f32 $1.500000000e+00, v16  }
0x2f5: {  	v13 =	vadd.f32 v17, v13;
	v17 =	vld [tilespmem:s24+$0x0]  }
0x2f6: {  	v2 =	vadd.f32 v11, v2;
	v11 =	vld [tilespmem:s9+$0x0];
	v14 =	vmul.f32 v16, v14  }
0x2f7: {  	v16 =	vld [tilespmem:s8+$0x0]  }
0x2f8: {  	v10 =	vadd.f32 v62, v10;
	v13 =	vadd.f32 v15, v13;
	v15 =	vld [tilespmem:s11+$0x0];
	v12 =	vmul.f32 v14, v12  }
0x2f9: {  	v2 =	vadd.f32 v18, v2;
	v18 =	vld [tilespmem:s7+$0x0]  }
0x2fa: {  	p1 =	slt.u32 s12, $0x24;
	s0 =	sor.u32 s14, s23;
	v10 =	vadd.f32 v19, v10;
	v19 =	vld [tilespmem:s2+$0x0];
	v12 =	vmul.f32 v12, v14  }
0x2fb: {  	s4 =	sor.u32 s13, s23;
	s23 =	sor.u32 s16, s23;
	s26 =	rddreg [dreg:$0x10];
	v13 =	vadd.f32 v17, v13;
	v17 =	vld [tilespmem:s5+$0x0];
	v2 =	vadd.f32 v11, v2  }
0x2fc: {  	s22 =	sshll.u32 s12, $0x5;
	s31 =	sand.u32 $0x380, s30;
	s25 =	rddreg [dreg:$0xe];
	v11 =	vld [tilespmem:s1+$0x0];
	v10 =	vadd.f32 v16, v10;
	v16 =	vsub.f32 $1.500000000e+00, v12  }
.Ltmp5:
0x2fd: {  	s17 =	sor.u32 s31, s14;
	s24 =	rddreg [dreg:$0xd];
	v63 =	vadd.f32 v15, v13;
	v13 =	vld [tilespmem:s0+$0x0];
	(pc) =	sbr.rel @p1 .LBB2_12-.Ltmp5, $4  }
0x2fe: {  	s28 =	sor.u32 s31, s15;
	s9 =	rddreg [dreg:$0xf];
	s1 =	sand.u32 $0x3FFFFF00, s22;
	v18 =	vadd.f32 v18, v2;
	v12 =	vld [tilespmem:s4+$0x0];
	v2 =	vmul.f32 v16, v14  }
0x2ff: {  	s18 =	sor.u32 s31, s16;
	s11 =	rddreg [dreg:$0xc];
	s1 =	sadd.s32 $0x16680, s1;
	v15 =	vadd.f32 v19, v10;
	v10 =	vld [tilespmem:s24+$0x0]  }
0x300: {  	s5 =	smov.u32 s29;
	s21 =	sor.u32 s13, s1;
	s0 =	sor.u32 s15, s1;
	v14 =	vld [tilespmem:s23+$0x0];
	[tilespmem:s28+$0x16C00] =	vst v2  }
0x301: {  	s29 =	sor.u32 s14, s1;
	s7 =	sor.u32 s16, s1;
	s4 =	rddreg [dreg:$0x9];
	v17 =	vadd.f32 v17, v63;
	v16 =	vadd.f32 v11, v18;
	v11 =	vld [tilespmem:s0+$0x0]  }
0x302: {  	_ =	sdelay $0x1  }
0x303: {  	v12 =	vadd.f32 v12, v15;
	v13 =	vadd.f32 v13, v17  }
0x304: {  	v14 =	vadd.f32 v14, v16  }
0x305: {  	v12 =	vadd.f32 $1.000000000e+00, v12;
	v13 =	vadd.f32 $1.000000000e+00, v13  }
0x306: {  	v14 =	vadd.f32 $1.000000000e+00, v14  }
0x307: {  	v35 =	vshra.s32 v12, $0x1;
	v12 =	vmul.f32 $5.000000000e-01, v12;
	v36 =	vshra.s32 v13, $0x1  }
0x308: {  	v13 =	vmul.f32 $5.000000000e-01, v13;
	v15 =	vsub.s32 $0x5F3759DF, v35;
	v16 =	vsub.s32 $0x5F3759DF, v36  }
0x309: {  	v37 =	vshra.s32 v14, $0x1;
	v14 =	vmul.f32 $5.000000000e-01, v14;
	v18 =	vmul.f32 v15, v12  }
0x30a: {  	v19 =	vmul.f32 v16, v13;
	v17 =	vsub.s32 $0x5F3759DF, v37  }
0x30b: {  	v20 =	vmul.f32 v17, v14;
	v18 =	vmul.f32 v15, v18  }
0x30c: {  	v19 =	vmul.f32 v16, v19  }
0x30d: {  	v20 =	vmul.f32 v17, v20;
	v18 =	vsub.f32 $1.500000000e+00, v18  }
0x30e: {  	v19 =	vsub.f32 $1.500000000e+00, v19  }
0x30f: {  	v15 =	vmul.f32 v15, v18;
	v38 =	vsub.f32 $1.500000000e+00, v20  }
0x310: {  	v16 =	vmul.f32 v16, v19  }
0x311: {  	v39 =	vmul.f32 v15, v12;
	v17 =	vmul.f32 v17, v38  }
0x312: {  	v40 =	vmul.f32 v16, v13  }
0x313: {  	v19 =	vmul.f32 v39, v15;
	v41 =	vmul.f32 v17, v14  }
0x314: {  	v18 =	vmul.f32 v40, v16  }
0x315: {  	v19 =	vsub.f32 $1.500000000e+00, v19;
	v20 =	vmul.f32 v41, v17  }
0x316: {  	v11 =	vmul.f32 v2, v11;
	v18 =	vsub.f32 $1.500000000e+00, v18  }
0x317: {  	v15 =	vmul.f32 v19, v15;
	v42 =	vsub.f32 $1.500000000e+00, v20  }
0x318: {  	[tilespmem:s28+$0x16E80] =	vst v11;
	v16 =	vmul.f32 v18, v16  }
0x319: {  	v44 =	vld [tilespmem:s0+$0x80];
	v12 =	vmul.f32 v15, v12;
	v17 =	vmul.f32 v42, v17  }
0x31a: {  	v13 =	vmul.f32 v16, v13  }
0x31b: {  	v12 =	vmul.f32 v12, v15;
	v14 =	vmul.f32 v17, v14  }
0x31c: {  	s1 =	rddreg [dreg:$0xa];
	v43 =	vmul.f32 v13, v16  }
0x31d: {  	v45 =	vld [tilespmem:s1+$0x0];
	v12 =	vsub.f32 $1.500000000e+00, v12;
	v14 =	vmul.f32 v14, v17  }
0x31e: {  	v46 =	vld [tilespmem:s9+$0x0];
	v2 =	vmul.f32 v2, v44;
	v11 =	vsub.f32 $1.500000000e+00, v43  }
0x31f: {  	v12 =	vmul.f32 v12, v15;
	v14 =	vsub.f32 $1.500000000e+00, v14  }
0x320: {  	s16 =	sadd.s32 $0x40, s10;
	[tilespmem:s28+$0x17100] =	vst v2;
	v11 =	vmul.f32 v11, v16  }
0x321: {  	v47 =	vld [tilespmem:s26+$0x80];
	[tilespmem:s16+$0x0] =	vst v12;
	v14 =	vmul.f32 v14, v17  }
0x322: {  	v49 =	vmul.f32 v9, v45;
	[tilespmem:s17+$0x16C00] =	vst v11;
	v48 =	vld [tilespmem:s21+$0x0]  }
0x323: {  	v2 =	vmul.f32 v8, v46;
	v50 =	vld [tilespmem:s29+$0x0];
	[tilespmem:s18+$0x16C00] =	vst v14  }
0x324: {  	[tilespmem:s3+$0x16E80] =	vst v49;
	v51 =	vld [tilespmem:s7+$0x0]  }
0x325: {  	v10 =	vmul.f32 v7, v10;
	v53 =	vld [tilespmem:s1+$0x80];
	[tilespmem:s5+$0x16E80] =	vst v2  }
0x326: {  	s19 =	sadd.s32 $0x40, s4;
	v5 =	vmul.f32 v5, v47;
	v2 =	vld [tilespmem:s9+$0x80]  }
0x327: {  	v55 =	vld [tilespmem:s11+$0x80];
	s0 =	rddreg [dreg:$0x11];
	[tilespmem:s19+$0x0] =	vst v10;
	v54 =	vmul.f32 v12, v48  }
0x328: {  	v52 =	vld [tilespmem:s25+$0x80];
	[tilespmem:s0+$0x17100] =	vst v5;
	s0 =	sadd.s32 $0x40, s19;
	v56 =	vmul.f32 v11, v50  }
0x329: {  	v57 =	vld [tilespmem:s24+$0x80];
	[tilespmem:s0+$0x0] =	vst v54;
	v58 =	vmul.f32 v14, v51  }
0x32a: {  	v60 =	vmul.f32 v9, v53;
	[tilespmem:s17+$0x16E80] =	vst v56;
	v59 =	vld [tilespmem:s21+$0x80]  }
0x32b: {  	v2 =	vmul.f32 v8, v2;
	v10 =	vld [tilespmem:s29+$0x80];
	[tilespmem:s18+$0x16E80] =	vst v58  }
0x32c: {  	v4 =	vmul.f32 v4, v55;
	s0 =	rddreg [dreg:$0xb];
	v61 =	vld [tilespmem:s7+$0x80];
	[tilespmem:s3+$0x17100] =	vst v60  }
0x32d: {  	s22 =	sadd.s32 $0x40, s20;
	v6 =	vmul.f32 v6, v52;
	[tilespmem:s5+$0x17100] =	vst v2  }
0x32e: {  	v2 =	vmul.f32 v7, v57;
	[tilespmem:s22+$0x0] =	vst v4  }
0x32f: {  	[tilespmem:s0+$0x17100] =	vst v6;
	s0 =	sadd.s32 $0x40, s22;
	v62 =	vmul.f32 v12, v59  }
0x330: {  	[tilespmem:s0+$0x0] =	vst v2;
	s0 =	sadd.s32 $0x40, s0;
	v2 =	vmul.f32 v11, v10  }
0x331: {  	[tilespmem:s0+$0x0] =	vst v62;
	v63 =	vmul.f32 v14, v61  }
0x332: {  	[tilespmem:s17+$0x17100] =	vst v2  }
0x333: {  	[tilespmem:s18+$0x17100] =	vst v63  }
0x334: {  	s0 =	sld [smem:$0x7F9];
	_ =	sdelay $0x1  }
0x335: {  	s23 =	simm.s32 $0x16C00;
	s14 =	simm.s32 $0x2  }
0x336: {  	[spmem:s0] =	stream.linear.scatter [tilespmem:s23], [sflag:$0x2], $0x280, $0x38;
	[tilespmem:$0x1A300] =	vst v63  }
0x337: {  	_ =	swait.ge [sflag:s14], $0x280  }
0x338: {  	s24 =	sld [smem:$0x7FA]  }
0x339: {  	[sflag:s14] =	ssyncset.done $0x0  }
0x33a: {  	s25 =	simm.s32 $0x16E80;
	[sflag:s14] =	ssyncadd.s32 $0xFFFFFD80  }
0x33b: {  	[spmem:s24] =	stream.linear.scatter [tilespmem:s25], [sflag:$0x2], $0x280, $0x38;
	[tilespmem:$0x1A300] =	vst v63  }
0x33c: {  	_ =	swait.ge [sflag:s14], $0x280  }
0x33d: {  	s26 =	sld [smem:$0x7FB]  }
0x33e: {  	[sflag:s14] =	ssyncset.done $0x0  }
0x33f: {  	s28 =	simm.s32 $0x17100;
	[sflag:s14] =	ssyncadd.s32 $0xFFFFFD80  }
0x340: {  	[spmem:s26] =	stream.linear.scatter [tilespmem:s28], [sflag:$0x2], $0x280, $0x38;
	[tilespmem:$0x1A300] =	vst v63  }
0x341: {  	_ =	swait.ge [sflag:s14], $0x280  }
0x342: {  	[sflag:s14] =	ssyncset.done $0x0  }
0x343: {  	[sflag:s14] =	ssyncadd.s32 $0xFFFFFD80  }
0x344: {  	[bflag:$0x0] =	sbarrier.arrive $0xFFFF  }
0x345: {  	s13 =	simm.s32 $0x7800;
	s29 =	rddreg [dreg:$0x5]  }
0x346: {  	[tilespmem:s13], [sflag:$0x2] =	stream.linear.gather [spmem:s29], $0x2800, $0x38;
	[tilespmem:$0x1A300] =	vst v63  }
0x347: {  	_ =	swait.ge [sflag:s14], $0x2800  }
0x348: {  	[sflag:s14] =	ssyncset.done $0x0  }
0x349: {  	[sflag:s14] =	ssyncadd.s32 $0xFFFFD800  }
0x34a: {  	s15 =	simm.s32 $0xC800;
	s30 =	rddreg [dreg:$0x6]  }
0x34b: {  	[tilespmem:s15], [sflag:$0x2] =	stream.linear.gather [spmem:s30], $0x2800, $0x38;
	[tilespmem:$0x1A300] =	vst v63  }
0x34c: {  	_ =	swait.ge [sflag:s14], $0x2800  }
0x34d: {  	[sflag:s14] =	ssyncset.done $0x0  }
0x34e: {  	[sflag:s14] =	ssyncadd.s32 $0xFFFFD800  }
.Ltmp6:
0x34f: {  	s16 =	simm.s32 $0xF000;
	s31 =	rddreg [dreg:$0x7];
	(pc) =	sbr.rel @p0 .LBB2_17-.Ltmp6, $4  }
0x350: {  	[tilespmem:s16], [sflag:$0x2] =	stream.linear.gather [spmem:s31], $0x2800, $0x38;
	[tilespmem:$0x1A300] =	vst v63  }
0x351: {  	_ =	swait.ge [sflag:s14], $0x2800  }
0x352: {  	s19 =	simm.s32 $0x11800;
	[sflag:s14] =	ssyncset.done $0x0  }
0x353: {  	s17 =	simm.s32 $0x0;
	s18 =	rddreg [dreg:$0x19];
	[sflag:s14] =	ssyncadd.s32 $0xFFFFD800  }
0x354: {  	v1 =	vimm.s32 $0x1;
	_ =	sdelay $0x2  }
0x355: {  	s0 =	sadd.s32 $0x30, s18;
	s4 =	simm.s32 $0x16B80  }
0x356: {  	s1 =	simm.s32 $0x20;
	s2 =	sadd.s32 $0xFFFFFFF0, s0;
	v4 =	vld.msk [tilespmem:s4+$0x0], $0xffff  }
0x357: {  	s8 =	simm.s32 $0x0;
	s1 =	sand.u32 $0x60, s1;
	s3 =	sand.u32 $0x7F80, s2;
	v5 =	vld.idx.msk [tilespmem:v1+s4+$0x0], $0xffff  }
0x358: {  	s12 =	simm.s32 $0x30;
	s9 =	sadd.s32 $0xFFFFFFD0, s0;
	s1 =	sor.u32 s1, s3;
	v1 =	vld [tilespmem:$0x1FFF0]  }
0x359: {  	v2 =	vmov s0;
	s5 =	sadd.s32 $0xFFFFFFE0, s0;
	s0 =	sand.u32 $0x7F80, s0;
	v13 =	vmov s2;
	s2 =	sand.u32 $0x70, s12;
	v6 =	vld [tilespmem:s1+$0x7800]  }
0x35a: {  	s3 =	sand.u32 $0x40, s8;
	s0 =	sor.u32 s2, s0;
	v9 =	vld [tilespmem:s1+$0xC800];
	s4 =	sand.u32 $0x7F80, s9  }
0x35b: {  	s20 =	sadd.s32 $0x70, s18;
	v24 =	vld [tilespmem:s0+$0x7800];
	s3 =	sor.u32 s3, s4  }
0x35c: {  	s21 =	sadd.s32 $0xFFFFFFD0, s20;
	v7 =	vmov s9;
	v8 =	vshll.u32 v2, $0x1;
	v11 =	vmov s5;
	v16 =	vld [tilespmem:s3+$0xC800]  }
0x35d: {  	s10 =	simm.s32 $0x10;
	vm0 =	vlt.u32 v2, $0x2710;
	v25 =	vmov s21;
	v22 =	vor.u32 v1, v8;
	v8 =	vld [tilespmem:s1+$0xF000]  }
0x35e: {  	s6 =	sadd.s32 $0xFFFFFFE0, s20;
	s11 =	sand.u32 $0x7F80, s5;
	v10 =	vshll.u32 v7, $0x1;
	v17 =	vshll.u32 v13, $0x1;
	vm3 =	vlt.u32 v13, $0x2710;
	v13 =	vld [tilespmem:s3+$0xF000];
	s1 =	sand.u32 $0x50, s10  }
0x35f: {  	v27 =	vmov s6;
	v14 =	vshll.u32 v11, $0x1;
	v12 =	vor.u32 v1, v10;
	v10 =	vld [tilespmem:s3+$0x7800];
	s1 =	sor.u32 s1, s11  }
0x360: {  	vm2 =	vlt.u32 v7, $0x2710;
	v18 =	vor.u32 v1, v14;
	v14 =	vor.u32 v1, v17;
	v19 =	vld [tilespmem:s1+$0x7800]  }
0x361: {  	vm1 =	vlt.u32 v11, $0x2710;
	v7 =	vmov s20;
	v9 =	vmul.f32 v9, v6;
	v11 =	vld [tilespmem:s1+$0xC800]  }
0x362: {  	v2 =	vshll.u32 v7, $0x1;
	v20 =	vor.u32 $0x1, v14;
	v21 =	vld [tilespmem:s1+$0xF000];
	v8 =	vmul.f32 v8, v6  }
0x363: {  	s22 =	simm.s32 $0x60;
	s23 =	sadd.s32 $0xFFFFFFF0, s20;
	v26 =	vld [tilespmem:s0+$0xF000];
	v2 =	vor.u32 v1, v2;
	v15 =	vor.u32 $0x1, v12;
	v9 =	vadd.f32 v9, v4  }
0x364: {  	s24 =	sand.u32 $0x7F80, s23;
	s3 =	sand.u32 $0x60, s22;
	v16 =	vmul.f32 v16, v10;
	v23 =	vadd.f32 v8, v5;
	v8 =	vmul.f32 v13, v10;
	v13 =	vld [tilespmem:s0+$0xC800]  }
0x365: {  	v17 =	vor.u32 $0x1, v18;
	s3 =	sor.u32 s3, s24;
	v6 =	vor.u32 $0x1, v22;
	[tilespmem:v14+s19+$0x0] =	vst.idx.msk vm3, v9;
	v9 =	vshll.u32 v27, $0x1  }
0x366: {  	s25 =	simm.s32 $0x40;
	v28 =	vld [tilespmem:s3+$0x7800];
	v9 =	vor.u32 v1, v9;
	v16 =	vadd.f32 v16, v4;
	v11 =	vmul.f32 v11, v19  }
0x367: {  	s1 =	sand.u32 $0x7F80, s21;
	v10 =	vshll.u32 v25, $0x1;
	s0 =	sand.u32 $0x40, s25;
	v14 =	vmul.f32 v21, v19;
	v19 =	vld [tilespmem:s3+$0xC800];
	v29 =	vadd.f32 v8, v5;
	[tilespmem:v20+s19+$0x0] =	vst.idx.msk vm3, v23  }
0x368: {  	v21 =	vld [tilespmem:s3+$0xF000];
	s0 =	sor.u32 s0, s1;
	v8 =	vor.u32 v1, v10;
	v11 =	vadd.f32 v11, v4;
	[tilespmem:v12+s19+$0x0] =	vst.idx.msk vm2, v16;
	v16 =	vmov s23  }
0x369: {  	s26 =	simm.s32 $0x50;
	v12 =	vld [tilespmem:s0+$0x7800];
	v20 =	vadd.f32 v14, v5;
	v23 =	vmul.f32 v26, v24;
	v13 =	vmul.f32 v13, v24  }
0x36a: {  	s28 =	sand.u32 $0x7F80, s6;
	s1 =	sand.u32 $0x50, s26;
	v14 =	vld [tilespmem:s0+$0xC800];
	vm3 =	vlt.u32 v25, $0x2710;
	[tilespmem:v15+s19+$0x0] =	vst.idx.msk vm2, v29;
	v15 =	vshll.u32 v16, $0x1;
	vm2 =	vlt.u32 v16, $0x2710  }
0x36b: {  	s29 =	simm.s32 $0x70;
	s3 =	sor.u32 s1, s28;
	v10 =	vor.u32 $0x1, v8;
	[tilespmem:v18+s19+$0x0] =	vst.idx.msk vm1, v11;
	v16 =	vld [tilespmem:s0+$0xF000];
	v15 =	vor.u32 v1, v15;
	v63 =	vadd.f32 v13, v4  }
0x36c: {  	s30 =	sand.u32 $0x7F80, s20;
	s31 =	sand.u32 $0x70, s29;
	v18 =	vld [tilespmem:s3+$0xC800];
	[tilespmem:v17+s19+$0x0] =	vst.idx.msk vm1, v20;
	v19 =	vmul.f32 v19, v28;
	v20 =	vadd.f32 v23, v5;
	v17 =	vor.u32 $0x1, v15  }
0x36d: {  	s2 =	sor.u32 s31, s30;
	s1 =	simm.s32 $0xB0;
	v11 =	vor.u32 $0x1, v9;
	s0 =	simm.s32 $0x4;
	vm1 =	vlt.u32 v27, $0x2710;
	v21 =	vmul.f32 v21, v28;
	v13 =	vld [tilespmem:s3+$0x7800];
	[tilespmem:v22+s19+$0x0] =	vst.idx.msk vm0, v63  }
.LBB2_15:
0x36e: {  	s4 =	sadd.s32 $0xFFFFFFD0, s1;
	s5 =	sadd.s32 s1, s18;
	s6 =	sadd.s32 $0xFFFFFFE0, s1;
	v22 =	vld [tilespmem:s3+$0xF000];
	v19 =	vadd.f32 v19, v4;
	[tilespmem:v6+s19+$0x0] =	vst.idx.msk vm0, v20;
	v6 =	vor.u32 $0x1, v2;
	vm0 =	vlt.u32 v7, $0x2710  }
0x36f: {  	s7 =	sadd.s32 $0xFFFFFFF0, s1;
	s3 =	sadd.s32 $0xFFFFFFD0, s5;
	s8 =	sadd.s32 $0xFFFFFFF0, s5;
	v7 =	vmov s5;
	v14 =	vmul.f32 v14, v12;
	v20 =	vadd.f32 v21, v5;
	v21 =	vld [tilespmem:s2+$0x7800]  }
0x370: {  	s0 =	sadd.s32 $0x4, s0;
	s7 =	sand.u32 $0x60, s7;
	v23 =	vmov s3;
	s9 =	sand.u32 $0x7F80, s8;
	v24 =	vshll.u32 v7, $0x1;
	v12 =	vmul.f32 v16, v12;
	[tilespmem:v15+s19+$0x0] =	vst.idx.msk vm2, v19;
	v15 =	vld [tilespmem:s2+$0xC800]  }
0x371: {  	s10 =	sadd.s32 $0xFFFFFFE0, s5;
	p1 =	slt.u32 s0, $0x24;
	v16 =	vshll.u32 v23, $0x1;
	s7 =	sor.u32 s7, s9;
	v24 =	vor.u32 v1, v24;
	v14 =	vadd.f32 v14, v4;
	[tilespmem:v17+s19+$0x0] =	vst.idx.msk vm2, v20;
	v17 =	vld [tilespmem:s2+$0xF000]  }
0x372: {  	v25 =	vmov s10;
	s2 =	sand.u32 $0x7F80, s3;
	s3 =	sand.u32 $0x40, s4;
	s4 =	sand.u32 $0x7F80, s10;
	v26 =	vld [tilespmem:s7+$0x7800];
	v12 =	vadd.f32 v12, v5;
	v18 =	vmul.f32 v18, v13  }
0x373: {  	s6 =	sand.u32 $0x50, s6;
	s5 =	sand.u32 $0x7F80, s5;
	v19 =	vshll.u32 v25, $0x1;
	s9 =	sand.u32 $0x70, s1;
	v20 =	vld [tilespmem:s7+$0xC800];
	[tilespmem:v8+s19+$0x0] =	vst.idx.msk vm3, v14;
	v8 =	vor.u32 v1, v16;
	v13 =	vmul.f32 v22, v13  }
0x374: {  	s10 =	sor.u32 s3, s2;
	s3 =	sor.u32 s6, s4;
	s2 =	sor.u32 s9, s5;
	v16 =	vor.u32 v1, v19;
	v22 =	vld [tilespmem:s7+$0xF000];
	[tilespmem:v10+s19+$0x0] =	vst.idx.msk vm3, v12;
	v10 =	vor.u32 $0x1, v8;
	v18 =	vadd.f32 v18, v4  }
.Ltmp7:
0x375: {  	v19 =	vmov s8;
	v12 =	vld [tilespmem:s10+$0x7800];
	v13 =	vadd.f32 v13, v5;
	v27 =	vmul.f32 v15, v21;
	(pc) =	sbr.rel @p1 .LBB2_15-.Ltmp7, $4  }
0x376: {  	vm2 =	vlt.u32 v19, $0x2710;
	v15 =	vshll.u32 v19, $0x1;
	v14 =	vld [tilespmem:s10+$0xC800];
	[tilespmem:v9+s19+$0x0] =	vst.idx.msk vm1, v18;
	v18 =	vmul.f32 v17, v21;
	v9 =	vmovc v16  }
0x377: {  	v15 =	vor.u32 v1, v15;
	v16 =	vld [tilespmem:s10+$0xF000];
	[tilespmem:v11+s19+$0x0] =	vst.idx.msk vm1, v13;
	v11 =	vor.u32 $0x1, v9;
	v27 =	vadd.f32 v27, v4  }
0x378: {  	v17 =	vor.u32 $0x1, v15;
	v13 =	vld [tilespmem:s3+$0x7800];
	v19 =	vmul.f32 v20, v26;
	v20 =	vadd.f32 v18, v5  }
0x379: {  	s1 =	sadd.s32 $0x40, s1;
	vm3 =	vlt.u32 v23, $0x2710;
	vm1 =	vlt.u32 v25, $0x2710;
	v18 =	vld [tilespmem:s3+$0xC800];
	v21 =	vmul.f32 v22, v26;
	[tilespmem:v2+s19+$0x0] =	vst.idx.msk vm0, v27;
	v2 =	vmovc v24  }
0x37a: {  	_ = 	snop  }
0x37b: {  	v22 =	vld [tilespmem:s3+$0xF000]  }
0x37c: {  	v23 =	vld [tilespmem:s2+$0x7800]  }
0x37d: {  	v24 =	vld [tilespmem:s2+$0xC800]  }
0x37e: {  	v19 =	vadd.f32 v19, v4;
	v25 =	vld [tilespmem:s2+$0xF000];
	v14 =	vmul.f32 v14, v12  }
0x37f: {  	[tilespmem:v6+s19+$0x0] =	vst.idx.msk vm0, v20;
	v53 =	vadd.f32 v21, v5;
	v52 =	vmul.f32 v16, v12  }
0x380: {  	vm15 =	vlt.u32 v7, $0x2710;
	[tilespmem:v15+s19+$0x0] =	vst.idx.msk vm2, v19;
	v54 =	vadd.f32 v14, v4;
	v55 =	vmul.f32 v18, v13  }
0x381: {  	[tilespmem:v17+s19+$0x0] =	vst.idx.msk vm2, v53;
	v6 =	vadd.f32 v52, v5;
	v56 =	vmul.f32 v22, v13  }
0x382: {  	v57 =	vor.u32 $0x1, v2;
	[tilespmem:v8+s19+$0x0] =	vst.idx.msk vm3, v54;
	v59 =	vmul.f32 v24, v23;
	v58 =	vadd.f32 v55, v4  }
0x383: {  	v61 =	vmul.f32 v25, v23;
	[tilespmem:v10+s19+$0x0] =	vst.idx.msk vm3, v6;
	v60 =	vadd.f32 v56, v5  }
0x384: {  	v62 =	vadd.f32 v59, v4;
	[tilespmem:v9+s19+$0x0] =	vst.idx.msk vm1, v58  }
0x385: {  	v63 =	vadd.f32 v61, v5;
	[tilespmem:v11+s19+$0x0] =	vst.idx.msk vm1, v60  }
0x386: {  	[tilespmem:v2+s19+$0x0] =	vst.idx.msk vm15, v62  }
0x387: {  	[tilespmem:v57+s19+$0x0] =	vst.idx.msk vm15, v63  }
.LBB2_17:
0x388: {  	s2 =	simm.s32 $0x100  }
0x389: {  	v2 =	vld [tilespmem:s2+$0xF0]  }
0x38a: {  	v11 =	vld [tilespmem:s2+$0xFFFFFF80]  }
0x38b: {  	v4 =	vld [tilespmem:s2+$0x70]  }
0x38c: {  	v12 =	vld [tilespmem:s2+$0xFFFFFF90]  }
0x38d: {  	v13 =	vld [tilespmem:s2+$0xFFFFFFA0]  }
0x38e: {  	v14 =	vld [tilespmem:s2+$0xFFFFFFB0]  }
0x38f: {  	v15 =	vld [tilespmem:s2+$0xFFFFFFC0]  }
0x390: {  	s0 =	simm.s32 $0x5080;
	v16 =	vld [tilespmem:s2+$0xFFFFFFD0]  }
0x391: {  	v6 =	vld [tilespmem:s0+$0x70]  }
0x392: {  	v18 =	vld [tilespmem:s2+$0xFFFFFFE0]  }
0x393: {  	v10 =	vld [tilespmem:s2+$0xFFFFFFF0]  }
0x394: {  	v9 =	vld [tilespmem:s2+$0x80]  }
0x395: {  	v8 =	vld [tilespmem:s2+$0x90]  }
0x396: {  	v20 =	vld [tilespmem:s2+$0xFFFFFF00]  }
0x397: {  	v58 =	vld [tilespmem:s0+$0xFFFFFF80]  }
0x398: {  	v21 =	vld [tilespmem:s2+$0xFFFFFF10]  }
0x399: {  	v23 =	vld [tilespmem:s2+$0xFFFFFF20]  }
0x39a: {  	v24 =	vld [tilespmem:s0+$0xFFFFFF90]  }
0x39b: {  	v61 =	vld [tilespmem:s2+$0xFFFFFF30]  }
0x39c: {  	v62 =	vld [tilespmem:s0+$0xFFFFFFA0]  }
0x39d: {  	v28 =	vld [tilespmem:s2+$0xFFFFFF40]  }
0x39e: {  	v29 =	vld [tilespmem:s2+$0xFFFFFF50]  }
0x39f: {  	v31 =	vld [tilespmem:s0+$0xFFFFFFB0]  }
0x3a0: {  	v35 =	vld [tilespmem:s2+$0xFFFFFF60]  }
0x3a1: {  	v37 =	vld [tilespmem:s0+$0xFFFFFFC0]  }
0x3a2: {  	v41 =	vld [tilespmem:s2+$0xFFFFFF70]  }
0x3a3: {  	v42 =	vld [tilespmem:s2+$0x0]  }
0x3a4: {  	v44 =	vld [tilespmem:s0+$0xFFFFFFD0]  }
0x3a5: {  	v48 =	vld [tilespmem:s2+$0x10]  }
0x3a6: {  	s1 =	simm.s32 $0xF0;
	v50 =	vld [tilespmem:s0+$0xFFFFFFE0]  }
0x3a7: {  	s21 =	simm.s32 $0x50;
	v7 =	vmov s1;
	v55 =	vld [tilespmem:s2+$0x20]  }
0x3a8: {  	v45 =	vmov s21;
	vm0 =	vlt.u32 v7, v0;
	v7 =	vld [tilespmem:s2+$0xA0]  }
0x3a9: {  	vm8 =	vlt.u32 v45, v0;
	v45 =	vld [tilespmem:s0+$0x40]  }
0x3aa: {  	v5 =	vld.idx.msk [tilespmem:v2+s13+$0x0], $0xffff  }
0x3ab: {  	v17 =	vld.idx.msk [tilespmem:v4+s15+$0x0], $0xffff  }
0x3ac: {  	v4 =	vld.idx.msk [tilespmem:v4+s16+$0x0], $0xffff  }
0x3ad: {  	v57 =	vld.idx.msk [tilespmem:v11+s13+$0x0], $0xffff  }
0x3ae: {  	v22 =	vld.idx.msk [tilespmem:v20+s15+$0x0], $0xffff  }
0x3af: {  	v59 =	vld.idx.msk [tilespmem:v12+s13+$0x0], $0xffff  }
0x3b0: {  	v20 =	vld.idx.msk [tilespmem:v20+s16+$0x0], $0xffff  }
0x3b1: {  	v25 =	vld.idx.msk [tilespmem:v21+s15+$0x0], $0xffff  }
0x3b2: {  	v26 =	vld.idx.msk [tilespmem:v13+s13+$0x0], $0xffff  }
0x3b3: {  	v21 =	vld.idx.msk [tilespmem:v21+s16+$0x0], $0xffff  }
0x3b4: {  	v63 =	vld.idx.msk [tilespmem:v23+s15+$0x0], $0xffff  }
0x3b5: {  	v30 =	vld.idx.msk [tilespmem:v14+s13+$0x0], $0xffff  }
0x3b6: {  	v23 =	vld.idx.msk [tilespmem:v23+s16+$0x0], $0xffff  }
0x3b7: {  	v34 =	vld.idx.msk [tilespmem:v61+s15+$0x0], $0xffff  }
0x3b8: {  	v36 =	vld.idx.msk [tilespmem:v15+s13+$0x0], $0xffff  }
0x3b9: {  	v38 =	vld.idx.msk [tilespmem:v28+s15+$0x0], $0xffff  }
0x3ba: {  	v43 =	vld.idx.msk [tilespmem:v16+s13+$0x0], $0xffff  }
0x3bb: {  	v47 =	vld.idx.msk [tilespmem:v29+s15+$0x0], $0xffff  }
0x3bc: {  	v49 =	vld.idx.msk [tilespmem:v18+s13+$0x0], $0xffff  }
0x3bd: {  	v51 =	vld.idx.msk [tilespmem:v29+s16+$0x0], $0xffff  }
0x3be: {  	s18 =	simm.s32 $0x30;
	v2 =	vshll.u32 v2, $0x1;
	v52 =	vld.idx.msk [tilespmem:v35+s15+$0x0], $0xffff  }
0x3bf: {  	v33 =	vmov s18;
	v29 =	vld [tilespmem:s2+$0x60];
	v5 =	vmul.f32 v5, v6  }
0x3c0: {  	vm6 =	vlt.u32 v33, v0;
	v33 =	vld.idx.msk [tilespmem:v48+s15+$0x0], $0xffff  }
0x3c1: {  	v19 =	vor.u32 $0x1, v2;
	v6 =	vld [tilespmem:s2+$0xB0];
	v17 =	vmul.f32 v17, v5  }
0x3c2: {  	v4 =	vmul.f32 v4, v5;
	v5 =	vld [tilespmem:s2+$0xC0]  }
0x3c3: {  	[tilespmem:v2+s19+$0x0] =	vst.idx.add.f32.msk vm0, v17  }
0x3c4: {  	v17 =	vmul.f32 v57, v58;
	v57 =	vld [tilespmem:s2+$0x30]  }
0x3c5: {  	v58 =	vld.idx.msk [tilespmem:v10+s13+$0x0], $0xffff  }
0x3c6: {  	s3 =	simm.s32 $0x0;
	[tilespmem:v19+s19+$0x0] =	vst.idx.add.f32.msk vm0, v4  }
0x3c7: {  	s11 =	simm.s32 $0x10;
	v2 =	vmov s3;
	v4 =	vld [tilespmem:s2+$0xD0]  }
0x3c8: {  	v60 =	vmov s11;
	vm4 =	vlt.u32 v2, v0;
	v2 =	vld [tilespmem:s2+$0xE0]  }
0x3c9: {  	vm1 =	vlt.u32 v60, v0;
	v19 =	vmul.f32 v59, v24;
	v59 =	vld [tilespmem:s0+$0xFFFFFFF0];
	v22 =	vmul.f32 v22, v17  }
0x3ca: {  	v12 =	vshll.u32 v12, $0x1;
	v17 =	vmul.f32 v20, v17;
	v20 =	vmul.f32 v26, v62;
	v62 =	vld.idx.msk [tilespmem:v41+s15+$0x0], $0xffff  }
0x3cb: {  	v26 =	vld.idx.msk [tilespmem:v42+s15+$0x0], $0xffff  }
0x3cc: {  	v24 =	vmul.f32 v25, v19;
	v25 =	vld [tilespmem:s0+$0x0]  }
0x3cd: {  	v11 =	vshll.u32 v11, $0x1;
	v19 =	vmul.f32 v21, v19;
	v21 =	vmul.f32 v30, v31;
	v30 =	vld.idx.msk [tilespmem:v8+s13+$0x0], $0xffff  }
0x3ce: {  	v31 =	vld [tilespmem:s0+$0x10]  }
0x3cf: {  	s20 =	simm.s32 $0x40;
	[tilespmem:v12+s19+$0x0] =	vst.idx.add.f32.msk vm1, v24  }
0x3d0: {  	v39 =	vmov s20;
	v12 =	vor.u32 $0x1, v12;
	v24 =	vld.idx.msk [tilespmem:v9+s13+$0x0], $0xffff  }
0x3d1: {  	vm7 =	vlt.u32 v39, v0;
	v39 =	vld.idx.msk [tilespmem:v5+s13+$0x0], $0xffff  }
0x3d2: {  	[tilespmem:v11+s19+$0x0] =	vst.idx.add.f32.msk vm4, v22  }
0x3d3: {  	v22 =	vld.idx.msk [tilespmem:v61+s16+$0x0], $0xffff  }
0x3d4: {  	v56 =	vshll.u32 v18, $0x1;
	v18 =	vld.idx.msk [tilespmem:v57+s16+$0x0], $0xffff  }
0x3d5: {  	v11 =	vor.u32 $0x1, v11;
	[tilespmem:v12+s19+$0x0] =	vst.idx.add.f32.msk vm1, v19  }
0x3d6: {  	s12 =	simm.s32 $0x20;
	v12 =	vld.idx.msk [tilespmem:v35+s16+$0x0], $0xffff  }
0x3d7: {  	v27 =	vmov s12;
	v35 =	vld.idx.msk [tilespmem:v6+s13+$0x0], $0xffff  }
0x3d8: {  	vm5 =	vlt.u32 v27, v0;
	v19 =	vmul.f32 v36, v37;
	v36 =	vld [tilespmem:s0+$0x20]  }
0x3d9: {  	v13 =	vshll.u32 v13, $0x1;
	v37 =	vld.idx.msk [tilespmem:v55+s15+$0x0], $0xffff  }
0x3da: {  	[tilespmem:v11+s19+$0x0] =	vst.idx.add.f32.msk vm4, v17  }
0x3db: {  	v17 =	vld.idx.msk [tilespmem:v28+s16+$0x0], $0xffff  }
0x3dc: {  	v32 =	vor.u32 $0x1, v13;
	v11 =	vmul.f32 v63, v20;
	v63 =	vld [tilespmem:s2+$0x40]  }
0x3dd: {  	v28 =	vld [tilespmem:s2+$0x50]  }
0x3de: {  	[tilespmem:v13+s19+$0x0] =	vst.idx.add.f32.msk vm5, v11  }
0x3df: {  	v14 =	vshll.u32 v14, $0x1;
	v20 =	vmul.f32 v23, v20;
	v13 =	vmul.f32 v34, v21;
	v34 =	vld.idx.msk [tilespmem:v7+s13+$0x0], $0xffff  }
0x3e0: {  	v15 =	vshll.u32 v15, $0x1;
	v21 =	vmul.f32 v22, v21;
	v22 =	vmul.f32 v43, v44;
	v44 =	vld.idx.msk [tilespmem:v57+s15+$0x0], $0xffff  }
0x3e1: {  	[tilespmem:v32+s19+$0x0] =	vst.idx.add.f32.msk vm5, v20  }
0x3e2: {  	v20 =	vld.idx.msk [tilespmem:v42+s16+$0x0], $0xffff  }
0x3e3: {  	v11 =	vmul.f32 v38, v19;
	v42 =	vld [tilespmem:s0+$0x30]  }
0x3e4: {  	[tilespmem:v14+s19+$0x0] =	vst.idx.add.f32.msk vm6, v13  }
0x3e5: {  	v40 =	vor.u32 $0x1, v14;
	[tilespmem:v15+s19+$0x0] =	vst.idx.add.f32.msk vm7, v11  }
0x3e6: {  	v14 =	vld.idx.msk [tilespmem:v41+s16+$0x0], $0xffff  }
0x3e7: {  	v16 =	vshll.u32 v16, $0x1;
	v11 =	vld.idx.msk [tilespmem:v48+s16+$0x0], $0xffff  }
0x3e8: {  	v41 =	vld.idx.msk [tilespmem:v2+s13+$0x0], $0xffff  }
0x3e9: {  	v46 =	vor.u32 $0x1, v15;
	v15 =	vmul.f32 v47, v22;
	v47 =	vld [tilespmem:s0+$0x60]  }
0x3ea: {  	v54 =	vor.u32 $0x1, v16;
	[tilespmem:v40+s19+$0x0] =	vst.idx.add.f32.msk vm6, v21  }
0x3eb: {  	s22 =	simm.s32 $0x60;
	v40 =	vld.idx.msk [tilespmem:v4+s13+$0x0], $0xffff  }
0x3ec: {  	v53 =	vmov s22;
	v17 =	vmul.f32 v17, v19;
	[tilespmem:v16+s19+$0x0] =	vst.idx.add.f32.msk vm8, v15  }
0x3ed: {  	s23 =	simm.s32 $0x70;
	s24 =	simm.s32 $0x80;
	vm9 =	vlt.u32 v53, v0;
	v22 =	vmul.f32 v51, v22;
	v16 =	vld.idx.msk [tilespmem:v55+s16+$0x0], $0xffff  }
0x3ee: {  	v60 =	vmov s23;
	v27 =	vmov s24;
	[tilespmem:v46+s19+$0x0] =	vst.idx.add.f32.msk vm7, v17  }
0x3ef: {  	vm10 =	vlt.u32 v60, v0;
	v61 =	vor.u32 $0x1, v56;
	v19 =	vmul.f32 v49, v50;
	[tilespmem:v54+s19+$0x0] =	vst.idx.add.f32.msk vm8, v22  }
0x3f0: {  	s25 =	simm.s32 $0x90;
	vm11 =	vlt.u32 v27, v0;
	v10 =	vshll.u32 v10, $0x1;
	v9 =	vshll.u32 v9, $0x1;
	v46 =	vld [tilespmem:s0+$0x50]  }
0x3f1: {  	v32 =	vmov s25;
	v21 =	vmul.f32 v58, v59;
	v13 =	vmul.f32 v52, v19;
	v48 =	vld.idx.msk [tilespmem:v63+s15+$0x0], $0xffff  }
0x3f2: {  	vm12 =	vlt.u32 v32, v0;
	v12 =	vmul.f32 v12, v19;
	v19 =	vmul.f32 v24, v25;
	v51 =	vld.idx.msk [tilespmem:v63+s16+$0x0], $0xffff  }
0x3f3: {  	v8 =	vshll.u32 v8, $0x1;
	v17 =	vmul.f32 v62, v21;
	[tilespmem:v56+s19+$0x0] =	vst.idx.add.f32.msk vm9, v13;
	v14 =	vmul.f32 v14, v21  }
0x3f4: {  	v21 =	vmul.f32 v30, v31;
	[tilespmem:v61+s19+$0x0] =	vst.idx.add.f32.msk vm9, v12;
	v12 =	vmul.f32 v26, v19  }
0x3f5: {  	[tilespmem:v10+s19+$0x0] =	vst.idx.add.f32.msk vm10, v17;
	v10 =	vor.u32 $0x1, v10  }
0x3f6: {  	s26 =	simm.s32 $0xA0;
	s31 =	simm.s32 $0xE0;
	[tilespmem:v9+s19+$0x0] =	vst.idx.add.f32.msk vm11, v12;
	v12 =	vmul.f32 v33, v21  }
0x3f7: {  	s28 =	simm.s32 $0xB0;
	v53 =	vmov s31;
	v38 =	vmov s26;
	v52 =	vld.idx.msk [tilespmem:v28+s15+$0x0], $0xffff;
	v9 =	vor.u32 $0x1, v9  }
0x3f8: {  	v43 =	vmov s28;
	vm2 =	vlt.u32 v38, v0;
	[tilespmem:v8+s19+$0x0] =	vst.idx.add.f32.msk vm12, v12;
	v8 =	vor.u32 $0x1, v8  }
0x3f9: {  	s30 =	simm.s32 $0xD0;
	vm3 =	vlt.u32 v53, v0;
	v7 =	vshll.u32 v7, $0x1;
	vm13 =	vlt.u32 v43, v0;
	v56 =	vld.idx.msk [tilespmem:v29+s15+$0x0], $0xffff  }
0x3fa: {  	v50 =	vmov s30;
	v19 =	vmul.f32 v20, v19;
	[tilespmem:v10+s19+$0x0] =	vst.idx.add.f32.msk vm10, v14;
	v10 =	vmul.f32 v34, v36  }
0x3fb: {  	v6 =	vshll.u32 v6, $0x1;
	vm15 =	vlt.u32 v50, v0;
	v15 =	vld.idx.msk [tilespmem:v28+s16+$0x0], $0xffff;
	v11 =	vmul.f32 v11, v21  }
0x3fc: {  	v2 =	vshll.u32 v2, $0x1;
	v14 =	vmul.f32 v35, v42;
	[tilespmem:v9+s19+$0x0] =	vst.idx.add.f32.msk vm11, v19;
	v9 =	vmul.f32 v37, v10  }
0x3fd: {  	v4 =	vshll.u32 v4, $0x1;
	v59 =	vmul.f32 v41, v47;
	[tilespmem:v8+s19+$0x0] =	vst.idx.add.f32.msk vm12, v11  }
0x3fe: {  	s29 =	simm.s32 $0xC0;
	[tilespmem:v7+s19+$0x0] =	vst.idx.add.f32.msk vm2, v9;
	v7 =	vor.u32 $0x1, v7;
	v9 =	vmul.f32 v44, v14;
	v11 =	vmul.f32 v40, v46  }
0x3ff: {  	v49 =	vmov s29;
	v57 =	vor.u32 $0x1, v4;
	v17 =	vld.idx.msk [tilespmem:v29+s16+$0x0], $0xffff;
	v63 =	vmul.f32 v56, v59  }
0x400: {  	vm14 =	vlt.u32 v49, v0;
	[tilespmem:v6+s19+$0x0] =	vst.idx.add.f32.msk vm13, v9;
	v6 =	vor.u32 $0x1, v6;
	v61 =	vmul.f32 v52, v11  }
0x401: {  	v5 =	vshll.u32 v5, $0x1;
	[tilespmem:v2+s19+$0x0] =	vst.idx.add.f32.msk vm3, v63;
	v10 =	vmul.f32 v16, v10  }
0x402: {  	v54 =	vor.u32 $0x1, v5;
	v8 =	vmul.f32 v39, v45;
	v62 =	vmul.f32 v15, v11;
	[tilespmem:v4+s19+$0x0] =	vst.idx.add.f32.msk vm15, v61  }
0x403: {  	v60 =	vor.u32 $0x1, v2;
	v55 =	vmul.f32 v18, v14;
	[tilespmem:v7+s19+$0x0] =	vst.idx.add.f32.msk vm2, v10  }
0x404: {  	v7 =	vmul.f32 v48, v8;
	[tilespmem:v57+s19+$0x0] =	vst.idx.add.f32.msk vm15, v62  }
0x405: {  	v58 =	vmul.f32 v51, v8;
	[tilespmem:v6+s19+$0x0] =	vst.idx.add.f32.msk vm13, v55  }
0x406: {  	[tilespmem:v5+s19+$0x0] =	vst.idx.add.f32.msk vm14, v7;
	v5 =	vmul.f32 v17, v59  }
0x407: {  	[tilespmem:v54+s19+$0x0] =	vst.idx.add.f32.msk vm14, v58  }
0x408: {  	s3 =	simm.s32 $0x300;
	s2 =	simm.s32 $0x0;
	[tilespmem:v60+s19+$0x0] =	vst.idx.add.f32.msk vm3, v5  }
.LBB2_18:
0x409: {  	v14 =	vld [tilespmem:s3+$0xF0]  }
0x40a: {  	v2 =	vld [tilespmem:s3+$0xFFFFFF80]  }
0x40b: {  	v13 =	vld [tilespmem:s3+$0x70]  }
0x40c: {  	v35 =	vld [tilespmem:s3+$0xFFFFFF90]  }
0x40d: {  	v36 =	vld [tilespmem:s3+$0xFFFFFFA0]  }
0x40e: {  	v37 =	vld [tilespmem:s3+$0xFFFFFFB0]  }
0x40f: {  	v38 =	vld [tilespmem:s3+$0xFFFFFFC0]  }
0x410: {  	v40 =	vld [tilespmem:s3+$0xFFFFFFD0]  }
0x411: {  	v52 =	vld [tilespmem:s3+$0xFFFFFFE0]  }
0x412: {  	v53 =	vld [tilespmem:s3+$0xFFFFFFF0]  }
0x413: {  	v54 =	vld [tilespmem:s3+$0x80]  }
0x414: {  	v55 =	vld [tilespmem:s3+$0x90]  }
0x415: {  	v56 =	vld [tilespmem:s3+$0xA0]  }
0x416: {  	v57 =	vld [tilespmem:s3+$0xB0]  }
0x417: {  	v59 =	vld [tilespmem:s3+$0xC0]  }
0x418: {  	v61 =	vld [tilespmem:s3+$0xD0]  }
0x419: {  	v5 =	vld [tilespmem:s3+$0xFFFFFF10]  }
0x41a: {  	v51 =	vld [tilespmem:s3+$0xFFFFFF20]  }
0x41b: {  	v50 =	vld [tilespmem:s3+$0xFFFFFF30]  }
0x41c: {  	v49 =	vld [tilespmem:s3+$0xFFFFFF40]  }
0x41d: {  	s1 =	sadd.s32 $0x100, s1;
	v48 =	vld [tilespmem:s3+$0xFFFFFF50]  }
0x41e: {  	v47 =	vld [tilespmem:s3+$0xFFFFFF60];
	s4 =	sadd.s32 $0xFFFFFF20, s1  }
0x41f: {  	s0 =	sadd.s32 $0x100, s0;
	v46 =	vld [tilespmem:s3+$0xFFFFFF70];
	s5 =	sadd.s32 $0xFFFFFF30, s1;
	s6 =	sadd.s32 $0xFFFFFF40, s1;
	v18 =	vmov s1;
	v26 =	vmov s4  }
0x420: {  	v16 =	vld [tilespmem:s0+$0x70];
	s25 =	sadd.s32 $0xFFFFFF50, s1;
	s7 =	sadd.s32 $0xFFFFFF60, s1;
	s11 =	sadd.s32 $0xFFFFFFD0, s1;
	vm0 =	vlt.u32 v18, v0;
	v27 =	vmov s5;
	v29 =	vmov s6  }
0x421: {  	s8 =	sadd.s32 $0xFFFFFF70, s1;
	s10 =	sadd.s32 $0xFFFFFFC0, s1;
	v4 =	vld [tilespmem:s0+$0xFFFFFF80];
	v30 =	vmov s25;
	v32 =	vmov s7;
	v45 =	vmov s11  }
0x422: {  	s26 =	sadd.s32 $0xFFFFFF80, s1;
	s29 =	sadd.s32 $0xFFFFFFB0, s1;
	v33 =	vmov s8;
	v44 =	vmov s10;
	vm2 =	vlt.u32 v45, v0;
	v45 =	vld [tilespmem:s3+$0x0]  }
0x423: {  	s9 =	sadd.s32 $0xFFFFFFA0, s1;
	s12 =	sadd.s32 $0xFFFFFF10, s1;
	v34 =	vmov s26;
	v43 =	vmov s29;
	vm3 =	vlt.u32 v44, v0;
	v44 =	vld [tilespmem:s3+$0x10]  }
0x424: {  	s28 =	sadd.s32 $0xFFFFFF90, s1;
	s30 =	sadd.s32 $0xFFFFFFE0, s1;
	v39 =	vmov s12;
	v42 =	vmov s9;
	vm4 =	vlt.u32 v43, v0;
	v43 =	vld [tilespmem:s3+$0x20]  }
0x425: {  	s31 =	sadd.s32 $0xFFFFFFF0, s1;
	v41 =	vmov s28;
	v58 =	vmov s30;
	vm6 =	vlt.u32 v42, v0;
	v42 =	vld [tilespmem:s3+$0x30]  }
0x426: {  	v60 =	vmov s31;
	vm14 =	vlt.u32 v39, v0;
	vm5 =	vlt.u32 v41, v0;
	v41 =	vld [tilespmem:s3+$0x40]  }
0x427: {  	vm13 =	vlt.u32 v26, v0;
	vm12 =	vlt.u32 v27, v0;
	vm11 =	vlt.u32 v29, v0;
	v39 =	vld [tilespmem:s3+$0x50]  }
0x428: {  	vm7 =	vlt.u32 v30, v0;
	vm8 =	vlt.u32 v32, v0;
	vm10 =	vlt.u32 v34, v0;
	v34 =	vld [tilespmem:s3+$0x60]  }
0x429: {  	v8 =	vmovc v0;
	vm9 =	vlt.u32 v33, v0;
	vm1 =	vlt.u32 v58, v0;
	vm15 =	vlt.u32 v60, v0;
	v0 =	vld [tilespmem:s0+$0xFFFFFFB0]  }
0x42a: {  	v15 =	vld.idx.msk [tilespmem:v14+s13+$0x0], $0xffff  }
0x42b: {  	v17 =	vld.idx.msk [tilespmem:v13+s15+$0x0], $0xffff  }
0x42c: {  	v19 =	vld.idx.msk [tilespmem:v13+s16+$0x0], $0xffff  }
0x42d: {  	v3 =	vld.idx.msk [tilespmem:v2+s13+$0x0], $0xffff  }
0x42e: {  	v9 =	vshll.u32 v35, $0x1;
	v35 =	vld.idx.msk [tilespmem:v35+s13+$0x0], $0xffff  }
0x42f: {  	v6 =	vshll.u32 v36, $0x1;
	v36 =	vld.idx.msk [tilespmem:v36+s13+$0x0], $0xffff  }
0x430: {  	v10 =	vshll.u32 v37, $0x1;
	v37 =	vld.idx.msk [tilespmem:v37+s13+$0x0], $0xffff  }
0x431: {  	v11 =	vshll.u32 v38, $0x1;
	v38 =	vld.idx.msk [tilespmem:v38+s13+$0x0], $0xffff  }
0x432: {  	v13 =	vshll.u32 v40, $0x1;
	v40 =	vld.idx.msk [tilespmem:v40+s13+$0x0], $0xffff  }
0x433: {  	v62 =	vshll.u32 v14, $0x1;
	v14 =	vshll.u32 v52, $0x1;
	v52 =	vld.idx.msk [tilespmem:v52+s13+$0x0], $0xffff  }
0x434: {  	v18 =	vshll.u32 v56, $0x1;
	v56 =	vld.idx.msk [tilespmem:v56+s13+$0x0], $0xffff  }
0x435: {  	v7 =	vshll.u32 v2, $0x1;
	v58 =	vld.idx.msk [tilespmem:v59+s13+$0x0], $0xffff  }
0x436: {  	v26 =	vshll.u32 v59, $0x1;
	v1 =	vor.u32 $0x1, v7;
	v59 =	vld.idx.msk [tilespmem:v61+s13+$0x0], $0xffff;
	v15 =	vmul.f32 v15, v16  }
0x437: {  	[tilespmem:$0x1FE40] =	vst v1;
	v1 =	vor.u32 $0x1, v9;
	v2 =	vld [tilespmem:s0+$0xFFFFFFC0]  }
0x438: {  	v27 =	vshll.u32 v61, $0x1;
	[tilespmem:$0x1FE50] =	vst v1;
	v1 =	vor.u32 $0x1, v6;
	v61 =	vld [tilespmem:s0+$0xFFFFFFD0];
	v16 =	vmul.f32 v17, v15  }
0x439: {  	[tilespmem:$0x1FE60] =	vst v1;
	v1 =	vld [tilespmem:s0+$0xFFFFFFA0]  }
0x43a: {  	[tilespmem:v62+s19+$0x0] =	vst.idx.add.f32.msk vm0, v16  }
0x43b: {  	v20 =	vor.u32 $0x1, v62;
	v62 =	vld [tilespmem:s3+$0xE0]  }
0x43c: {  	v3 =	vmul.f32 v3, v4;
	v4 =	vmul.f32 v37, v0;
	v37 =	vld [tilespmem:s0+$0x0]  }
0x43d: {  	v2 =	vmul.f32 v38, v2;
	v38 =	vld [tilespmem:s0+$0x10]  }
0x43e: {  	v40 =	vmul.f32 v40, v61;
	v61 =	vld [tilespmem:s0+$0x20]  }
0x43f: {  	v1 =	vmul.f32 v36, v1;
	v36 =	vld [tilespmem:s0+$0xFFFFFFF0]  }
0x440: {  	v63 =	vmul.f32 v19, v15;
	v15 =	vshll.u32 v53, $0x1;
	v53 =	vld.idx.msk [tilespmem:v53+s13+$0x0], $0xffff  }
0x441: {  	v17 =	vshll.u32 v55, $0x1;
	v55 =	vld.idx.msk [tilespmem:v55+s13+$0x0], $0xffff  }
0x442: {  	v16 =	vshll.u32 v54, $0x1;
	v54 =	vld.idx.msk [tilespmem:v54+s13+$0x0], $0xffff  }
0x443: {  	v60 =	vld.idx.msk [tilespmem:v62+s13+$0x0], $0xffff  }
0x444: {  	v30 =	vshll.u32 v62, $0x1;
	v62 =	vld [tilespmem:s0+$0xFFFFFF90]  }
0x445: {  	[tilespmem:v20+s19+$0x0] =	vst.idx.add.f32.msk vm0, v63  }
0x446: {  	v63 =	vld [tilespmem:s3+$0xFFFFFF00]  }
0x447: {  	v36 =	vmul.f32 v53, v36;
	v53 =	vld [tilespmem:s0+$0x40]  }
0x448: {  	v19 =	vshll.u32 v57, $0x1;
	v57 =	vld.idx.msk [tilespmem:v57+s13+$0x0], $0xffff  }
0x449: {  	v35 =	vmul.f32 v35, v62;
	v62 =	vld [tilespmem:s0+$0xFFFFFFE0]  }
0x44a: {  	v38 =	vmul.f32 v55, v38;
	v55 =	vld [tilespmem:s0+$0x60]  }
0x44b: {  	v37 =	vmul.f32 v54, v37;
	v54 =	vld [tilespmem:s0+$0x50]  }
0x44c: {  	v53 =	vmul.f32 v58, v53;
	v58 =	vld.idx.msk [tilespmem:v51+s15+$0x0], $0xffff  }
0x44d: {  	v51 =	vld.idx.msk [tilespmem:v51+s16+$0x0], $0xffff  }
0x44e: {  	v52 =	vmul.f32 v52, v62;
	v62 =	vld [tilespmem:s0+$0x30]  }
0x44f: {  	v0 =	vld.idx.msk [tilespmem:v63+s15+$0x0], $0xffff  }
0x450: {  	v56 =	vmul.f32 v56, v61;
	v61 =	vld.idx.msk [tilespmem:v63+s16+$0x0], $0xffff  }
0x451: {  	v63 =	vld.idx.msk [tilespmem:v34+s15+$0x0], $0xffff  }
0x452: {  	v34 =	vld.idx.msk [tilespmem:v34+s16+$0x0], $0xffff  }
0x453: {  	v57 =	vmul.f32 v57, v62;
	v62 =	vld.idx.msk [tilespmem:v5+s15+$0x0], $0xffff  }
0x454: {  	v5 =	vld.idx.msk [tilespmem:v5+s16+$0x0], $0xffff  }
0x455: {  	v54 =	vmul.f32 v59, v54;
	v59 =	vld.idx.msk [tilespmem:v50+s15+$0x0], $0xffff  }
0x456: {  	v50 =	vld.idx.msk [tilespmem:v50+s16+$0x0], $0xffff;
	v0 =	vmul.f32 v0, v3  }
0x457: {  	v3 =	vmul.f32 v61, v3;
	v61 =	vld.idx.msk [tilespmem:v49+s15+$0x0], $0xffff  }
0x458: {  	v55 =	vmul.f32 v60, v55;
	[tilespmem:v7+s19+$0x0] =	vst.idx.add.f32.msk vm14, v0  }
0x459: {  	v60 =	vmul.f32 v62, v35;
	v5 =	vmul.f32 v5, v35;
	v35 =	vld.idx.msk [tilespmem:v49+s16+$0x0], $0xffff  }
0x45a: {  	v49 =	vmul.f32 v58, v1;
	v58 =	vld.idx.msk [tilespmem:v48+s15+$0x0], $0xffff  }
0x45b: {  	v48 =	vld.idx.msk [tilespmem:v48+s16+$0x0], $0xffff  }
0x45c: {  	v1 =	vmul.f32 v51, v1;
	v51 =	vmul.f32 v59, v4;
	v59 =	vld.idx.msk [tilespmem:v47+s15+$0x0], $0xffff  }
0x45d: {  	v47 =	vld.idx.msk [tilespmem:v47+s16+$0x0], $0xffff  }
0x45e: {  	v4 =	vmul.f32 v50, v4;
	v50 =	vmul.f32 v61, v2;
	v61 =	vld.idx.msk [tilespmem:v46+s15+$0x0], $0xffff  }
0x45f: {  	v62 =	vmul.f32 v63, v55;
	v63 =	vld [tilespmem:$0x1FE60]  }
0x460: {  	[tilespmem:v9+s19+$0x0] =	vst.idx.add.f32.msk vm13, v60  }
0x461: {  	v12 =	vor.u32 $0x1, v10;
	v60 =	vld [tilespmem:$0x1FE50]  }
0x462: {  	[tilespmem:v6+s19+$0x0] =	vst.idx.add.f32.msk vm12, v49  }
0x463: {  	[tilespmem:v10+s19+$0x0] =	vst.idx.add.f32.msk vm11, v51  }
0x464: {  	[tilespmem:v11+s19+$0x0] =	vst.idx.add.f32.msk vm7, v50  }
0x465: {  	[tilespmem:v30+s19+$0x0] =	vst.idx.add.f32.msk vm15, v62  }
0x466: {  	[tilespmem:v12+s19+$0x0] =	vst.idx.add.f32.msk vm11, v4  }
0x467: {  	v2 =	vmul.f32 v35, v2;
	v35 =	vld.idx.msk [tilespmem:v46+s16+$0x0], $0xffff  }
0x468: {  	v28 =	vor.u32 $0x1, v11;
	v46 =	vmul.f32 v58, v40;
	v58 =	vld.idx.msk [tilespmem:v45+s15+$0x0], $0xffff  }
0x469: {  	v45 =	vld.idx.msk [tilespmem:v45+s16+$0x0], $0xffff  }
0x46a: {  	v40 =	vmul.f32 v48, v40;
	v48 =	vmul.f32 v59, v52;
	v59 =	vld.idx.msk [tilespmem:v44+s15+$0x0], $0xffff  }
0x46b: {  	v44 =	vld.idx.msk [tilespmem:v44+s16+$0x0], $0xffff  }
0x46c: {  	v47 =	vmul.f32 v47, v52;
	v52 =	vmul.f32 v61, v36;
	v61 =	vld.idx.msk [tilespmem:v43+s15+$0x0], $0xffff  }
0x46d: {  	v31 =	vor.u32 $0x1, v13;
	[tilespmem:v28+s19+$0x0] =	vst.idx.add.f32.msk vm7, v2  }
0x46e: {  	v24 =	vor.u32 $0x1, v14;
	[tilespmem:v13+s19+$0x0] =	vst.idx.add.f32.msk vm8, v46  }
0x46f: {  	[tilespmem:v14+s19+$0x0] =	vst.idx.add.f32.msk vm9, v48  }
0x470: {  	[tilespmem:v15+s19+$0x0] =	vst.idx.add.f32.msk vm10, v52  }
0x471: {  	[tilespmem:v63+s19+$0x0] =	vst.idx.add.f32.msk vm12, v1  }
0x472: {  	[tilespmem:v31+s19+$0x0] =	vst.idx.add.f32.msk vm8, v40  }
0x473: {  	[tilespmem:v24+s19+$0x0] =	vst.idx.add.f32.msk vm9, v47  }
0x474: {  	v35 =	vmul.f32 v35, v36;
	v36 =	vld.idx.msk [tilespmem:v43+s16+$0x0], $0xffff  }
0x475: {  	v43 =	vmul.f32 v58, v37;
	v58 =	vld.idx.msk [tilespmem:v42+s15+$0x0], $0xffff  }
0x476: {  	v42 =	vld.idx.msk [tilespmem:v42+s16+$0x0], $0xffff  }
0x477: {  	v33 =	vor.u32 $0x1, v30;
	v37 =	vmul.f32 v45, v37;
	v45 =	vmul.f32 v59, v38;
	v59 =	vld.idx.msk [tilespmem:v41+s15+$0x0], $0xffff  }
0x478: {  	v25 =	vor.u32 $0x1, v15;
	v41 =	vld.idx.msk [tilespmem:v41+s16+$0x0], $0xffff  }
0x479: {  	v38 =	vmul.f32 v44, v38;
	v44 =	vmul.f32 v61, v56;
	v61 =	vld.idx.msk [tilespmem:v39+s15+$0x0], $0xffff  }
0x47a: {  	v1 =	vmul.f32 v34, v55;
	v39 =	vld.idx.msk [tilespmem:v39+s16+$0x0], $0xffff  }
0x47b: {  	[tilespmem:v60+s19+$0x0] =	vst.idx.add.f32.msk vm13, v5  }
0x47c: {  	[tilespmem:v33+s19+$0x0] =	vst.idx.add.f32.msk vm15, v1  }
0x47d: {  	v22 =	vor.u32 $0x1, v16;
	[tilespmem:v25+s19+$0x0] =	vst.idx.add.f32.msk vm10, v35  }
0x47e: {  	v23 =	vor.u32 $0x1, v17;
	[tilespmem:v16+s19+$0x0] =	vst.idx.add.f32.msk vm5, v43  }
0x47f: {  	v21 =	vor.u32 $0x1, v18;
	[tilespmem:v17+s19+$0x0] =	vst.idx.add.f32.msk vm6, v45  }
0x480: {  	[tilespmem:v18+s19+$0x0] =	vst.idx.add.f32.msk vm4, v44;
	v36 =	vmul.f32 v36, v56  }
0x481: {  	v56 =	vmul.f32 v58, v57;
	v42 =	vmul.f32 v42, v57;
	v57 =	vld [tilespmem:$0x1FE40]  }
0x482: {  	[tilespmem:v22+s19+$0x0] =	vst.idx.add.f32.msk vm5, v37  }
0x483: {  	v20 =	vor.u32 $0x1, v19;
	[tilespmem:v23+s19+$0x0] =	vst.idx.add.f32.msk vm6, v38  }
0x484: {  	v0 =	vmul.f32 v59, v53;
	[tilespmem:v21+s19+$0x0] =	vst.idx.add.f32.msk vm4, v36  }
0x485: {  	s2 =	sadd.s32 $0x10, s2;
	v32 =	vor.u32 $0x1, v27;
	v59 =	vmul.f32 v61, v54;
	[tilespmem:v19+s19+$0x0] =	vst.idx.add.f32.msk vm3, v56  }
0x486: {  	p1 =	slt.u32 s2, $0x270;
	v29 =	vor.u32 $0x1, v26;
	[tilespmem:v26+s19+$0x0] =	vst.idx.add.f32.msk vm2, v0  }
.Ltmp8:
0x487: {  	[tilespmem:v27+s19+$0x0] =	vst.idx.add.f32.msk vm1, v59;
	(pc) =	sbr.rel @p1 .LBB2_18-.Ltmp8, $4  }
0x488: {  	v61 =	vmul.f32 v39, v54;
	[tilespmem:v20+s19+$0x0] =	vst.idx.add.f32.msk vm3, v42  }
0x489: {  	[tilespmem:v57+s19+$0x0] =	vst.idx.add.f32.msk vm14, v3;
	v3 =	vmul.f32 v41, v53  }
0x48a: {  	[tilespmem:v32+s19+$0x0] =	vst.idx.add.f32.msk vm1, v61  }
0x48b: {  	s3 =	sadd.s32 $0x200, s3;
	v0 =	vmov v8;
	[tilespmem:v29+s19+$0x0] =	vst.idx.add.f32.msk vm2, v3  }
0x48c: {  	s0 =	sld [smem:$0x7FC];
	_ =	sdelay $0x1  }
0x48d: {  	s11 =	simm.s32 $0x80;
	s12 =	simm.s32 $0x400  }
0x48e: {  	[hbm4b:s0+s11] =	stream.strided.scatter [tilespmem:s19], [sflag:$0x2], $0x4E80, s12, s11, $0x38;
	[tilespmem:$0x1A300] =	vst v63  }
0x48f: {  	_ =	swait.ge [sflag:s14], $0x4E80  }
0x490: {  	s1 =	sld [smem:$0x7F7]  }
0x491: {  	s31 =	sld [smem:$0x7FD];
	_ =	sdelay $0x1  }
0x492: {  	s1 =	sadd.s32 $0x1, s1  }
0x493: {  	p1 =	sne.s32 s1, s31  }
.Ltmp9:
0x494: {  	_ = 	snop;
	(pc) =	sbr.rel @p1 .LBB2_1-.Ltmp9, $3  }
0x495: {  	_ =	sdelay $0x1  }
0x496: {  	[sflag:s14] =	ssyncset.done $0x0  }
0x497: {  	s9 =	simm.s32 $0x5000;
	s10 =	simm.s32 $0x1;
	v1 =	vimm.f32 $0.0e+00;
	[sflag:s14] =	ssyncadd.s32 $0xFFFFB180  }
0x498: {  	_ =	sfence.sel $0x180000  }
0x499: {  	[bflag:$0x0] =	sbarrier.arrive $0xFFFF  }
0x49a: {  	_ =	strace $0x90000047  }
0x49b: {  	s0 =	stileid.u32;
	[bflag:$0x2] =	sbarrier.arrive $0xFFFF  }
0x49c: {  	p0 =	sne.s32 s0, $0x0;
	s0 =	rddreg [dreg:$0x8]  }
0x49d: {  	s0 =	sadd.s32 @!p0 $0x100000, s0  }
0x49e: {  	[sflag:s0] =	ssyncadd.tile.s32 @!p0 $0x1;
	_ =	shalt  }
.Lfunc_end2:
_tile_overlayer_lowered:
.L_overlay_start_2:
0x49f: {  	(tag) =	ssettag $0x2  }
0x4a0: {  	s0 =	rddreg [dreg:$0x0];
	s2 =	stileid.u32  }
0x4a1: {  	s1 =	rddreg [dreg:$0x1];
	p0 =	sne.s32 s2, $0x0  }
0x4a2: {  	s3 =	rddreg [dreg:$0x2];
	[bflag:$0x3] =	sbarrier.arrive $0xFFFF;
	s2 =	simm.s32 @!p0 $0x1C02  }
0x4a3: {  	[timem:s3], [sflag:s2] =	dma.local @!p0 [hbm:s0], s1  }
0x4a4: {  	s0 =	simm.s32 @!p0 $0x2  }
0x4a5: {  	_ =	swait.ge @!p0 [sflag:s0], s1  }
0x4a6: {  	s1 =	ssub.s32 @!p0 $0x0, s1;
	[sflag:s0] =	ssyncset.done @!p0 $0x0  }
0x4a7: {  	[sflag:s0] =	ssyncadd.s32 @!p0 s1  }
0x4a8: {  	[bflag:$0x3] =	sbarrier.arrive $0xFFFF  }
0x4a9: {  	_ =	shalt  }

</sc_bundles>
